<compile_context>
chip_gen: v7x
topology: tpu7x:2x2x1
jax: 0.10.2.dev20260603
libtpu: 0.0.44.dev20260713+nightly
codegen_flags: <defaults>
</compile_context>

<pallas_src>
import functools

import jax
import jax.numpy as jnp
from jax import lax
from jax.experimental import pallas as pl
from jax.experimental.pallas import tpu as pltpu, tpu_sc as plsc

N = 10000
E = 320000
D = 128

NC = 2
NS = 16
NW = NC * NS

BLK = 125
CH = 20
NCH = 4
NP = 10240
RPT = NP // NS
ZB = 64
DW = 128

_mesh = plsc.VectorSubcoreMesh(core_axis_name="c", subcore_axis_name="s")



@functools.partial(
    pl.kernel,
    out_type=jax.ShapeDtypeStruct((NC, NP, DW), jnp.float32),
    mesh=_mesh,
    scratch_types=[
        pltpu.VMEM((CH, BLK), jnp.int32),
        pltpu.VMEM((BLK, DW), jnp.float32),
        pltpu.VMEM((BLK, DW), jnp.float32),
        pltpu.VMEM_SHARED((NP, DW), jnp.float32),
        pltpu.SemaphoreType.DMA,
    ],
)
def _sc_degree(dst_hbm, out_hbm, dstv, onesb, zb, acc, sem):
    c = lax.axis_index("c")
    s = lax.axis_index("s")
    wid = c * NS + s

    ones16 = jnp.full((16,), 1.0, jnp.float32)
    zero16 = jnp.zeros((16,), jnp.float32)

    def fill(i, carry):
        r = i // (DW // 16)
        t = i - r * (DW // 16)
        onesb[r, pl.ds(t * 16, 16)] = ones16
        zb[r, pl.ds(t * 16, 16)] = zero16
        return carry

    lax.fori_loop(0, BLK * (DW // 16), fill, 0)

    def zero_acc(i, carry):
        pltpu.sync_copy(zb.at[pl.ds(0, ZB)],
                        acc.at[pl.ds(s * RPT + i * ZB, ZB)])
        return carry

    lax.fori_loop(0, RPT // ZB, zero_acc, 0)
    plsc.subcore_barrier()

    def chunk(ch, carry):
        pltpu.sync_copy(dst_hbm.at[wid, ch], dstv)

        def blk(j, carry2):
            pltpu.async_copy(onesb, acc.at[dstv.at[j]], sem, add=True)
            return carry2

        lax.fori_loop(0, CH, blk, carry)

        def drain(j, carry2):
            pltpu.make_async_copy(onesb, acc.at[dstv.at[j]], sem).wait()
            return carry2

        return lax.fori_loop(0, CH, drain, carry)

    lax.fori_loop(0, NCH, chunk, 0)
    plsc.subcore_barrier()

    pltpu.sync_copy(acc.at[pl.ds(s * RPT, RPT)], out_hbm.at[c, pl.ds(s * RPT, RPT)])



@functools.partial(
    pl.kernel,
    out_type=jax.ShapeDtypeStruct((NC, NP, D), jnp.float32),
    mesh=_mesh,
    scratch_types=[
        pltpu.VMEM((CH, BLK), jnp.int32),
        pltpu.VMEM((CH, BLK), jnp.int32),
        pltpu.VMEM((BLK, D), jnp.float32),
        pltpu.VMEM((BLK, D), jnp.float32),
        pltpu.VMEM_SHARED((NP, D), jnp.float32),
        pltpu.SemaphoreType.DMA,
        pltpu.SemaphoreType.DMA,
    ],
)
def _sc_scatter(xs_hbm, src_hbm, dst_hbm, out_hbm, srcv, dstv, rows0, rows1,
                acc, sem0, sem1):
    c = lax.axis_index("c")
    s = lax.axis_index("s")
    wid = c * NS + s

    zero16 = jnp.zeros((16,), jnp.float32)

    def fill_zero(i, carry):
        r = i // (D // 16)
        t = i - r * (D // 16)
        rows0[r, pl.ds(t * 16, 16)] = zero16
        return carry

    lax.fori_loop(0, BLK * (D // 16), fill_zero, 0)

    def zero_acc(i, carry):
        pltpu.sync_copy(rows0.at[pl.ds(0, ZB)],
                        acc.at[pl.ds(s * RPT + i * ZB, ZB)])
        return carry

    lax.fori_loop(0, RPT // ZB, zero_acc, 0)
    plsc.subcore_barrier()

    def chunk(ch, carry):
        pltpu.sync_copy(src_hbm.at[wid, ch], srcv)
        pltpu.sync_copy(dst_hbm.at[wid, ch], dstv)
        pltpu.async_copy(xs_hbm.at[srcv.at[0]], rows0, sem0)

        def pair(i, carry2):
            j0 = 2 * i
            pltpu.async_copy(xs_hbm.at[srcv.at[j0 + 1]], rows1, sem1)
            pltpu.make_async_copy(xs_hbm.at[srcv.at[j0]], rows0, sem0).wait()
            pltpu.sync_copy(rows0, acc.at[dstv.at[j0]], add=True)
            pltpu.async_copy(xs_hbm.at[srcv.at[j0 + 2]], rows0, sem0)
            pltpu.make_async_copy(xs_hbm.at[srcv.at[j0 + 1]], rows1, sem1).wait()
            pltpu.sync_copy(rows1, acc.at[dstv.at[j0 + 1]], add=True)
            return carry2

        lax.fori_loop(0, CH // 2 - 1, pair, carry)
        pltpu.async_copy(xs_hbm.at[srcv.at[CH - 1]], rows1, sem1)
        pltpu.make_async_copy(xs_hbm.at[srcv.at[CH - 2]], rows0, sem0).wait()
        pltpu.sync_copy(rows0, acc.at[dstv.at[CH - 2]], add=True)
        pltpu.make_async_copy(xs_hbm.at[srcv.at[CH - 1]], rows1, sem1).wait()
        pltpu.sync_copy(rows1, acc.at[dstv.at[CH - 1]], add=True)
        return carry

    lax.fori_loop(0, NCH, chunk, 0)
    plsc.subcore_barrier()

    pltpu.sync_copy(acc.at[pl.ds(s * RPT, RPT)], out_hbm.at[c, pl.ds(s * RPT, RPT)])



def _mm(x, w):
    return lax.dot_general(x, w, (((1,), (1,)), ((), ())),
                           preferred_element_type=jnp.float32)


def _tc_mm1_body(x_ref, w1_ref, xw_ref):
    xw_ref[...] = _mm(x_ref[...], w1_ref[...])


def _tc_mm1(x, w1):
    return pl.pallas_call(
        _tc_mm1_body,
        out_shape=jax.ShapeDtypeStruct((N, D), jnp.float32),
    )(x, w1)


def _tc_prep_body(xw_ref, parts_ref, xs1_ref, dis_ref):
    deg = parts_ref[0, 0:N, 0:1] + parts_ref[1, 0:N, 0:1] + 1.0
    dis = lax.rsqrt(deg)
    dis_ref[...] = dis
    xs1_ref[...] = xw_ref[...] * dis


def _tc_prep(xw, parts):
    return pl.pallas_call(
        _tc_prep_body,
        out_shape=(
            jax.ShapeDtypeStruct((N, D), jnp.float32),
            jax.ShapeDtypeStruct((N, 1), jnp.float32),
        ),
    )(xw, parts)


def _bn_prelu(t, g, be, av):
    m = jnp.mean(t, axis=0, keepdims=True)
    v = jnp.mean((t - m) * (t - m), axis=0, keepdims=True)
    tn = (t - m) * lax.rsqrt(v + 1e-5) * g + be
    return jnp.where(tn >= 0, tn, av * tn)


def _tc_mid_body(acc_ref, xs1_ref, dis_ref, b1_ref, g1_ref, be1_ref, w2_ref,
                 a_ref, xs2_ref):
    dis = dis_ref[...]
    t = (acc_ref[0, 0:N] + acc_ref[1, 0:N] + xs1_ref[...]) * dis + b1_ref[...]
    h = _bn_prelu(t, g1_ref[...], be1_ref[...], a_ref[0, 0])
    xs2_ref[...] = _mm(h, w2_ref[...]) * dis


def _tc_mid(acc, xs1, dis, b1, g1, be1, w2, a):
    return pl.pallas_call(
        _tc_mid_body,
        out_shape=jax.ShapeDtypeStruct((N, D), jnp.float32),
    )(acc, xs1, dis, b1, g1, be1, w2, a)


def _tc_final_body(acc_ref, xs2_ref, dis_ref, b2_ref, g2_ref, be2_ref, a_ref,
                   out_ref):
    t = (acc_ref[0, 0:N] + acc_ref[1, 0:N] + xs2_ref[...]) * dis_ref[...] + b2_ref[...]
    out_ref[...] = _bn_prelu(t, g2_ref[...], be2_ref[...], a_ref[0, 0])


def _tc_final(acc, xs2, dis, b2, g2, be2, a):
    return pl.pallas_call(
        _tc_final_body,
        out_shape=jax.ShapeDtypeStruct((N, D), jnp.float32),
    )(acc, xs2, dis, b2, g2, be2, a)



def kernel(x, edge_index, W1, b1, g1, be1, W2, b2, g2, be2, a):
    ei = edge_index.astype(jnp.int32)
    src = ei[0].reshape(NW, NCH, CH, BLK)
    dst = ei[1].reshape(NW, NCH, CH, BLK)

    b1r = b1.reshape(1, D)
    g1r = g1.reshape(1, D)
    be1r = be1.reshape(1, D)
    b2r = b2.reshape(1, D)
    g2r = g2.reshape(1, D)
    be2r = be2.reshape(1, D)
    ar = jnp.asarray(a, jnp.float32).reshape(1, 1)

    deg_parts = _sc_degree(dst)
    xw1 = _tc_mm1(x, W1)
    xs1, dis = _tc_prep(xw1, deg_parts)
    acc1 = _sc_scatter(xs1, src, dst)
    xs2 = _tc_mid(acc1, xs1, dis, b1r, g1r, be1r, W2, ar)
    acc2 = _sc_scatter(xs2, src, dst)
    return _tc_final(acc2, xs2, dis, b2r, g2r, be2r, ar)

# --- scband reference (transcript-rebuilt; emitter-appended) ---
"""Pipeline reference for scband-gcn-82463372083253 (READ-ONLY COPY).

The authoritative reference and input builder live on the scoring server;
editing this copy changes nothing except your own understanding.
"""

import jax, jax.numpy as jnp
import numpy as np

N = 10000
E = 320000
D = 128


def setup_inputs(seed: int = 0) -> dict:
    key = jax.random.key(seed)
    ks = jax.random.split(key, 8)
    x = jax.random.normal(ks[0], (N, D), dtype=jnp.float32)
    edge_index = jax.random.randint(ks[1], (2, E), 0, N)
    s = 1.0 / np.sqrt(D)
    W1 = jax.random.uniform(ks[2], (D, D), minval=-s, maxval=s, dtype=jnp.float32)
    W2 = jax.random.uniform(ks[3], (D, D), minval=-s, maxval=s, dtype=jnp.float32)
    b1 = jnp.zeros((D,), jnp.float32)
    b2 = jnp.zeros((D,), jnp.float32)
    g1 = jnp.ones((D,), jnp.float32)
    be1 = jnp.zeros((D,), jnp.float32)
    g2 = jnp.ones((D,), jnp.float32)
    be2 = jnp.zeros((D,), jnp.float32)
    a = jnp.float32(0.25)
    return {"x": x, "edge_index": edge_index, "W1": W1, "b1": b1, "g1": g1,
            "be1": be1, "W2": W2, "b2": b2, "g2": g2, "be2": be2, "a": a}


def gcn_conv(x, src, dst, W, b):
    n = x.shape[0]
    xw = x @ W.T
    deg = jnp.zeros((n,), x.dtype).at[dst].add(1.0)
    dis = jnp.where(deg > 0, jax.lax.rsqrt(jnp.maximum(deg, 1e-12)), 0.0)
    norm = dis[src] * dis[dst]
    msg = jnp.take(xw, src, axis=0) * norm[:, None]
    out = jnp.zeros_like(xw).at[dst].add(msg)
    return out + b


def batch_norm(x, g, b, eps=1e-5):
    mean = jnp.mean(x, axis=0)
    var = jnp.var(x, axis=0)
    return (x - mean) * jax.lax.rsqrt(var + eps) * g + b


def prelu(x, a):
    return jnp.where(x >= 0, x, a * x)


def reference(x, edge_index, W1, b1, g1, be1, W2, b2, g2, be2, a):
    n = x.shape[0]
    loop = jnp.arange(n, dtype=edge_index.dtype)
    src = jnp.concatenate([edge_index[0], loop])
    dst = jnp.concatenate([edge_index[1], loop])
    h = gcn_conv(x, src, dst, W1, b1)
    h = prelu(batch_norm(h, g1, be1), a)
    h = gcn_conv(h, src, dst, W2, b2)
    h = prelu(batch_norm(h, g2, be2), a)
    return h

if __name__ == "__main__":
    import jax
    _d = setup_inputs()
    print(jax.jit(kernel)(*tuple(_d.values())))

</pallas_src>

<mosaic_0001>
#map = affine_map<(d0, d1) -> (0, 0)>
#map1 = affine_map<(d0, d1) -> (0, 0, 0, 0)>
#map2 = affine_map<(d0, d1) -> (0, 0, 0)>
module attributes {stable_mosaic.version = 14 : i64} {
  func.func @_sc_scatter(%arg0: i32, %arg1: i32, %arg2: memref<10000x128xf32, #tpu.memory_space<hbm>>, %arg3: memref<32x4x20x125xi32, #tpu.memory_space<hbm>>, %arg4: memref<32x4x20x125xi32, #tpu.memory_space<hbm>>, %arg5: memref<2x10240x128xf32, #tpu.memory_space<hbm>>, %arg6: memref<20x125xi32, #tpu.memory_space<vmem>>, %arg7: memref<20x125xi32, #tpu.memory_space<vmem>>, %arg8: memref<125x128xf32, #tpu.memory_space<vmem>>, %arg9: memref<125x128xf32, #tpu.memory_space<vmem>>, %arg10: memref<10240x128xf32, #tpu.memory_space<vmem_shared>>, %arg11: memref<!tpu.dma_semaphore, #tpu.memory_space<semaphore_mem>>, %arg12: memref<!tpu.dma_semaphore, #tpu.memory_space<semaphore_mem>>) attributes {dimension_semantics = [#tpu.dimension_semantics<core_parallel>, #tpu.dimension_semantics<subcore_parallel>], iteration_bounds = array<i64: 2, 16>, scalar_prefetch = 0 : i64, scratch_operands = 7 : i64, tpu.core_type = #tpu.core_type<sc_vector_subcore>, window_params = [{transform_indices = #map}, {transform_indices = #map1}, {transform_indices = #map1}, {transform_indices = #map2}]} {
    %mul3A = arith.constant 16 : i32
    %mul3A_0 = arith.muli %arg0, %mul3A : i32
    %add3A = arith.addi %mul3A_0, %arg1 : i32
    %broadcast_in_dim3A = arith.constant 0.000000e+00 : f32
    %broadcast_in_dim3A_1 = vector.broadcast %broadcast_in_dim3A : f32 to vector<16xf32>
    %scan3A = arith.constant 0 : i32
    %scan3A_2 = arith.constant 0 : i32
    %scan3A_3 = arith.constant 1000 : i32
    %scan3A_4 = arith.addi %scan3A_2, %scan3A_3 : i32
    %scan3A_5 = arith.constant 1 : i32
    scf.for %scan3A_24 = %scan3A_2 to %scan3A_4 step %scan3A_5  : i32 {
      %jit3A = arith.constant 8 : i32
      %div3A = arith.divsi %scan3A_24, %jit3A : i32
      %sign3A = arith.constant 0 : i32
      %sign3A_25 = arith.cmpi sgt, %scan3A_24, %sign3A : i32
      %sign3A_26 = arith.extui %sign3A_25 : i1 to i32
      %sign3A_27 = arith.constant 0 : i32
      %sign3A_28 = arith.cmpi slt, %scan3A_24, %sign3A_27 : i32
      %sign3A_29 = arith.extui %sign3A_28 : i1 to i32
      %sign3A_30 = arith.subi %sign3A_26, %sign3A_29 : i32
      %sign3A_31 = arith.constant 0 : i32
      %sign3A_32 = arith.cmpi sgt, %jit3A, %sign3A_31 : i32
      %sign3A_33 = arith.extui %sign3A_32 : i1 to i32
      %sign3A_34 = arith.constant 0 : i32
      %sign3A_35 = arith.cmpi slt, %jit3A, %sign3A_34 : i32
      %sign3A_36 = arith.extui %sign3A_35 : i1 to i32
      %sign3A_37 = arith.subi %sign3A_33, %sign3A_36 : i32
      %ne3A = arith.cmpi ne, %sign3A_30, %sign3A_37 : i32
      %rem3A = arith.remsi %scan3A_24, %jit3A : i32
      %ne3A_38 = arith.constant 0 : i32
      %ne3A_39 = arith.cmpi ne, %rem3A, %ne3A_38 : i32
      %and3A = arith.andi %ne3A, %ne3A_39 : i1
      %sub3A = arith.constant 1 : i32
      %sub3A_40 = arith.subi %div3A, %sub3A : i32
      %select_n3A = arith.select %and3A, %sub3A_40, %div3A : i32
      %mul3A_41 = arith.constant 8 : i32
      %mul3A_42 = arith.muli %select_n3A, %mul3A_41 : i32
      %sub3A_43 = arith.subi %scan3A_24, %mul3A_42 : i32
      %mul3A_44 = arith.constant 16 : i32
      %mul3A_45 = arith.muli %sub3A_43, %mul3A_44 : i32
      %swap3A = arith.index_cast %select_n3A : i32 to index
      %swap3A_46 = arith.index_cast %mul3A_45 : i32 to index
      %swap3A_47 = tpu.vector_load %arg8[%swap3A, %swap3A_46] {strides = array<i32>} : memref<125x128xf32, #tpu.memory_space<vmem>>, vector<1x16xf32>,
      %swap3A_48 = vector.shape_cast %swap3A_47 : vector<1x16xf32> to vector<16xf32>
      %swap3A_49 = vector.shape_cast %broadcast_in_dim3A_1 : vector<16xf32> to vector<1x16xf32>
      tpu.vector_store %arg8[%swap3A, %swap3A_46], %swap3A_49 {strides = array<i32>} : memref<125x128xf32, #tpu.memory_space<vmem>>, vector<1x16xf32>,
    }
    %scan3A_6 = arith.constant 1000 : i32
    %scan3A_7 = arith.constant 0 : i32
    %scan3A_8 = arith.constant 0 : i32
    %scan3A_9 = arith.constant 10 : i32
    %scan3A_10 = arith.addi %scan3A_8, %scan3A_9 : i32
    %scan3A_11 = arith.constant 1 : i32
    scf.for %scan3A_24 = %scan3A_8 to %scan3A_10 step %scan3A_11  : i32 {
      %mul3A_25 = arith.constant 640 : i32
      %mul3A_26 = arith.muli %arg1, %mul3A_25 : i32
      %mul3A_27 = arith.constant 64 : i32
      %mul3A_28 = arith.muli %scan3A_24, %mul3A_27 : i32
      %add3A_29 = arith.addi %mul3A_26, %mul3A_28 : i32
      "tpu.region"() ({
        %run_scoped3A = tpu.sem_alloc : memref<!tpu.dma_semaphore, #tpu.memory_space<semaphore_mem>>
        %dma_start3A = arith.constant 0 : i32
        %dma_start3A_30 = arith.constant 0 : i32
        %dma_start3A_31 = tpu.memref_slice %arg8[%dma_start3A, %dma_start3A_30] : memref<125x128xf32, #tpu.memory_space<vmem>> -> memref<64x128xf32, #tpu.memory_space<vmem>>
        %dma_start3A_32 = arith.constant 0 : i32
        %dma_start3A_33 = tpu.memref_slice %arg10[%add3A_29, %dma_start3A_32] : memref<10240x128xf32, #tpu.memory_space<vmem_shared>> -> memref<64x128xf32, #tpu.memory_space<vmem_shared>>
        %dma_start3A_34 = arith.constant 0 : i32
        %dma_start3A_35 = tpu.memref_slice %arg10[%add3A_29, %dma_start3A_34] : memref<10240x128xf32, #tpu.memory_space<vmem_shared>> -> memref<64x128xf32, #tpu.memory_space<vmem_shared>>
        %dma_start3A_36 = arith.constant 0 : i32
        %dma_start3A_37 = arith.constant 0 : i32
        %dma_start3A_38 = tpu.memref_slice %arg8[%dma_start3A_36, %dma_start3A_37] : memref<125x128xf32, #tpu.memory_space<vmem>> -> memref<64x128xf32, #tpu.memory_space<vmem>>
        tpu.enqueue_dma source(%dma_start3A_38 : memref<64x128xf32, #tpu.memory_space<vmem>>) target(%dma_start3A_35 : memref<64x128xf32, #tpu.memory_space<vmem_shared>>) target_semaphore(%run_scoped3A : memref<!tpu.dma_semaphore, #tpu.memory_space<semaphore_mem>>)
        %dma_wait3A = arith.constant 0 : i32
        %dma_wait3A_39 = arith.constant 0 : i32
        %dma_wait3A_40 = tpu.memref_slice %arg8[%dma_wait3A, %dma_wait3A_39] : memref<125x128xf32, #tpu.memory_space<vmem>> -> memref<64x128xf32, #tpu.memory_space<vmem>>
        %dma_wait3A_41 = arith.constant 0 : i32
        %dma_wait3A_42 = tpu.memref_slice %arg10[%add3A_29, %dma_wait3A_41] : memref<10240x128xf32, #tpu.memory_space<vmem_shared>> -> memref<64x128xf32, #tpu.memory_space<vmem_shared>>
        %dma_wait3A_43 = arith.constant 0 : i32
        %dma_wait3A_44 = tpu.memref_slice %arg10[%add3A_29, %dma_wait3A_43] : memref<10240x128xf32, #tpu.memory_space<vmem_shared>> -> memref<64x128xf32, #tpu.memory_space<vmem_shared>>
        %dma_wait3A_45 = arith.constant 0 : i32
        %dma_wait3A_46 = arith.constant 0 : i32
        %dma_wait3A_47 = tpu.memref_slice %arg8[%dma_wait3A_45, %dma_wait3A_46] : memref<125x128xf32, #tpu.memory_space<vmem>> -> memref<64x128xf32, #tpu.memory_space<vmem>>
        tpu.wait_dma2 semaphore(%run_scoped3A : memref<!tpu.dma_semaphore, #tpu.memory_space<semaphore_mem>>) src(%dma_wait3A_47 : memref<64x128xf32, #tpu.memory_space<vmem>>) dst(%dma_wait3A_44 : memref<64x128xf32, #tpu.memory_space<vmem_shared>>)
        tpu.yield
      }) : () -> ()
    }
    %scan3A_12 = arith.constant 10 : i32
    %barrier3A = arith.constant 0 : index
    tpu.barrier barrier_id(%barrier3A)
    %scan3A_13 = arith.constant 0 : i32
    %scan3A_14 = arith.constant 0 : i32
    %scan3A_15 = arith.constant 4 : i32
    %scan3A_16 = arith.addi %scan3A_14, %scan3A_15 : i32
    %scan3A_17 = arith.constant 1 : i32
    scf.for %scan3A_24 = %scan3A_14 to %scan3A_16 step %scan3A_17  : i32 {
      "tpu.region"() ({
        %run_scoped3A_57 = tpu.sem_alloc : memref<!tpu.dma_semaphore, #tpu.memory_space<semaphore_mem>>
        %dma_start3A_58 = arith.constant 0 : i32
        %dma_start3A_59 = arith.constant 0 : i32
        %dma_start3A_60 = tpu.memref_slice %arg3[%add3A, %scan3A_24, %dma_start3A_58, %dma_start3A_59] : memref<32x4x20x125xi32, #tpu.memory_space<hbm>> -> memref<1x1x20x125xi32, #tpu.memory_space<hbm>>
        %dma_start3A_61 = tpu.memref_squeeze %dma_start3A_60 : memref<1x1x20x125xi32, #tpu.memory_space<hbm>> -> memref<20x125xi32, #tpu.memory_space<hbm>>
        %dma_start3A_62 = arith.constant 0 : i32
        %dma_start3A_63 = arith.constant 0 : i32
        %dma_start3A_64 = tpu.memref_slice %arg3[%add3A, %scan3A_24, %dma_start3A_62, %dma_start3A_63] : memref<32x4x20x125xi32, #tpu.memory_space<hbm>> -> memref<1x1x20x125xi32, #tpu.memory_space<hbm>>
        %dma_start3A_65 = tpu.memref_squeeze %dma_start3A_64 : memref<1x1x20x125xi32, #tpu.memory_space<hbm>> -> memref<20x125xi32, #tpu.memory_space<hbm>>
        tpu.enqueue_dma source(%dma_start3A_65 : memref<20x125xi32, #tpu.memory_space<hbm>>) target(%arg6 : memref<20x125xi32, #tpu.memory_space<vmem>>) target_semaphore(%run_scoped3A_57 : memref<!tpu.dma_semaphore, #tpu.memory_space<semaphore_mem>>)
        %dma_wait3A_66 = arith.constant 0 : i32
        %dma_wait3A_67 = arith.constant 0 : i32
        %dma_wait3A_68 = tpu.memref_slice %arg3[%add3A, %scan3A_24, %dma_wait3A_66, %dma_wait3A_67] : memref<32x4x20x125xi32, #tpu.memory_space<hbm>> -> memref<1x1x20x125xi32, #tpu.memory_space<hbm>>
        %dma_wait3A_69 = tpu.memref_squeeze %dma_wait3A_68 : memref<1x1x20x125xi32, #tpu.memory_space<hbm>> -> memref<20x125xi32, #tpu.memory_space<hbm>>
        %dma_wait3A_70 = arith.constant 0 : i32
        %dma_wait3A_71 = arith.constant 0 : i32
        %dma_wait3A_72 = tpu.memref_slice %arg3[%add3A, %scan3A_24, %dma_wait3A_70, %dma_wait3A_71] : memref<32x4x20x125xi32, #tpu.memory_space<hbm>> -> memref<1x1x20x125xi32, #tpu.memory_space<hbm>>
        %dma_wait3A_73 = tpu.memref_squeeze %dma_wait3A_72 : memref<1x1x20x125xi32, #tpu.memory_space<hbm>> -> memref<20x125xi32, #tpu.memory_space<hbm>>
        tpu.wait_dma2 semaphore(%run_scoped3A_57 : memref<!tpu.dma_semaphore, #tpu.memory_space<semaphore_mem>>) src(%dma_wait3A_73 : memref<20x125xi32, #tpu.memory_space<hbm>>) dst(%arg6 : memref<20x125xi32, #tpu.memory_space<vmem>>)
        tpu.yield
      }) : () -> ()
      "tpu.region"() ({
        %run_scoped3A_57 = tpu.sem_alloc : memref<!tpu.dma_semaphore, #tpu.memory_space<semaphore_mem>>
        %dma_start3A_58 = arith.constant 0 : i32
        %dma_start3A_59 = arith.constant 0 : i32
        %dma_start3A_60 = tpu.memref_slice %arg4[%add3A, %scan3A_24, %dma_start3A_58, %dma_start3A_59] : memref<32x4x20x125xi32, #tpu.memory_space<hbm>> -> memref<1x1x20x125xi32, #tpu.memory_space<hbm>>
        %dma_start3A_61 = tpu.memref_squeeze %dma_start3A_60 : memref<1x1x20x125xi32, #tpu.memory_space<hbm>> -> memref<20x125xi32, #tpu.memory_space<hbm>>
        %dma_start3A_62 = arith.constant 0 : i32
        %dma_start3A_63 = arith.constant 0 : i32
        %dma_start3A_64 = tpu.memref_slice %arg4[%add3A, %scan3A_24, %dma_start3A_62, %dma_start3A_63] : memref<32x4x20x125xi32, #tpu.memory_space<hbm>> -> memref<1x1x20x125xi32, #tpu.memory_space<hbm>>
        %dma_start3A_65 = tpu.memref_squeeze %dma_start3A_64 : memref<1x1x20x125xi32, #tpu.memory_space<hbm>> -> memref<20x125xi32, #tpu.memory_space<hbm>>
        tpu.enqueue_dma source(%dma_start3A_65 : memref<20x125xi32, #tpu.memory_space<hbm>>) target(%arg7 : memref<20x125xi32, #tpu.memory_space<vmem>>) target_semaphore(%run_scoped3A_57 : memref<!tpu.dma_semaphore, #tpu.memory_space<semaphore_mem>>)
        %dma_wait3A_66 = arith.constant 0 : i32
        %dma_wait3A_67 = arith.constant 0 : i32
        %dma_wait3A_68 = tpu.memref_slice %arg4[%add3A, %scan3A_24, %dma_wait3A_66, %dma_wait3A_67] : memref<32x4x20x125xi32, #tpu.memory_space<hbm>> -> memref<1x1x20x125xi32, #tpu.memory_space<hbm>>
        %dma_wait3A_69 = tpu.memref_squeeze %dma_wait3A_68 : memref<1x1x20x125xi32, #tpu.memory_space<hbm>> -> memref<20x125xi32, #tpu.memory_space<hbm>>
        %dma_wait3A_70 = arith.constant 0 : i32
        %dma_wait3A_71 = arith.constant 0 : i32
        %dma_wait3A_72 = tpu.memref_slice %arg4[%add3A, %scan3A_24, %dma_wait3A_70, %dma_wait3A_71] : memref<32x4x20x125xi32, #tpu.memory_space<hbm>> -> memref<1x1x20x125xi32, #tpu.memory_space<hbm>>
        %dma_wait3A_73 = tpu.memref_squeeze %dma_wait3A_72 : memref<1x1x20x125xi32, #tpu.memory_space<hbm>> -> memref<20x125xi32, #tpu.memory_space<hbm>>
        tpu.wait_dma2 semaphore(%run_scoped3A_57 : memref<!tpu.dma_semaphore, #tpu.memory_space<semaphore_mem>>) src(%dma_wait3A_73 : memref<20x125xi32, #tpu.memory_space<hbm>>) dst(%arg7 : memref<20x125xi32, #tpu.memory_space<vmem>>)
        tpu.yield
      }) : () -> ()
      %dma_start3A = arith.constant 0 : i32
      %dma_start3A_25 = arith.constant 0 : i32
      %dma_start3A_26 = tpu.memref_slice %arg6[%dma_start3A, %dma_start3A_25] : memref<20x125xi32, #tpu.memory_space<vmem>> -> memref<1x125xi32, #tpu.memory_space<vmem>>
      %dma_start3A_27 = tpu.memref_squeeze %dma_start3A_26 : memref<1x125xi32, #tpu.memory_space<vmem>> -> memref<125xi32, #tpu.memory_space<vmem>>
      %dma_start3A_28 = arith.constant 0 : i32
      %dma_start3A_29 = arith.constant 0 : i32
      %dma_start3A_30 = tpu.memref_slice %arg2[%dma_start3A_28, %dma_start3A_29] : memref<10000x128xf32, #tpu.memory_space<hbm>> -> memref<10000x128xf32, #tpu.memory_space<hbm>>
      tpu.enqueue_indirect_dma source(%dma_start3A_30 : memref<10000x128xf32, #tpu.memory_space<hbm>>) target(%arg8 : memref<125x128xf32, #tpu.memory_space<vmem>>) offsets(%dma_start3A_27 : memref<125xi32, #tpu.memory_space<vmem>>) semaphore(%arg11 : memref<!tpu.dma_semaphore, #tpu.memory_space<semaphore_mem>>)
      %scan3A_31 = arith.constant 0 : i32
      %scan3A_32 = arith.constant 9 : i32
      %scan3A_33 = arith.addi %scan3A_31, %scan3A_32 : i32
      %scan3A_34 = arith.constant 1 : i32
      scf.for %scan3A_57 = %scan3A_31 to %scan3A_33 step %scan3A_34  : i32 {
        %mul3A_58 = arith.constant 2 : i32
        %mul3A_59 = arith.muli %mul3A_58, %scan3A_57 : i32
        %add3A_60 = arith.constant 1 : i32
        %add3A_61 = arith.addi %mul3A_59, %add3A_60 : i32
        %dma_start3A_62 = arith.constant 0 : i32
        %dma_start3A_63 = tpu.memref_slice %arg6[%add3A_61, %dma_start3A_62] : memref<20x125xi32, #tpu.memory_space<vmem>> -> memref<1x125xi32, #tpu.memory_space<vmem>>
        %dma_start3A_64 = tpu.memref_squeeze %dma_start3A_63 : memref<1x125xi32, #tpu.memory_space<vmem>> -> memref<125xi32, #tpu.memory_space<vmem>>
        %dma_start3A_65 = arith.constant 0 : i32
        %dma_start3A_66 = arith.constant 0 : i32
        %dma_start3A_67 = tpu.memref_slice %arg2[%dma_start3A_65, %dma_start3A_66] : memref<10000x128xf32, #tpu.memory_space<hbm>> -> memref<10000x128xf32, #tpu.memory_space<hbm>>
        tpu.enqueue_indirect_dma source(%dma_start3A_67 : memref<10000x128xf32, #tpu.memory_space<hbm>>) target(%arg9 : memref<125x128xf32, #tpu.memory_space<vmem>>) offsets(%dma_start3A_64 : memref<125xi32, #tpu.memory_space<vmem>>) semaphore(%arg12 : memref<!tpu.dma_semaphore, #tpu.memory_space<semaphore_mem>>)
        %dma_wait3A_68 = arith.constant 0 : i32
        %dma_wait3A_69 = tpu.memref_slice %arg6[%mul3A_59, %dma_wait3A_68] : memref<20x125xi32, #tpu.memory_space<vmem>> -> memref<1x125xi32, #tpu.memory_space<vmem>>
        %dma_wait3A_70 = tpu.memref_squeeze %dma_wait3A_69 : memref<1x125xi32, #tpu.memory_space<vmem>> -> memref<125xi32, #tpu.memory_space<vmem>>
        %dma_wait3A_71 = arith.constant 0 : i32
        %dma_wait3A_72 = arith.constant 0 : i32
        %dma_wait3A_73 = tpu.memref_slice %arg2[%dma_wait3A_71, %dma_wait3A_72] : memref<10000x128xf32, #tpu.memory_space<hbm>> -> memref<10000x128xf32, #tpu.memory_space<hbm>>
        tpu.wait_indirect_dma semaphore(%arg11 : memref<!tpu.dma_semaphore, #tpu.memory_space<semaphore_mem>>) src(%dma_wait3A_73 : memref<10000x128xf32, #tpu.memory_space<hbm>>) dst(%arg8 : memref<125x128xf32, #tpu.memory_space<vmem>>)
        "tpu.region"() ({
          %run_scoped3A_92 = tpu.sem_alloc : memref<!tpu.dma_semaphore, #tpu.memory_space<semaphore_mem>>
          %dma_start3A_93 = arith.constant 0 : i32
          %dma_start3A_94 = tpu.memref_slice %arg7[%mul3A_59, %dma_start3A_93] : memref<20x125xi32, #tpu.memory_space<vmem>> -> memref<1x125xi32, #tpu.memory_space<vmem>>
          %dma_start3A_95 = tpu.memref_squeeze %dma_start3A_94 : memref<1x125xi32, #tpu.memory_space<vmem>> -> memref<125xi32, #tpu.memory_space<vmem>>
          %dma_start3A_96 = arith.constant 0 : i32
          %dma_start3A_97 = arith.constant 0 : i32
          %dma_start3A_98 = tpu.memref_slice %arg10[%dma_start3A_96, %dma_start3A_97] : memref<10240x128xf32, #tpu.memory_space<vmem_shared>> -> memref<10240x128xf32, #tpu.memory_space<vmem_shared>>
          tpu.enqueue_indirect_dma source(%arg8 : memref<125x128xf32, #tpu.memory_space<vmem>>) target(%dma_start3A_98 : memref<10240x128xf32, #tpu.memory_space<vmem_shared>>) offsets(%dma_start3A_95 : memref<125xi32, #tpu.memory_space<vmem>>) semaphore(%run_scoped3A_92 : memref<!tpu.dma_semaphore, #tpu.memory_space<semaphore_mem>>) {add = true}
          %dma_wait3A_99 = arith.constant 0 : i32
          %dma_wait3A_100 = tpu.memref_slice %arg7[%mul3A_59, %dma_wait3A_99] : memref<20x125xi32, #tpu.memory_space<vmem>> -> memref<1x125xi32, #tpu.memory_space<vmem>>
          %dma_wait3A_101 = tpu.memref_squeeze %dma_wait3A_100 : memref<1x125xi32, #tpu.memory_space<vmem>> -> memref<125xi32, #tpu.memory_space<vmem>>
          %dma_wait3A_102 = arith.constant 0 : i32
          %dma_wait3A_103 = arith.constant 0 : i32
          %dma_wait3A_104 = tpu.memref_slice %arg10[%dma_wait3A_102, %dma_wait3A_103] : memref<10240x128xf32, #tpu.memory_space<vmem_shared>> -> memref<10240x128xf32, #tpu.memory_space<vmem_shared>>
          tpu.wait_indirect_dma semaphore(%run_scoped3A_92 : memref<!tpu.dma_semaphore, #tpu.memory_space<semaphore_mem>>) src(%arg8 : memref<125x128xf32, #tpu.memory_space<vmem>>) dst(%dma_wait3A_104 : memref<10240x128xf32, #tpu.memory_space<vmem_shared>>)
          tpu.yield
        }) : () -> ()
        %add3A_74 = arith.constant 2 : i32
        %add3A_75 = arith.addi %mul3A_59, %add3A_74 : i32
        %dma_start3A_76 = arith.constant 0 : i32
        %dma_start3A_77 = tpu.memref_slice %arg6[%add3A_75, %dma_start3A_76] : memref<20x125xi32, #tpu.memory_space<vmem>> -> memref<1x125xi32, #tpu.memory_space<vmem>>
        %dma_start3A_78 = tpu.memref_squeeze %dma_start3A_77 : memref<1x125xi32, #tpu.memory_space<vmem>> -> memref<125xi32, #tpu.memory_space<vmem>>
        %dma_start3A_79 = arith.constant 0 : i32
        %dma_start3A_80 = arith.constant 0 : i32
        %dma_start3A_81 = tpu.memref_slice %arg2[%dma_start3A_79, %dma_start3A_80] : memref<10000x128xf32, #tpu.memory_space<hbm>> -> memref<10000x128xf32, #tpu.memory_space<hbm>>
        tpu.enqueue_indirect_dma source(%dma_start3A_81 : memref<10000x128xf32, #tpu.memory_space<hbm>>) target(%arg8 : memref<125x128xf32, #tpu.memory_space<vmem>>) offsets(%dma_start3A_78 : memref<125xi32, #tpu.memory_space<vmem>>) semaphore(%arg11 : memref<!tpu.dma_semaphore, #tpu.memory_space<semaphore_mem>>)
        %add3A_82 = arith.constant 1 : i32
        %add3A_83 = arith.addi %mul3A_59, %add3A_82 : i32
        %dma_wait3A_84 = arith.constant 0 : i32
        %dma_wait3A_85 = tpu.memref_slice %arg6[%add3A_83, %dma_wait3A_84] : memref<20x125xi32, #tpu.memory_space<vmem>> -> memref<1x125xi32, #tpu.memory_space<vmem>>
        %dma_wait3A_86 = tpu.memref_squeeze %dma_wait3A_85 : memref<1x125xi32, #tpu.memory_space<vmem>> -> memref<125xi32, #tpu.memory_space<vmem>>
        %dma_wait3A_87 = arith.constant 0 : i32
        %dma_wait3A_88 = arith.constant 0 : i32
        %dma_wait3A_89 = tpu.memref_slice %arg2[%dma_wait3A_87, %dma_wait3A_88] : memref<10000x128xf32, #tpu.memory_space<hbm>> -> memref<10000x128xf32, #tpu.memory_space<hbm>>
        tpu.wait_indirect_dma semaphore(%arg12 : memref<!tpu.dma_semaphore, #tpu.memory_space<semaphore_mem>>) src(%dma_wait3A_89 : memref<10000x128xf32, #tpu.memory_space<hbm>>) dst(%arg9 : memref<125x128xf32, #tpu.memory_space<vmem>>)
        %add3A_90 = arith.constant 1 : i32
        %add3A_91 = arith.addi %mul3A_59, %add3A_90 : i32
        "tpu.region"() ({
          %run_scoped3A_92 = tpu.sem_alloc : memref<!tpu.dma_semaphore, #tpu.memory_space<semaphore_mem>>
          %dma_start3A_93 = arith.constant 0 : i32
          %dma_start3A_94 = tpu.memref_slice %arg7[%add3A_91, %dma_start3A_93] : memref<20x125xi32, #tpu.memory_space<vmem>> -> memref<1x125xi32, #tpu.memory_space<vmem>>
          %dma_start3A_95 = tpu.memref_squeeze %dma_start3A_94 : memref<1x125xi32, #tpu.memory_space<vmem>> -> memref<125xi32, #tpu.memory_space<vmem>>
          %dma_start3A_96 = arith.constant 0 : i32
          %dma_start3A_97 = arith.constant 0 : i32
          %dma_start3A_98 = tpu.memref_slice %arg10[%dma_start3A_96, %dma_start3A_97] : memref<10240x128xf32, #tpu.memory_space<vmem_shared>> -> memref<10240x128xf32, #tpu.memory_space<vmem_shared>>
          tpu.enqueue_indirect_dma source(%arg9 : memref<125x128xf32, #tpu.memory_space<vmem>>) target(%dma_start3A_98 : memref<10240x128xf32, #tpu.memory_space<vmem_shared>>) offsets(%dma_start3A_95 : memref<125xi32, #tpu.memory_space<vmem>>) semaphore(%run_scoped3A_92 : memref<!tpu.dma_semaphore, #tpu.memory_space<semaphore_mem>>) {add = true}
          %dma_wait3A_99 = arith.constant 0 : i32
          %dma_wait3A_100 = tpu.memref_slice %arg7[%add3A_91, %dma_wait3A_99] : memref<20x125xi32, #tpu.memory_space<vmem>> -> memref<1x125xi32, #tpu.memory_space<vmem>>
          %dma_wait3A_101 = tpu.memref_squeeze %dma_wait3A_100 : memref<1x125xi32, #tpu.memory_space<vmem>> -> memref<125xi32, #tpu.memory_space<vmem>>
          %dma_wait3A_102 = arith.constant 0 : i32
          %dma_wait3A_103 = arith.constant 0 : i32
          %dma_wait3A_104 = tpu.memref_slice %arg10[%dma_wait3A_102, %dma_wait3A_103] : memref<10240x128xf32, #tpu.memory_space<vmem_shared>> -> memref<10240x128xf32, #tpu.memory_space<vmem_shared>>
          tpu.wait_indirect_dma semaphore(%run_scoped3A_92 : memref<!tpu.dma_semaphore, #tpu.memory_space<semaphore_mem>>) src(%arg9 : memref<125x128xf32, #tpu.memory_space<vmem>>) dst(%dma_wait3A_104 : memref<10240x128xf32, #tpu.memory_space<vmem_shared>>)
          tpu.yield
        }) : () -> ()
      }
      %scan3A_35 = arith.constant 9 : i32
      %dma_start3A_36 = arith.constant 19 : i32
      %dma_start3A_37 = arith.constant 0 : i32
      %dma_start3A_38 = tpu.memref_slice %arg6[%dma_start3A_36, %dma_start3A_37] : memref<20x125xi32, #tpu.memory_space<vmem>> -> memref<1x125xi32, #tpu.memory_space<vmem>>
      %dma_start3A_39 = tpu.memref_squeeze %dma_start3A_38 : memref<1x125xi32, #tpu.memory_space<vmem>> -> memref<125xi32, #tpu.memory_space<vmem>>
      %dma_start3A_40 = arith.constant 0 : i32
      %dma_start3A_41 = arith.constant 0 : i32
      %dma_start3A_42 = tpu.memref_slice %arg2[%dma_start3A_40, %dma_start3A_41] : memref<10000x128xf32, #tpu.memory_space<hbm>> -> memref<10000x128xf32, #tpu.memory_space<hbm>>
      tpu.enqueue_indirect_dma source(%dma_start3A_42 : memref<10000x128xf32, #tpu.memory_space<hbm>>) target(%arg9 : memref<125x128xf32, #tpu.memory_space<vmem>>) offsets(%dma_start3A_39 : memref<125xi32, #tpu.memory_space<vmem>>) semaphore(%arg12 : memref<!tpu.dma_semaphore, #tpu.memory_space<semaphore_mem>>)
      %dma_wait3A = arith.constant 18 : i32
      %dma_wait3A_43 = arith.constant 0 : i32
      %dma_wait3A_44 = tpu.memref_slice %arg6[%dma_wait3A, %dma_wait3A_43] : memref<20x125xi32, #tpu.memory_space<vmem>> -> memref<1x125xi32, #tpu.memory_space<vmem>>
      %dma_wait3A_45 = tpu.memref_squeeze %dma_wait3A_44 : memref<1x125xi32, #tpu.memory_space<vmem>> -> memref<125xi32, #tpu.memory_space<vmem>>
      %dma_wait3A_46 = arith.constant 0 : i32
      %dma_wait3A_47 = arith.constant 0 : i32
      %dma_wait3A_48 = tpu.memref_slice %arg2[%dma_wait3A_46, %dma_wait3A_47] : memref<10000x128xf32, #tpu.memory_space<hbm>> -> memref<10000x128xf32, #tpu.memory_space<hbm>>
      tpu.wait_indirect_dma semaphore(%arg11 : memref<!tpu.dma_semaphore, #tpu.memory_space<semaphore_mem>>) src(%dma_wait3A_48 : memref<10000x128xf32, #tpu.memory_space<hbm>>) dst(%arg8 : memref<125x128xf32, #tpu.memory_space<vmem>>)
      %run_scoped3A = arith.constant 18 : i32
      "tpu.region"() ({
        %run_scoped3A_57 = tpu.sem_alloc : memref<!tpu.dma_semaphore, #tpu.memory_space<semaphore_mem>>
        %dma_start3A_58 = arith.constant 0 : i32
        %dma_start3A_59 = tpu.memref_slice %arg7[%run_scoped3A, %dma_start3A_58] : memref<20x125xi32, #tpu.memory_space<vmem>> -> memref<1x125xi32, #tpu.memory_space<vmem>>
        %dma_start3A_60 = tpu.memref_squeeze %dma_start3A_59 : memref<1x125xi32, #tpu.memory_space<vmem>> -> memref<125xi32, #tpu.memory_space<vmem>>
        %dma_start3A_61 = arith.constant 0 : i32
        %dma_start3A_62 = arith.constant 0 : i32
        %dma_start3A_63 = tpu.memref_slice %arg10[%dma_start3A_61, %dma_start3A_62] : memref<10240x128xf32, #tpu.memory_space<vmem_shared>> -> memref<10240x128xf32, #tpu.memory_space<vmem_shared>>
        tpu.enqueue_indirect_dma source(%arg8 : memref<125x128xf32, #tpu.memory_space<vmem>>) target(%dma_start3A_63 : memref<10240x128xf32, #tpu.memory_space<vmem_shared>>) offsets(%dma_start3A_60 : memref<125xi32, #tpu.memory_space<vmem>>) semaphore(%run_scoped3A_57 : memref<!tpu.dma_semaphore, #tpu.memory_space<semaphore_mem>>) {add = true}
        %dma_wait3A_64 = arith.constant 0 : i32
        %dma_wait3A_65 = tpu.memref_slice %arg7[%run_scoped3A, %dma_wait3A_64] : memref<20x125xi32, #tpu.memory_space<vmem>> -> memref<1x125xi32, #tpu.memory_space<vmem>>
        %dma_wait3A_66 = tpu.memref_squeeze %dma_wait3A_65 : memref<1x125xi32, #tpu.memory_space<vmem>> -> memref<125xi32, #tpu.memory_space<vmem>>
        %dma_wait3A_67 = arith.constant 0 : i32
        %dma_wait3A_68 = arith.constant 0 : i32
        %dma_wait3A_69 = tpu.memref_slice %arg10[%dma_wait3A_67, %dma_wait3A_68] : memref<10240x128xf32, #tpu.memory_space<vmem_shared>> -> memref<10240x128xf32, #tpu.memory_space<vmem_shared>>
        tpu.wait_indirect_dma semaphore(%run_scoped3A_57 : memref<!tpu.dma_semaphore, #tpu.memory_space<semaphore_mem>>) src(%arg8 : memref<125x128xf32, #tpu.memory_space<vmem>>) dst(%dma_wait3A_69 : memref<10240x128xf32, #tpu.memory_space<vmem_shared>>)
        tpu.yield
      }) : () -> ()
      %dma_wait3A_49 = arith.constant 19 : i32
      %dma_wait3A_50 = arith.constant 0 : i32
      %dma_wait3A_51 = tpu.memref_slice %arg6[%dma_wait3A_49, %dma_wait3A_50] : memref<20x125xi32, #tpu.memory_space<vmem>> -> memref<1x125xi32, #tpu.memory_space<vmem>>
      %dma_wait3A_52 = tpu.memref_squeeze %dma_wait3A_51 : memref<1x125xi32, #tpu.memory_space<vmem>> -> memref<125xi32, #tpu.memory_space<vmem>>
      %dma_wait3A_53 = arith.constant 0 : i32
      %dma_wait3A_54 = arith.constant 0 : i32
      %dma_wait3A_55 = tpu.memref_slice %arg2[%dma_wait3A_53, %dma_wait3A_54] : memref<10000x128xf32, #tpu.memory_space<hbm>> -> memref<10000x128xf32, #tpu.memory_space<hbm>>
      tpu.wait_indirect_dma semaphore(%arg12 : memref<!tpu.dma_semaphore, #tpu.memory_space<semaphore_mem>>) src(%dma_wait3A_55 : memref<10000x128xf32, #tpu.memory_space<hbm>>) dst(%arg9 : memref<125x128xf32, #tpu.memory_space<vmem>>)
      %run_scoped3A_56 = arith.constant 19 : i32
      "tpu.region"() ({
        %run_scoped3A_57 = tpu.sem_alloc : memref<!tpu.dma_semaphore, #tpu.memory_space<semaphore_mem>>
        %dma_start3A_58 = arith.constant 0 : i32
        %dma_start3A_59 = tpu.memref_slice %arg7[%run_scoped3A_56, %dma_start3A_58] : memref<20x125xi32, #tpu.memory_space<vmem>> -> memref<1x125xi32, #tpu.memory_space<vmem>>
        %dma_start3A_60 = tpu.memref_squeeze %dma_start3A_59 : memref<1x125xi32, #tpu.memory_space<vmem>> -> memref<125xi32, #tpu.memory_space<vmem>>
        %dma_start3A_61 = arith.constant 0 : i32
        %dma_start3A_62 = arith.constant 0 : i32
        %dma_start3A_63 = tpu.memref_slice %arg10[%dma_start3A_61, %dma_start3A_62] : memref<10240x128xf32, #tpu.memory_space<vmem_shared>> -> memref<10240x128xf32, #tpu.memory_space<vmem_shared>>
        tpu.enqueue_indirect_dma source(%arg9 : memref<125x128xf32, #tpu.memory_space<vmem>>) target(%dma_start3A_63 : memref<10240x128xf32, #tpu.memory_space<vmem_shared>>) offsets(%dma_start3A_60 : memref<125xi32, #tpu.memory_space<vmem>>) semaphore(%run_scoped3A_57 : memref<!tpu.dma_semaphore, #tpu.memory_space<semaphore_mem>>) {add = true}
        %dma_wait3A_64 = arith.constant 0 : i32
        %dma_wait3A_65 = tpu.memref_slice %arg7[%run_scoped3A_56, %dma_wait3A_64] : memref<20x125xi32, #tpu.memory_space<vmem>> -> memref<1x125xi32, #tpu.memory_space<vmem>>
        %dma_wait3A_66 = tpu.memref_squeeze %dma_wait3A_65 : memref<1x125xi32, #tpu.memory_space<vmem>> -> memref<125xi32, #tpu.memory_space<vmem>>
        %dma_wait3A_67 = arith.constant 0 : i32
        %dma_wait3A_68 = arith.constant 0 : i32
        %dma_wait3A_69 = tpu.memref_slice %arg10[%dma_wait3A_67, %dma_wait3A_68] : memref<10240x128xf32, #tpu.memory_space<vmem_shared>> -> memref<10240x128xf32, #tpu.memory_space<vmem_shared>>
        tpu.wait_indirect_dma semaphore(%run_scoped3A_57 : memref<!tpu.dma_semaphore, #tpu.memory_space<semaphore_mem>>) src(%arg9 : memref<125x128xf32, #tpu.memory_space<vmem>>) dst(%dma_wait3A_69 : memref<10240x128xf32, #tpu.memory_space<vmem_shared>>)
        tpu.yield
      }) : () -> ()
    }
    %scan3A_18 = arith.constant 4 : i32
    %barrier3A_19 = arith.constant 0 : index
    tpu.barrier barrier_id(%barrier3A_19)
    %mul3A_20 = arith.constant 640 : i32
    %mul3A_21 = arith.muli %arg1, %mul3A_20 : i32
    %mul3A_22 = arith.constant 640 : i32
    %mul3A_23 = arith.muli %arg1, %mul3A_22 : i32
    "tpu.region"() ({
      %run_scoped3A = tpu.sem_alloc : memref<!tpu.dma_semaphore, #tpu.memory_space<semaphore_mem>>
      %dma_start3A = arith.constant 0 : i32
      %dma_start3A_24 = tpu.memref_slice %arg5[%arg0, %mul3A_23, %dma_start3A] : memref<2x10240x128xf32, #tpu.memory_space<hbm>> -> memref<1x640x128xf32, #tpu.memory_space<hbm>>
      %dma_start3A_25 = tpu.memref_squeeze %dma_start3A_24 : memref<1x640x128xf32, #tpu.memory_space<hbm>> -> memref<640x128xf32, #tpu.memory_space<hbm>>
      %dma_start3A_26 = arith.constant 0 : i32
      %dma_start3A_27 = tpu.memref_slice %arg10[%mul3A_21, %dma_start3A_26] : memref<10240x128xf32, #tpu.memory_space<vmem_shared>> -> memref<640x128xf32, #tpu.memory_space<vmem_shared>>
      tpu.enqueue_dma source(%dma_start3A_27 : memref<640x128xf32, #tpu.memory_space<vmem_shared>>) target(%dma_start3A_25 : memref<640x128xf32, #tpu.memory_space<hbm>>) target_semaphore(%run_scoped3A : memref<!tpu.dma_semaphore, #tpu.memory_space<semaphore_mem>>)
      %dma_wait3A = arith.constant 0 : i32
      %dma_wait3A_28 = tpu.memref_slice %arg5[%arg0, %mul3A_23, %dma_wait3A] : memref<2x10240x128xf32, #tpu.memory_space<hbm>> -> memref<1x640x128xf32, #tpu.memory_space<hbm>>
      %dma_wait3A_29 = tpu.memref_squeeze %dma_wait3A_28 : memref<1x640x128xf32, #tpu.memory_space<hbm>> -> memref<640x128xf32, #tpu.memory_space<hbm>>
      %dma_wait3A_30 = arith.constant 0 : i32
      %dma_wait3A_31 = tpu.memref_slice %arg10[%mul3A_21, %dma_wait3A_30] : memref<10240x128xf32, #tpu.memory_space<vmem_shared>> -> memref<640x128xf32, #tpu.memory_space<vmem_shared>>
      tpu.wait_dma2 semaphore(%run_scoped3A : memref<!tpu.dma_semaphore, #tpu.memory_space<semaphore_mem>>) src(%dma_wait3A_31 : memref<640x128xf32, #tpu.memory_space<vmem_shared>>) dst(%dma_wait3A_29 : memref<640x128xf32, #tpu.memory_space<hbm>>)
      tpu.yield
    }) : () -> ()
    return
  }
}

#map = affine_map<(d0, d1) -> (0, 0)>
#map1 = affine_map<(d0, d1) -> (0, 0, 0, 0)>
#map2 = affine_map<(d0, d1) -> (0, 0, 0)>
module attributes {stable_mosaic.version = 14 : i64} {
  func.func @_sc_scatter(%arg0: i32, %arg1: i32, %arg2: memref<10000x128xf32, #tpu.memory_space<hbm>>, %arg3: memref<32x4x20x125xi32, #tpu.memory_space<hbm>>, %arg4: memref<32x4x20x125xi32, #tpu.memory_space<hbm>>, %arg5: memref<2x10240x128xf32, #tpu.memory_space<hbm>>, %arg6: memref<20x125xi32, #tpu.memory_space<vmem>>, %arg7: memref<20x125xi32, #tpu.memory_space<vmem>>, %arg8: memref<125x128xf32, #tpu.memory_space<vmem>>, %arg9: memref<125x128xf32, #tpu.memory_space<vmem>>, %arg10: memref<10240x128xf32, #tpu.memory_space<vmem_shared>>, %arg11: memref<!tpu.dma_semaphore, #tpu.memory_space<semaphore_mem>>, %arg12: memref<!tpu.dma_semaphore, #tpu.memory_space<semaphore_mem>>) attributes {dimension_semantics = [#tpu.dimension_semantics<core_parallel>, #tpu.dimension_semantics<subcore_parallel>], iteration_bounds = array<i64: 2, 16>, scalar_prefetch = 0 : i64, scratch_operands = 7 : i64, tpu.core_type = #tpu.core_type<sc_vector_subcore>, window_params = [{transform_indices = #map}, {transform_indices = #map1}, {transform_indices = #map1}, {transform_indices = #map2}]} {
    %mul3A = arith.constant 16 : i32
    %mul3A_0 = arith.muli %arg0, %mul3A : i32
    %add3A = arith.addi %mul3A_0, %arg1 : i32
    %broadcast_in_dim3A = arith.constant 0.000000e+00 : f32
    %broadcast_in_dim3A_1 = vector.broadcast %broadcast_in_dim3A : f32 to vector<16xf32>
    %scan3A = arith.constant 0 : i32
    %scan3A_2 = arith.constant 0 : i32
    %scan3A_3 = arith.constant 1000 : i32
    %scan3A_4 = arith.addi %scan3A_2, %scan3A_3 : i32
    %scan3A_5 = arith.constant 1 : i32
    scf.for %scan3A_24 = %scan3A_2 to %scan3A_4 step %scan3A_5  : i32 {
      %jit3A = arith.constant 8 : i32
      %div3A = arith.divsi %scan3A_24, %jit3A : i32
      %sign3A = arith.constant 0 : i32
      %sign3A_25 = arith.cmpi sgt, %scan3A_24, %sign3A : i32
      %sign3A_26 = arith.extui %sign3A_25 : i1 to i32
      %sign3A_27 = arith.constant 0 : i32
      %sign3A_28 = arith.cmpi slt, %scan3A_24, %sign3A_27 : i32
      %sign3A_29 = arith.extui %sign3A_28 : i1 to i32
      %sign3A_30 = arith.subi %sign3A_26, %sign3A_29 : i32
      %sign3A_31 = arith.constant 0 : i32
      %sign3A_32 = arith.cmpi sgt, %jit3A, %sign3A_31 : i32
      %sign3A_33 = arith.extui %sign3A_32 : i1 to i32
      %sign3A_34 = arith.constant 0 : i32
      %sign3A_35 = arith.cmpi slt, %jit3A, %sign3A_34 : i32
      %sign3A_36 = arith.extui %sign3A_35 : i1 to i32
      %sign3A_37 = arith.subi %sign3A_33, %sign3A_36 : i32
      %ne3A = arith.cmpi ne, %sign3A_30, %sign3A_37 : i32
      %rem3A = arith.remsi %scan3A_24, %jit3A : i32
      %ne3A_38 = arith.constant 0 : i32
      %ne3A_39 = arith.cmpi ne, %rem3A, %ne3A_38 : i32
      %and3A = arith.andi %ne3A, %ne3A_39 : i1
      %sub3A = arith.constant 1 : i32
      %sub3A_40 = arith.subi %div3A, %sub3A : i32
      %select_n3A = arith.select %and3A, %sub3A_40, %div3A : i32
      %mul3A_41 = arith.constant 8 : i32
      %mul3A_42 = arith.muli %select_n3A, %mul3A_41 : i32
      %sub3A_43 = arith.subi %scan3A_24, %mul3A_42 : i32
      %mul3A_44 = arith.constant 16 : i32
      %mul3A_45 = arith.muli %sub3A_43, %mul3A_44 : i32
      %swap3A = arith.index_cast %select_n3A : i32 to index
      %swap3A_46 = arith.index_cast %mul3A_45 : i32 to index
      %swap3A_47 = tpu.vector_load %arg8[%swap3A, %swap3A_46] {strides = array<i32>} : memref<125x128xf32, #tpu.memory_space<vmem>>, vector<1x16xf32>,
      %swap3A_48 = vector.shape_cast %swap3A_47 : vector<1x16xf32> to vector<16xf32>
      %swap3A_49 = vector.shape_cast %broadcast_in_dim3A_1 : vector<16xf32> to vector<1x16xf32>
      tpu.vector_store %arg8[%swap3A, %swap3A_46], %swap3A_49 {strides = array<i32>} : memref<125x128xf32, #tpu.memory_space<vmem>>, vector<1x16xf32>,
    }
    %scan3A_6 = arith.constant 1000 : i32
    %scan3A_7 = arith.constant 0 : i32
    %scan3A_8 = arith.constant 0 : i32
    %scan3A_9 = arith.constant 10 : i32
    %scan3A_10 = arith.addi %scan3A_8, %scan3A_9 : i32
    %scan3A_11 = arith.constant 1 : i32
    scf.for %scan3A_24 = %scan3A_8 to %scan3A_10 step %scan3A_11  : i32 {
      %mul3A_25 = arith.constant 640 : i32
      %mul3A_26 = arith.muli %arg1, %mul3A_25 : i32
      %mul3A_27 = arith.constant 64 : i32
      %mul3A_28 = arith.muli %scan3A_24, %mul3A_27 : i32
      %add3A_29 = arith.addi %mul3A_26, %mul3A_28 : i32
      "tpu.region"() ({
        %run_scoped3A = tpu.sem_alloc : memref<!tpu.dma_semaphore, #tpu.memory_space<semaphore_mem>>
        %dma_start3A = arith.constant 0 : i32
        %dma_start3A_30 = arith.constant 0 : i32
        %dma_start3A_31 = tpu.memref_slice %arg8[%dma_start3A, %dma_start3A_30] : memref<125x128xf32, #tpu.memory_space<vmem>> -> memref<64x128xf32, #tpu.memory_space<vmem>>
        %dma_start3A_32 = arith.constant 0 : i32
        %dma_start3A_33 = tpu.memref_slice %arg10[%add3A_29, %dma_start3A_32] : memref<10240x128xf32, #tpu.memory_space<vmem_shared>> -> memref<64x128xf32, #tpu.memory_space<vmem_shared>>
        %dma_start3A_34 = arith.constant 0 : i32
        %dma_start3A_35 = tpu.memref_slice %arg10[%add3A_29, %dma_start3A_34] : memref<10240x128xf32, #tpu.memory_space<vmem_shared>> -> memref<64x128xf32, #tpu.memory_space<vmem_shared>>
        %dma_start3A_36 = arith.constant 0 : i32
        %dma_start3A_37 = arith.constant 0 : i32
        %dma_start3A_38 = tpu.memref_slice %arg8[%dma_start3A_36, %dma_start3A_37] : memref<125x128xf32, #tpu.memory_space<vmem>> -> memref<64x128xf32, #tpu.memory_space<vmem>>
        tpu.enqueue_dma source(%dma_start3A_38 : memref<64x128xf32, #tpu.memory_space<vmem>>) target(%dma_start3A_35 : memref<64x128xf32, #tpu.memory_space<vmem_shared>>) target_semaphore(%run_scoped3A : memref<!tpu.dma_semaphore, #tpu.memory_space<semaphore_mem>>)
        %dma_wait3A = arith.constant 0 : i32
        %dma_wait3A_39 = arith.constant 0 : i32
        %dma_wait3A_40 = tpu.memref_slice %arg8[%dma_wait3A, %dma_wait3A_39] : memref<125x128xf32, #tpu.memory_space<vmem>> -> memref<64x128xf32, #tpu.memory_space<vmem>>
        %dma_wait3A_41 = arith.constant 0 : i32
        %dma_wait3A_42 = tpu.memref_slice %arg10[%add3A_29, %dma_wait3A_41] : memref<10240x128xf32, #tpu.memory_space<vmem_shared>> -> memref<64x128xf32, #tpu.memory_space<vmem_shared>>
        %dma_wait3A_43 = arith.constant 0 : i32
        %dma_wait3A_44 = tpu.memref_slice %arg10[%add3A_29, %dma_wait3A_43] : memref<10240x128xf32, #tpu.memory_space<vmem_shared>> -> memref<64x128xf32, #tpu.memory_space<vmem_shared>>
        %dma_wait3A_45 = arith.constant 0 : i32
        %dma_wait3A_46 = arith.constant 0 : i32
        %dma_wait3A_47 = tpu.memref_slice %arg8[%dma_wait3A_45, %dma_wait3A_46] : memref<125x128xf32, #tpu.memory_space<vmem>> -> memref<64x128xf32, #tpu.memory_space<vmem>>
        tpu.wait_dma2 semaphore(%run_scoped3A : memref<!tpu.dma_semaphore, #tpu.memory_space<semaphore_mem>>) src(%dma_wait3A_47 : memref<64x128xf32, #tpu.memory_space<vmem>>) dst(%dma_wait3A_44 : memref<64x128xf32, #tpu.memory_space<vmem_shared>>)
        tpu.yield
      }) : () -> ()
    }
    %scan3A_12 = arith.constant 10 : i32
    %barrier3A = arith.constant 0 : index
    tpu.barrier barrier_id(%barrier3A)
    %scan3A_13 = arith.constant 0 : i32
    %scan3A_14 = arith.constant 0 : i32
    %scan3A_15 = arith.constant 4 : i32
    %scan3A_16 = arith.addi %scan3A_14, %scan3A_15 : i32
    %scan3A_17 = arith.constant 1 : i32
    scf.for %scan3A_24 = %scan3A_14 to %scan3A_16 step %scan3A_17  : i32 {
      "tpu.region"() ({
        %run_scoped3A_57 = tpu.sem_alloc : memref<!tpu.dma_semaphore, #tpu.memory_space<semaphore_mem>>
        %dma_start3A_58 = arith.constant 0 : i32
        %dma_start3A_59 = arith.constant 0 : i32
        %dma_start3A_60 = tpu.memref_slice %arg3[%add3A, %scan3A_24, %dma_start3A_58, %dma_start3A_59] : memref<32x4x20x125xi32, #tpu.memory_space<hbm>> -> memref<1x1x20x125xi32, #tpu.memory_space<hbm>>
        %dma_start3A_61 = tpu.memref_squeeze %dma_start3A_60 : memref<1x1x20x125xi32, #tpu.memory_space<hbm>> -> memref<20x125xi32, #tpu.memory_space<hbm>>
        %dma_start3A_62 = arith.constant 0 : i32
        %dma_start3A_63 = arith.constant 0 : i32
        %dma_start3A_64 = tpu.memref_slice %arg3[%add3A, %scan3A_24, %dma_start3A_62, %dma_start3A_63] : memref<32x4x20x125xi32, #tpu.memory_space<hbm>> -> memref<1x1x20x125xi32, #tpu.memory_space<hbm>>
        %dma_start3A_65 = tpu.memref_squeeze %dma_start3A_64 : memref<1x1x20x125xi32, #tpu.memory_space<hbm>> -> memref<20x125xi32, #tpu.memory_space<hbm>>
        tpu.enqueue_dma source(%dma_start3A_65 : memref<20x125xi32, #tpu.memory_space<hbm>>) target(%arg6 : memref<20x125xi32, #tpu.memory_space<vmem>>) target_semaphore(%run_scoped3A_57 : memref<!tpu.dma_semaphore, #tpu.memory_space<semaphore_mem>>)
        %dma_wait3A_66 = arith.constant 0 : i32
        %dma_wait3A_67 = arith.constant 0 : i32
        %dma_wait3A_68 = tpu.memref_slice %arg3[%add3A, %scan3A_24, %dma_wait3A_66, %dma_wait3A_67] : memref<32x4x20x125xi32, #tpu.memory_space<hbm>> -> memref<1x1x20x125xi32, #tpu.memory_space<hbm>>
        %dma_wait3A_69 = tpu.memref_squeeze %dma_wait3A_68 : memref<1x1x20x125xi32, #tpu.memory_space<hbm>> -> memref<20x125xi32, #tpu.memory_space<hbm>>
        %dma_wait3A_70 = arith.constant 0 : i32
        %dma_wait3A_71 = arith.constant 0 : i32
        %dma_wait3A_72 = tpu.memref_slice %arg3[%add3A, %scan3A_24, %dma_wait3A_70, %dma_wait3A_71] : memref<32x4x20x125xi32, #tpu.memory_space<hbm>> -> memref<1x1x20x125xi32, #tpu.memory_space<hbm>>
        %dma_wait3A_73 = tpu.memref_squeeze %dma_wait3A_72 : memref<1x1x20x125xi32, #tpu.memory_space<hbm>> -> memref<20x125xi32, #tpu.memory_space<hbm>>
        tpu.wait_dma2 semaphore(%run_scoped3A_57 : memref<!tpu.dma_semaphore, #tpu.memory_space<semaphore_mem>>) src(%dma_wait3A_73 : memref<20x125xi32, #tpu.memory_space<hbm>>) dst(%arg6 : memref<20x125xi32, #tpu.memory_space<vmem>>)
        tpu.yield
      }) : () -> ()
      "tpu.region"() ({
        %run_scoped3A_57 = tpu.sem_alloc : memref<!tpu.dma_semaphore, #tpu.memory_space<semaphore_mem>>
        %dma_start3A_58 = arith.constant 0 : i32
        %dma_start3A_59 = arith.constant 0 : i32
        %dma_start3A_60 = tpu.memref_slice %arg4[%add3A, %scan3A_24, %dma_start3A_58, %dma_start3A_59] : memref<32x4x20x125xi32, #tpu.memory_space<hbm>> -> memref<1x1x20x125xi32, #tpu.memory_space<hbm>>
        %dma_start3A_61 = tpu.memref_squeeze %dma_start3A_60 : memref<1x1x20x125xi32, #tpu.memory_space<hbm>> -> memref<20x125xi32, #tpu.memory_space<hbm>>
        %dma_start3A_62 = arith.constant 0 : i32
        %dma_start3A_63 = arith.constant 0 : i32
        %dma_start3A_64 = tpu.memref_slice %arg4[%add3A, %scan3A_24, %dma_start3A_62, %dma_start3A_63] : memref<32x4x20x125xi32, #tpu.memory_space<hbm>> -> memref<1x1x20x125xi32, #tpu.memory_space<hbm>>
        %dma_start3A_65 = tpu.memref_squeeze %dma_start3A_64 : memref<1x1x20x125xi32, #tpu.memory_space<hbm>> -> memref<20x125xi32, #tpu.memory_space<hbm>>
        tpu.enqueue_dma source(%dma_start3A_65 : memref<20x125xi32, #tpu.memory_space<hbm>>) target(%arg7 : memref<20x125xi32, #tpu.memory_space<vmem>>) target_semaphore(%run_scoped3A_57 : memref<!tpu.dma_semaphore, #tpu.memory_space<semaphore_mem>>)
        %dma_wait3A_66 = arith.constant 0 : i32
        %dma_wait3A_67 = arith.constant 0 : i32
        %dma_wait3A_68 = tpu.memref_slice %arg4[%add3A, %scan3A_24, %dma_wait3A_66, %dma_wait3A_67] : memref<32x4x20x125xi32, #tpu.memory_space<hbm>> -> memref<1x1x20x125xi32, #tpu.memory_space<hbm>>
        %dma_wait3A_69 = tpu.memref_squeeze %dma_wait3A_68 : memref<1x1x20x125xi32, #tpu.memory_space<hbm>> -> memref<20x125xi32, #tpu.memory_space<hbm>>
        %dma_wait3A_70 = arith.constant 0 : i32
        %dma_wait3A_71 = arith.constant 0 : i32
        %dma_wait3A_72 = tpu.memref_slice %arg4[%add3A, %scan3A_24, %dma_wait3A_70, %dma_wait3A_71] : memref<32x4x20x125xi32, #tpu.memory_space<hbm>> -> memref<1x1x20x125xi32, #tpu.memory_space<hbm>>
        %dma_wait3A_73 = tpu.memref_squeeze %dma_wait3A_72 : memref<1x1x20x125xi32, #tpu.memory_space<hbm>> -> memref<20x125xi32, #tpu.memory_space<hbm>>
        tpu.wait_dma2 semaphore(%run_scoped3A_57 : memref<!tpu.dma_semaphore, #tpu.memory_space<semaphore_mem>>) src(%dma_wait3A_73 : memref<20x125xi32, #tpu.memory_space<hbm>>) dst(%arg7 : memref<20x125xi32, #tpu.memory_space<vmem>>)
        tpu.yield
      }) : () -> ()
      %dma_start3A = arith.constant 0 : i32
      %dma_start3A_25 = arith.constant 0 : i32
      %dma_start3A_26 = tpu.memref_slice %arg6[%dma_start3A, %dma_start3A_25] : memref<20x125xi32, #tpu.memory_space<vmem>> -> memref<1x125xi32, #tpu.memory_space<vmem>>
      %dma_start3A_27 = tpu.memref_squeeze %dma_start3A_26 : memref<1x125xi32, #tpu.memory_space<vmem>> -> memref<125xi32, #tpu.memory_space<vmem>>
      %dma_start3A_28 = arith.constant 0 : i32
      %dma_start3A_29 = arith.constant 0 : i32
      %dma_start3A_30 = tpu.memref_slice %arg2[%dma_start3A_28, %dma_start3A_29] : memref<10000x128xf32, #tpu.memory_space<hbm>> -> memref<10000x128xf32, #tpu.memory_space<hbm>>
      tpu.enqueue_indirect_dma source(%dma_start3A_30 : memref<10000x128xf32, #tpu.memory_space<hbm>>) target(%arg8 : memref<125x128xf32, #tpu.memory_space<vmem>>) offsets(%dma_start3A_27 : memref<125xi32, #tpu.memory_space<vmem>>) semaphore(%arg11 : memref<!tpu.dma_semaphore, #tpu.memory_space<semaphore_mem>>)
      %scan3A_31 = arith.constant 0 : i32
      %scan3A_32 = arith.constant 9 : i32
      %scan3A_33 = arith.addi %scan3A_31, %scan3A_32 : i32
      %scan3A_34 = arith.constant 1 : i32
      scf.for %scan3A_57 = %scan3A_31 to %scan3A_33 step %scan3A_34  : i32 {
        %mul3A_58 = arith.constant 2 : i32
        %mul3A_59 = arith.muli %mul3A_58, %scan3A_57 : i32
        %add3A_60 = arith.constant 1 : i32
        %add3A_61 = arith.addi %mul3A_59, %add3A_60 : i32
        %dma_start3A_62 = arith.constant 0 : i32
        %dma_start3A_63 = tpu.memref_slice %arg6[%add3A_61, %dma_start3A_62] : memref<20x125xi32, #tpu.memory_space<vmem>> -> memref<1x125xi32, #tpu.memory_space<vmem>>
        %dma_start3A_64 = tpu.memref_squeeze %dma_start3A_63 : memref<1x125xi32, #tpu.memory_space<vmem>> -> memref<125xi32, #tpu.memory_space<vmem>>
        %dma_start3A_65 = arith.constant 0 : i32
        %dma_start3A_66 = arith.constant 0 : i32
        %dma_start3A_67 = tpu.memref_slice %arg2[%dma_start3A_65, %dma_start3A_66] : memref<10000x128xf32, #tpu.memory_space<hbm>> -> memref<10000x128xf32, #tpu.memory_space<hbm>>
        tpu.enqueue_indirect_dma source(%dma_start3A_67 : memref<10000x128xf32, #tpu.memory_space<hbm>>) target(%arg9 : memref<125x128xf32, #tpu.memory_space<vmem>>) offsets(%dma_start3A_64 : memref<125xi32, #tpu.memory_space<vmem>>) semaphore(%arg12 : memref<!tpu.dma_semaphore, #tpu.memory_space<semaphore_mem>>)
        %dma_wait3A_68 = arith.constant 0 : i32
        %dma_wait3A_69 = tpu.memref_slice %arg6[%mul3A_59, %dma_wait3A_68] : memref<20x125xi32, #tpu.memory_space<vmem>> -> memref<1x125xi32, #tpu.memory_space<vmem>>
        %dma_wait3A_70 = tpu.memref_squeeze %dma_wait3A_69 : memref<1x125xi32, #tpu.memory_space<vmem>> -> memref<125xi32, #tpu.memory_space<vmem>>
        %dma_wait3A_71 = arith.constant 0 : i32
        %dma_wait3A_72 = arith.constant 0 : i32
        %dma_wait3A_73 = tpu.memref_slice %arg2[%dma_wait3A_71, %dma_wait3A_72] : memref<10000x128xf32, #tpu.memory_space<hbm>> -> memref<10000x128xf32, #tpu.memory_space<hbm>>
        tpu.wait_indirect_dma semaphore(%arg11 : memref<!tpu.dma_semaphore, #tpu.memory_space<semaphore_mem>>) src(%dma_wait3A_73 : memref<10000x128xf32, #tpu.memory_space<hbm>>) dst(%arg8 : memref<125x128xf32, #tpu.memory_space<vmem>>)
        "tpu.region"() ({
          %run_scoped3A_92 = tpu.sem_alloc : memref<!tpu.dma_semaphore, #tpu.memory_space<semaphore_mem>>
          %dma_start3A_93 = arith.constant 0 : i32
          %dma_start3A_94 = tpu.memref_slice %arg7[%mul3A_59, %dma_start3A_93] : memref<20x125xi32, #tpu.memory_space<vmem>> -> memref<1x125xi32, #tpu.memory_space<vmem>>
          %dma_start3A_95 = tpu.memref_squeeze %dma_start3A_94 : memref<1x125xi32, #tpu.memory_space<vmem>> -> memref<125xi32, #tpu.memory_space<vmem>>
          %dma_start3A_96 = arith.constant 0 : i32
          %dma_start3A_97 = arith.constant 0 : i32
          %dma_start3A_98 = tpu.memref_slice %arg10[%dma_start3A_96, %dma_start3A_97] : memref<10240x128xf32, #tpu.memory_space<vmem_shared>> -> memref<10240x128xf32, #tpu.memory_space<vmem_shared>>
          tpu.enqueue_indirect_dma source(%arg8 : memref<125x128xf32, #tpu.memory_space<vmem>>) target(%dma_start3A_98 : memref<10240x128xf32, #tpu.memory_space<vmem_shared>>) offsets(%dma_start3A_95 : memref<125xi32, #tpu.memory_space<vmem>>) semaphore(%run_scoped3A_92 : memref<!tpu.dma_semaphore, #tpu.memory_space<semaphore_mem>>) {add = true}
          %dma_wait3A_99 = arith.constant 0 : i32
          %dma_wait3A_100 = tpu.memref_slice %arg7[%mul3A_59, %dma_wait3A_99] : memref<20x125xi32, #tpu.memory_space<vmem>> -> memref<1x125xi32, #tpu.memory_space<vmem>>
          %dma_wait3A_101 = tpu.memref_squeeze %dma_wait3A_100 : memref<1x125xi32, #tpu.memory_space<vmem>> -> memref<125xi32, #tpu.memory_space<vmem>>
          %dma_wait3A_102 = arith.constant 0 : i32
          %dma_wait3A_103 = arith.constant 0 : i32
          %dma_wait3A_104 = tpu.memref_slice %arg10[%dma_wait3A_102, %dma_wait3A_103] : memref<10240x128xf32, #tpu.memory_space<vmem_shared>> -> memref<10240x128xf32, #tpu.memory_space<vmem_shared>>
          tpu.wait_indirect_dma semaphore(%run_scoped3A_92 : memref<!tpu.dma_semaphore, #tpu.memory_space<semaphore_mem>>) src(%arg8 : memref<125x128xf32, #tpu.memory_space<vmem>>) dst(%dma_wait3A_104 : memref<10240x128xf32, #tpu.memory_space<vmem_shared>>)
          tpu.yield
        }) : () -> ()
        %add3A_74 = arith.constant 2 : i32
        %add3A_75 = arith.addi %mul3A_59, %add3A_74 : i32
        %dma_start3A_76 = arith.constant 0 : i32
        %dma_start3A_77 = tpu.memref_slice %arg6[%add3A_75, %dma_start3A_76] : memref<20x125xi32, #tpu.memory_space<vmem>> -> memref<1x125xi32, #tpu.memory_space<vmem>>
        %dma_start3A_78 = tpu.memref_squeeze %dma_start3A_77 : memref<1x125xi32, #tpu.memory_space<vmem>> -> memref<125xi32, #tpu.memory_space<vmem>>
        %dma_start3A_79 = arith.constant 0 : i32
        %dma_start3A_80 = arith.constant 0 : i32
        %dma_start3A_81 = tpu.memref_slice %arg2[%dma_start3A_79, %dma_start3A_80] : memref<10000x128xf32, #tpu.memory_space<hbm>> -> memref<10000x128xf32, #tpu.memory_space<hbm>>
        tpu.enqueue_indirect_dma source(%dma_start3A_81 : memref<10000x128xf32, #tpu.memory_space<hbm>>) target(%arg8 : memref<125x128xf32, #tpu.memory_space<vmem>>) offsets(%dma_start3A_78 : memref<125xi32, #tpu.memory_space<vmem>>) semaphore(%arg11 : memref<!tpu.dma_semaphore, #tpu.memory_space<semaphore_mem>>)
        %add3A_82 = arith.constant 1 : i32
        %add3A_83 = arith.addi %mul3A_59, %add3A_82 : i32
        %dma_wait3A_84 = arith.constant 0 : i32
        %dma_wait3A_85 = tpu.memref_slice %arg6[%add3A_83, %dma_wait3A_84] : memref<20x125xi32, #tpu.memory_space<vmem>> -> memref<1x125xi32, #tpu.memory_space<vmem>>
        %dma_wait3A_86 = tpu.memref_squeeze %dma_wait3A_85 : memref<1x125xi32, #tpu.memory_space<vmem>> -> memref<125xi32, #tpu.memory_space<vmem>>
        %dma_wait3A_87 = arith.constant 0 : i32
        %dma_wait3A_88 = arith.constant 0 : i32
        %dma_wait3A_89 = tpu.memref_slice %arg2[%dma_wait3A_87, %dma_wait3A_88] : memref<10000x128xf32, #tpu.memory_space<hbm>> -> memref<10000x128xf32, #tpu.memory_space<hbm>>
        tpu.wait_indirect_dma semaphore(%arg12 : memref<!tpu.dma_semaphore, #tpu.memory_space<semaphore_mem>>) src(%dma_wait3A_89 : memref<10000x128xf32, #tpu.memory_space<hbm>>) dst(%arg9 : memref<125x128xf32, #tpu.memory_space<vmem>>)
        %add3A_90 = arith.constant 1 : i32
        %add3A_91 = arith.addi %mul3A_59, %add3A_90 : i32
        "tpu.region"() ({
          %run_scoped3A_92 = tpu.sem_alloc : memref<!tpu.dma_semaphore, #tpu.memory_space<semaphore_mem>>
          %dma_start3A_93 = arith.constant 0 : i32
          %dma_start3A_94 = tpu.memref_slice %arg7[%add3A_91, %dma_start3A_93] : memref<20x125xi32, #tpu.memory_space<vmem>> -> memref<1x125xi32, #tpu.memory_space<vmem>>
          %dma_start3A_95 = tpu.memref_squeeze %dma_start3A_94 : memref<1x125xi32, #tpu.memory_space<vmem>> -> memref<125xi32, #tpu.memory_space<vmem>>
          %dma_start3A_96 = arith.constant 0 : i32
          %dma_start3A_97 = arith.constant 0 : i32
          %dma_start3A_98 = tpu.memref_slice %arg10[%dma_start3A_96, %dma_start3A_97] : memref<10240x128xf32, #tpu.memory_space<vmem_shared>> -> memref<10240x128xf32, #tpu.memory_space<vmem_shared>>
          tpu.enqueue_indirect_dma source(%arg9 : memref<125x128xf32, #tpu.memory_space<vmem>>) target(%dma_start3A_98 : memref<10240x128xf32, #tpu.memory_space<vmem_shared>>) offsets(%dma_start3A_95 : memref<125xi32, #tpu.memory_space<vmem>>) semaphore(%run_scoped3A_92 : memref<!tpu.dma_semaphore, #tpu.memory_space<semaphore_mem>>) {add = true}
          %dma_wait3A_99 = arith.constant 0 : i32
          %dma_wait3A_100 = tpu.memref_slice %arg7[%add3A_91, %dma_wait3A_99] : memref<20x125xi32, #tpu.memory_space<vmem>> -> memref<1x125xi32, #tpu.memory_space<vmem>>
          %dma_wait3A_101 = tpu.memref_squeeze %dma_wait3A_100 : memref<1x125xi32, #tpu.memory_space<vmem>> -> memref<125xi32, #tpu.memory_space<vmem>>
          %dma_wait3A_102 = arith.constant 0 : i32
          %dma_wait3A_103 = arith.constant 0 : i32
          %dma_wait3A_104 = tpu.memref_slice %arg10[%dma_wait3A_102, %dma_wait3A_103] : memref<10240x128xf32, #tpu.memory_space<vmem_shared>> -> memref<10240x128xf32, #tpu.memory_space<vmem_shared>>
          tpu.wait_indirect_dma semaphore(%run_scoped3A_92 : memref<!tpu.dma_semaphore, #tpu.memory_space<semaphore_mem>>) src(%arg9 : memref<125x128xf32, #tpu.memory_space<vmem>>) dst(%dma_wait3A_104 : memref<10240x128xf32, #tpu.memory_space<vmem_shared>>)
          tpu.yield
        }) : () -> ()
      }
      %scan3A_35 = arith.constant 9 : i32
      %dma_start3A_36 = arith.constant 19 : i32
      %dma_start3A_37 = arith.constant 0 : i32
      %dma_start3A_38 = tpu.memref_slice %arg6[%dma_start3A_36, %dma_start3A_37] : memref<20x125xi32, #tpu.memory_space<vmem>> -> memref<1x125xi32, #tpu.memory_space<vmem>>
      %dma_start3A_39 = tpu.memref_squeeze %dma_start3A_38 : memref<1x125xi32, #tpu.memory_space<vmem>> -> memref<125xi32, #tpu.memory_space<vmem>>
      %dma_start3A_40 = arith.constant 0 : i32
      %dma_start3A_41 = arith.constant 0 : i32
      %dma_start3A_42 = tpu.memref_slice %arg2[%dma_start3A_40, %dma_start3A_41] : memref<10000x128xf32, #tpu.memory_space<hbm>> -> memref<10000x128xf32, #tpu.memory_space<hbm>>
      tpu.enqueue_indirect_dma source(%dma_start3A_42 : memref<10000x128xf32, #tpu.memory_space<hbm>>) target(%arg9 : memref<125x128xf32, #tpu.memory_space<vmem>>) offsets(%dma_start3A_39 : memref<125xi32, #tpu.memory_space<vmem>>) semaphore(%arg12 : memref<!tpu.dma_semaphore, #tpu.memory_space<semaphore_mem>>)
      %dma_wait3A = arith.constant 18 : i32
      %dma_wait3A_43 = arith.constant 0 : i32
      %dma_wait3A_44 = tpu.memref_slice %arg6[%dma_wait3A, %dma_wait3A_43] : memref<20x125xi32, #tpu.memory_space<vmem>> -> memref<1x125xi32, #tpu.memory_space<vmem>>
      %dma_wait3A_45 = tpu.memref_squeeze %dma_wait3A_44 : memref<1x125xi32, #tpu.memory_space<vmem>> -> memref<125xi32, #tpu.memory_space<vmem>>
      %dma_wait3A_46 = arith.constant 0 : i32
      %dma_wait3A_47 = arith.constant 0 : i32
      %dma_wait3A_48 = tpu.memref_slice %arg2[%dma_wait3A_46, %dma_wait3A_47] : memref<10000x128xf32, #tpu.memory_space<hbm>> -> memref<10000x128xf32, #tpu.memory_space<hbm>>
      tpu.wait_indirect_dma semaphore(%arg11 : memref<!tpu.dma_semaphore, #tpu.memory_space<semaphore_mem>>) src(%dma_wait3A_48 : memref<10000x128xf32, #tpu.memory_space<hbm>>) dst(%arg8 : memref<125x128xf32, #tpu.memory_space<vmem>>)
      %run_scoped3A = arith.constant 18 : i32
      "tpu.region"() ({
        %run_scoped3A_57 = tpu.sem_alloc : memref<!tpu.dma_semaphore, #tpu.memory_space<semaphore_mem>>
        %dma_start3A_58 = arith.constant 0 : i32
        %dma_start3A_59 = tpu.memref_slice %arg7[%run_scoped3A, %dma_start3A_58] : memref<20x125xi32, #tpu.memory_space<vmem>> -> memref<1x125xi32, #tpu.memory_space<vmem>>
        %dma_start3A_60 = tpu.memref_squeeze %dma_start3A_59 : memref<1x125xi32, #tpu.memory_space<vmem>> -> memref<125xi32, #tpu.memory_space<vmem>>
        %dma_start3A_61 = arith.constant 0 : i32
        %dma_start3A_62 = arith.constant 0 : i32
        %dma_start3A_63 = tpu.memref_slice %arg10[%dma_start3A_61, %dma_start3A_62] : memref<10240x128xf32, #tpu.memory_space<vmem_shared>> -> memref<10240x128xf32, #tpu.memory_space<vmem_shared>>
        tpu.enqueue_indirect_dma source(%arg8 : memref<125x128xf32, #tpu.memory_space<vmem>>) target(%dma_start3A_63 : memref<10240x128xf32, #tpu.memory_space<vmem_shared>>) offsets(%dma_start3A_60 : memref<125xi32, #tpu.memory_space<vmem>>) semaphore(%run_scoped3A_57 : memref<!tpu.dma_semaphore, #tpu.memory_space<semaphore_mem>>) {add = true}
        %dma_wait3A_64 = arith.constant 0 : i32
        %dma_wait3A_65 = tpu.memref_slice %arg7[%run_scoped3A, %dma_wait3A_64] : memref<20x125xi32, #tpu.memory_space<vmem>> -> memref<1x125xi32, #tpu.memory_space<vmem>>
        %dma_wait3A_66 = tpu.memref_squeeze %dma_wait3A_65 : memref<1x125xi32, #tpu.memory_space<vmem>> -> memref<125xi32, #tpu.memory_space<vmem>>
        %dma_wait3A_67 = arith.constant 0 : i32
        %dma_wait3A_68 = arith.constant 0 : i32
        %dma_wait3A_69 = tpu.memref_slice %arg10[%dma_wait3A_67, %dma_wait3A_68] : memref<10240x128xf32, #tpu.memory_space<vmem_shared>> -> memref<10240x128xf32, #tpu.memory_space<vmem_shared>>
        tpu.wait_indirect_dma semaphore(%run_scoped3A_57 : memref<!tpu.dma_semaphore, #tpu.memory_space<semaphore_mem>>) src(%arg8 : memref<125x128xf32, #tpu.memory_space<vmem>>) dst(%dma_wait3A_69 : memref<10240x128xf32, #tpu.memory_space<vmem_shared>>)
        tpu.yield
      }) : () -> ()
      %dma_wait3A_49 = arith.constant 19 : i32
      %dma_wait3A_50 = arith.constant 0 : i32
      %dma_wait3A_51 = tpu.memref_slice %arg6[%dma_wait3A_49, %dma_wait3A_50] : memref<20x125xi32, #tpu.memory_space<vmem>> -> memref<1x125xi32, #tpu.memory_space<vmem>>
      %dma_wait3A_52 = tpu.memref_squeeze %dma_wait3A_51 : memref<1x125xi32, #tpu.memory_space<vmem>> -> memref<125xi32, #tpu.memory_space<vmem>>
      %dma_wait3A_53 = arith.constant 0 : i32
      %dma_wait3A_54 = arith.constant 0 : i32
      %dma_wait3A_55 = tpu.memref_slice %arg2[%dma_wait3A_53, %dma_wait3A_54] : memref<10000x128xf32, #tpu.memory_space<hbm>> -> memref<10000x128xf32, #tpu.memory_space<hbm>>
      tpu.wait_indirect_dma semaphore(%arg12 : memref<!tpu.dma_semaphore, #tpu.memory_space<semaphore_mem>>) src(%dma_wait3A_55 : memref<10000x128xf32, #tpu.memory_space<hbm>>) dst(%arg9 : memref<125x128xf32, #tpu.memory_space<vmem>>)
      %run_scoped3A_56 = arith.constant 19 : i32
      "tpu.region"() ({
        %run_scoped3A_57 = tpu.sem_alloc : memref<!tpu.dma_semaphore, #tpu.memory_space<semaphore_mem>>
        %dma_start3A_58 = arith.constant 0 : i32
        %dma_start3A_59 = tpu.memref_slice %arg7[%run_scoped3A_56, %dma_start3A_58] : memref<20x125xi32, #tpu.memory_space<vmem>> -> memref<1x125xi32, #tpu.memory_space<vmem>>
        %dma_start3A_60 = tpu.memref_squeeze %dma_start3A_59 : memref<1x125xi32, #tpu.memory_space<vmem>> -> memref<125xi32, #tpu.memory_space<vmem>>
        %dma_start3A_61 = arith.constant 0 : i32
        %dma_start3A_62 = arith.constant 0 : i32
        %dma_start3A_63 = tpu.memref_slice %arg10[%dma_start3A_61, %dma_start3A_62] : memref<10240x128xf32, #tpu.memory_space<vmem_shared>> -> memref<10240x128xf32, #tpu.memory_space<vmem_shared>>
        tpu.enqueue_indirect_dma source(%arg9 : memref<125x128xf32, #tpu.memory_space<vmem>>) target(%dma_start3A_63 : memref<10240x128xf32, #tpu.memory_space<vmem_shared>>) offsets(%dma_start3A_60 : memref<125xi32, #tpu.memory_space<vmem>>) semaphore(%run_scoped3A_57 : memref<!tpu.dma_semaphore, #tpu.memory_space<semaphore_mem>>) {add = true}
        %dma_wait3A_64 = arith.constant 0 : i32
        %dma_wait3A_65 = tpu.memref_slice %arg7[%run_scoped3A_56, %dma_wait3A_64] : memref<20x125xi32, #tpu.memory_space<vmem>> -> memref<1x125xi32, #tpu.memory_space<vmem>>
        %dma_wait3A_66 = tpu.memref_squeeze %dma_wait3A_65 : memref<1x125xi32, #tpu.memory_space<vmem>> -> memref<125xi32, #tpu.memory_space<vmem>>
        %dma_wait3A_67 = arith.constant 0 : i32
        %dma_wait3A_68 = arith.constant 0 : i32
        %dma_wait3A_69 = tpu.memref_slice %arg10[%dma_wait3A_67, %dma_wait3A_68] : memref<10240x128xf32, #tpu.memory_space<vmem_shared>> -> memref<10240x128xf32, #tpu.memory_space<vmem_shared>>
        tpu.wait_indirect_dma semaphore(%run_scoped3A_57 : memref<!tpu.dma_semaphore, #tpu.memory_space<semaphore_mem>>) src(%arg9 : memref<125x128xf32, #tpu.memory_space<vmem>>) dst(%dma_wait3A_69 : memref<10240x128xf32, #tpu.memory_space<vmem_shared>>)
        tpu.yield
      }) : () -> ()
    }
    %scan3A_18 = arith.constant 4 : i32
    %barrier3A_19 = arith.constant 0 : index
    tpu.barrier barrier_id(%barrier3A_19)
    %mul3A_20 = arith.constant 640 : i32
    %mul3A_21 = arith.muli %arg1, %mul3A_20 : i32
    %mul3A_22 = arith.constant 640 : i32
    %mul3A_23 = arith.muli %arg1, %mul3A_22 : i32
    "tpu.region"() ({
      %run_scoped3A = tpu.sem_alloc : memref<!tpu.dma_semaphore, #tpu.memory_space<semaphore_mem>>
      %dma_start3A = arith.constant 0 : i32
      %dma_start3A_24 = tpu.memref_slice %arg5[%arg0, %mul3A_23, %dma_start3A] : memref<2x10240x128xf32, #tpu.memory_space<hbm>> -> memref<1x640x128xf32, #tpu.memory_space<hbm>>
      %dma_start3A_25 = tpu.memref_squeeze %dma_start3A_24 : memref<1x640x128xf32, #tpu.memory_space<hbm>> -> memref<640x128xf32, #tpu.memory_space<hbm>>
      %dma_start3A_26 = arith.constant 0 : i32
      %dma_start3A_27 = tpu.memref_slice %arg10[%mul3A_21, %dma_start3A_26] : memref<10240x128xf32, #tpu.memory_space<vmem_shared>> -> memref<640x128xf32, #tpu.memory_space<vmem_shared>>
      tpu.enqueue_dma source(%dma_start3A_27 : memref<640x128xf32, #tpu.memory_space<vmem_shared>>) target(%dma_start3A_25 : memref<640x128xf32, #tpu.memory_space<hbm>>) target_semaphore(%run_scoped3A : memref<!tpu.dma_semaphore, #tpu.memory_space<semaphore_mem>>)
      %dma_wait3A = arith.constant 0 : i32
      %dma_wait3A_28 = tpu.memref_slice %arg5[%arg0, %mul3A_23, %dma_wait3A] : memref<2x10240x128xf32, #tpu.memory_space<hbm>> -> memref<1x640x128xf32, #tpu.memory_space<hbm>>
      %dma_wait3A_29 = tpu.memref_squeeze %dma_wait3A_28 : memref<1x640x128xf32, #tpu.memory_space<hbm>> -> memref<640x128xf32, #tpu.memory_space<hbm>>
      %dma_wait3A_30 = arith.constant 0 : i32
      %dma_wait3A_31 = tpu.memref_slice %arg10[%mul3A_21, %dma_wait3A_30] : memref<10240x128xf32, #tpu.memory_space<vmem_shared>> -> memref<640x128xf32, #tpu.memory_space<vmem_shared>>
      tpu.wait_dma2 semaphore(%run_scoped3A : memref<!tpu.dma_semaphore, #tpu.memory_space<semaphore_mem>>) src(%dma_wait3A_31 : memref<640x128xf32, #tpu.memory_space<vmem_shared>>) dst(%dma_wait3A_29 : memref<640x128xf32, #tpu.memory_space<hbm>>)
      tpu.yield
    }) : () -> ()
    return
  }
}

#map = affine_map<(d0, d1) -> (0, 0, 0, 0)>
#map1 = affine_map<(d0, d1) -> (0, 0, 0)>
module attributes {stable_mosaic.version = 14 : i64} {
  func.func @_sc_degree(%arg0: i32, %arg1: i32, %arg2: memref<32x4x20x125xi32, #tpu.memory_space<hbm>>, %arg3: memref<2x10240x128xf32, #tpu.memory_space<hbm>>, %arg4: memref<20x125xi32, #tpu.memory_space<vmem>>, %arg5: memref<125x128xf32, #tpu.memory_space<vmem>>, %arg6: memref<125x128xf32, #tpu.memory_space<vmem>>, %arg7: memref<10240x128xf32, #tpu.memory_space<vmem_shared>>, %arg8: memref<!tpu.dma_semaphore, #tpu.memory_space<semaphore_mem>>) attributes {dimension_semantics = [#tpu.dimension_semantics<core_parallel>, #tpu.dimension_semantics<subcore_parallel>], iteration_bounds = array<i64: 2, 16>, scalar_prefetch = 0 : i64, scratch_operands = 5 : i64, tpu.core_type = #tpu.core_type<sc_vector_subcore>, window_params = [{transform_indices = #map}, {transform_indices = #map1}]} {
    %mul3A = arith.constant 16 : i32
    %mul3A_0 = arith.muli %arg0, %mul3A : i32
    %add3A = arith.addi %mul3A_0, %arg1 : i32
    %broadcast_in_dim3A = arith.constant 1.000000e+00 : f32
    %broadcast_in_dim3A_1 = vector.broadcast %broadcast_in_dim3A : f32 to vector<16xf32>
    %broadcast_in_dim3A_2 = arith.constant 0.000000e+00 : f32
    %broadcast_in_dim3A_3 = vector.broadcast %broadcast_in_dim3A_2 : f32 to vector<16xf32>
    %scan3A = arith.constant 0 : i32
    %scan3A_4 = arith.constant 0 : i32
    %scan3A_5 = arith.constant 1000 : i32
    %scan3A_6 = arith.addi %scan3A_4, %scan3A_5 : i32
    %scan3A_7 = arith.constant 1 : i32
    scf.for %scan3A_26 = %scan3A_4 to %scan3A_6 step %scan3A_7  : i32 {
      %jit3A = arith.constant 8 : i32
      %div3A = arith.divsi %scan3A_26, %jit3A : i32
      %sign3A = arith.constant 0 : i32
      %sign3A_27 = arith.cmpi sgt, %scan3A_26, %sign3A : i32
      %sign3A_28 = arith.extui %sign3A_27 : i1 to i32
      %sign3A_29 = arith.constant 0 : i32
      %sign3A_30 = arith.cmpi slt, %scan3A_26, %sign3A_29 : i32
      %sign3A_31 = arith.extui %sign3A_30 : i1 to i32
      %sign3A_32 = arith.subi %sign3A_28, %sign3A_31 : i32
      %sign3A_33 = arith.constant 0 : i32
      %sign3A_34 = arith.cmpi sgt, %jit3A, %sign3A_33 : i32
      %sign3A_35 = arith.extui %sign3A_34 : i1 to i32
      %sign3A_36 = arith.constant 0 : i32
      %sign3A_37 = arith.cmpi slt, %jit3A, %sign3A_36 : i32
      %sign3A_38 = arith.extui %sign3A_37 : i1 to i32
      %sign3A_39 = arith.subi %sign3A_35, %sign3A_38 : i32
      %ne3A = arith.cmpi ne, %sign3A_32, %sign3A_39 : i32
      %rem3A = arith.remsi %scan3A_26, %jit3A : i32
      %ne3A_40 = arith.constant 0 : i32
      %ne3A_41 = arith.cmpi ne, %rem3A, %ne3A_40 : i32
      %and3A = arith.andi %ne3A, %ne3A_41 : i1
      %sub3A = arith.constant 1 : i32
      %sub3A_42 = arith.subi %div3A, %sub3A : i32
      %select_n3A = arith.select %and3A, %sub3A_42, %div3A : i32
      %mul3A_43 = arith.constant 8 : i32
      %mul3A_44 = arith.muli %select_n3A, %mul3A_43 : i32
      %sub3A_45 = arith.subi %scan3A_26, %mul3A_44 : i32
      %mul3A_46 = arith.constant 16 : i32
      %mul3A_47 = arith.muli %sub3A_45, %mul3A_46 : i32
      %swap3A = arith.index_cast %select_n3A : i32 to index
      %swap3A_48 = arith.index_cast %mul3A_47 : i32 to index
      %swap3A_49 = tpu.vector_load %arg5[%swap3A, %swap3A_48] {strides = array<i32>} : memref<125x128xf32, #tpu.memory_space<vmem>>, vector<1x16xf32>,
      %swap3A_50 = vector.shape_cast %swap3A_49 : vector<1x16xf32> to vector<16xf32>
      %swap3A_51 = vector.shape_cast %broadcast_in_dim3A_1 : vector<16xf32> to vector<1x16xf32>
      tpu.vector_store %arg5[%swap3A, %swap3A_48], %swap3A_51 {strides = array<i32>} : memref<125x128xf32, #tpu.memory_space<vmem>>, vector<1x16xf32>,
      %mul3A_52 = arith.constant 16 : i32
      %mul3A_53 = arith.muli %sub3A_45, %mul3A_52 : i32
      %swap3A_54 = arith.index_cast %select_n3A : i32 to index
      %swap3A_55 = arith.index_cast %mul3A_53 : i32 to index
      %swap3A_56 = tpu.vector_load %arg6[%swap3A_54, %swap3A_55] {strides = array<i32>} : memref<125x128xf32, #tpu.memory_space<vmem>>, vector<1x16xf32>,
      %swap3A_57 = vector.shape_cast %swap3A_56 : vector<1x16xf32> to vector<16xf32>
      %swap3A_58 = vector.shape_cast %broadcast_in_dim3A_3 : vector<16xf32> to vector<1x16xf32>
      tpu.vector_store %arg6[%swap3A_54, %swap3A_55], %swap3A_58 {strides = array<i32>} : memref<125x128xf32, #tpu.memory_space<vmem>>, vector<1x16xf32>,
    }
    %scan3A_8 = arith.constant 1000 : i32
    %scan3A_9 = arith.constant 0 : i32
    %scan3A_10 = arith.constant 0 : i32
    %scan3A_11 = arith.constant 10 : i32
    %scan3A_12 = arith.addi %scan3A_10, %scan3A_11 : i32
    %scan3A_13 = arith.constant 1 : i32
    scf.for %scan3A_26 = %scan3A_10 to %scan3A_12 step %scan3A_13  : i32 {
      %mul3A_27 = arith.constant 640 : i32
      %mul3A_28 = arith.muli %arg1, %mul3A_27 : i32
      %mul3A_29 = arith.constant 64 : i32
      %mul3A_30 = arith.muli %scan3A_26, %mul3A_29 : i32
      %add3A_31 = arith.addi %mul3A_28, %mul3A_30 : i32
      "tpu.region"() ({
        %run_scoped3A = tpu.sem_alloc : memref<!tpu.dma_semaphore, #tpu.memory_space<semaphore_mem>>
        %dma_start3A = arith.constant 0 : i32
        %dma_start3A_32 = arith.constant 0 : i32
        %dma_start3A_33 = tpu.memref_slice %arg6[%dma_start3A, %dma_start3A_32] : memref<125x128xf32, #tpu.memory_space<vmem>> -> memref<64x128xf32, #tpu.memory_space<vmem>>
        %dma_start3A_34 = arith.constant 0 : i32
        %dma_start3A_35 = tpu.memref_slice %arg7[%add3A_31, %dma_start3A_34] : memref<10240x128xf32, #tpu.memory_space<vmem_shared>> -> memref<64x128xf32, #tpu.memory_space<vmem_shared>>
        %dma_start3A_36 = arith.constant 0 : i32
        %dma_start3A_37 = tpu.memref_slice %arg7[%add3A_31, %dma_start3A_36] : memref<10240x128xf32, #tpu.memory_space<vmem_shared>> -> memref<64x128xf32, #tpu.memory_space<vmem_shared>>
        %dma_start3A_38 = arith.constant 0 : i32
        %dma_start3A_39 = arith.constant 0 : i32
        %dma_start3A_40 = tpu.memref_slice %arg6[%dma_start3A_38, %dma_start3A_39] : memref<125x128xf32, #tpu.memory_space<vmem>> -> memref<64x128xf32, #tpu.memory_space<vmem>>
        tpu.enqueue_dma source(%dma_start3A_40 : memref<64x128xf32, #tpu.memory_space<vmem>>) target(%dma_start3A_37 : memref<64x128xf32, #tpu.memory_space<vmem_shared>>) target_semaphore(%run_scoped3A : memref<!tpu.dma_semaphore, #tpu.memory_space<semaphore_mem>>)
        %dma_wait3A = arith.constant 0 : i32
        %dma_wait3A_41 = arith.constant 0 : i32
        %dma_wait3A_42 = tpu.memref_slice %arg6[%dma_wait3A, %dma_wait3A_41] : memref<125x128xf32, #tpu.memory_space<vmem>> -> memref<64x128xf32, #tpu.memory_space<vmem>>
        %dma_wait3A_43 = arith.constant 0 : i32
        %dma_wait3A_44 = tpu.memref_slice %arg7[%add3A_31, %dma_wait3A_43] : memref<10240x128xf32, #tpu.memory_space<vmem_shared>> -> memref<64x128xf32, #tpu.memory_space<vmem_shared>>
        %dma_wait3A_45 = arith.constant 0 : i32
        %dma_wait3A_46 = tpu.memref_slice %arg7[%add3A_31, %dma_wait3A_45] : memref<10240x128xf32, #tpu.memory_space<vmem_shared>> -> memref<64x128xf32, #tpu.memory_space<vmem_shared>>
        %dma_wait3A_47 = arith.constant 0 : i32
        %dma_wait3A_48 = arith.constant 0 : i32
        %dma_wait3A_49 = tpu.memref_slice %arg6[%dma_wait3A_47, %dma_wait3A_48] : memref<125x128xf32, #tpu.memory_space<vmem>> -> memref<64x128xf32, #tpu.memory_space<vmem>>
        tpu.wait_dma2 semaphore(%run_scoped3A : memref<!tpu.dma_semaphore, #tpu.memory_space<semaphore_mem>>) src(%dma_wait3A_49 : memref<64x128xf32, #tpu.memory_space<vmem>>) dst(%dma_wait3A_46 : memref<64x128xf32, #tpu.memory_space<vmem_shared>>)
        tpu.yield
      }) : () -> ()
    }
    %scan3A_14 = arith.constant 10 : i32
    %barrier3A = arith.constant 0 : index
    tpu.barrier barrier_id(%barrier3A)
    %scan3A_15 = arith.constant 0 : i32
    %scan3A_16 = arith.constant 0 : i32
    %scan3A_17 = arith.constant 4 : i32
    %scan3A_18 = arith.addi %scan3A_16, %scan3A_17 : i32
    %scan3A_19 = arith.constant 1 : i32
    scf.for %scan3A_26 = %scan3A_16 to %scan3A_18 step %scan3A_19  : i32 {
      "tpu.region"() ({
        %run_scoped3A = tpu.sem_alloc : memref<!tpu.dma_semaphore, #tpu.memory_space<semaphore_mem>>
        %dma_start3A = arith.constant 0 : i32
        %dma_start3A_37 = arith.constant 0 : i32
        %dma_start3A_38 = tpu.memref_slice %arg2[%add3A, %scan3A_26, %dma_start3A, %dma_start3A_37] : memref<32x4x20x125xi32, #tpu.memory_space<hbm>> -> memref<1x1x20x125xi32, #tpu.memory_space<hbm>>
        %dma_start3A_39 = tpu.memref_squeeze %dma_start3A_38 : memref<1x1x20x125xi32, #tpu.memory_space<hbm>> -> memref<20x125xi32, #tpu.memory_space<hbm>>
        %dma_start3A_40 = arith.constant 0 : i32
        %dma_start3A_41 = arith.constant 0 : i32
        %dma_start3A_42 = tpu.memref_slice %arg2[%add3A, %scan3A_26, %dma_start3A_40, %dma_start3A_41] : memref<32x4x20x125xi32, #tpu.memory_space<hbm>> -> memref<1x1x20x125xi32, #tpu.memory_space<hbm>>
        %dma_start3A_43 = tpu.memref_squeeze %dma_start3A_42 : memref<1x1x20x125xi32, #tpu.memory_space<hbm>> -> memref<20x125xi32, #tpu.memory_space<hbm>>
        tpu.enqueue_dma source(%dma_start3A_43 : memref<20x125xi32, #tpu.memory_space<hbm>>) target(%arg4 : memref<20x125xi32, #tpu.memory_space<vmem>>) target_semaphore(%run_scoped3A : memref<!tpu.dma_semaphore, #tpu.memory_space<semaphore_mem>>)
        %dma_wait3A = arith.constant 0 : i32
        %dma_wait3A_44 = arith.constant 0 : i32
        %dma_wait3A_45 = tpu.memref_slice %arg2[%add3A, %scan3A_26, %dma_wait3A, %dma_wait3A_44] : memref<32x4x20x125xi32, #tpu.memory_space<hbm>> -> memref<1x1x20x125xi32, #tpu.memory_space<hbm>>
        %dma_wait3A_46 = tpu.memref_squeeze %dma_wait3A_45 : memref<1x1x20x125xi32, #tpu.memory_space<hbm>> -> memref<20x125xi32, #tpu.memory_space<hbm>>
        %dma_wait3A_47 = arith.constant 0 : i32
        %dma_wait3A_48 = arith.constant 0 : i32
        %dma_wait3A_49 = tpu.memref_slice %arg2[%add3A, %scan3A_26, %dma_wait3A_47, %dma_wait3A_48] : memref<32x4x20x125xi32, #tpu.memory_space<hbm>> -> memref<1x1x20x125xi32, #tpu.memory_space<hbm>>
        %dma_wait3A_50 = tpu.memref_squeeze %dma_wait3A_49 : memref<1x1x20x125xi32, #tpu.memory_space<hbm>> -> memref<20x125xi32, #tpu.memory_space<hbm>>
        tpu.wait_dma2 semaphore(%run_scoped3A : memref<!tpu.dma_semaphore, #tpu.memory_space<semaphore_mem>>) src(%dma_wait3A_50 : memref<20x125xi32, #tpu.memory_space<hbm>>) dst(%arg4 : memref<20x125xi32, #tpu.memory_space<vmem>>)
        tpu.yield
      }) : () -> ()
      %scan3A_27 = arith.constant 0 : i32
      %scan3A_28 = arith.constant 20 : i32
      %scan3A_29 = arith.addi %scan3A_27, %scan3A_28 : i32
      %scan3A_30 = arith.constant 1 : i32
      scf.for %scan3A_37 = %scan3A_27 to %scan3A_29 step %scan3A_30  : i32 {
        %dma_start3A = arith.constant 0 : i32
        %dma_start3A_38 = tpu.memref_slice %arg4[%scan3A_37, %dma_start3A] : memref<20x125xi32, #tpu.memory_space<vmem>> -> memref<1x125xi32, #tpu.memory_space<vmem>>
        %dma_start3A_39 = tpu.memref_squeeze %dma_start3A_38 : memref<1x125xi32, #tpu.memory_space<vmem>> -> memref<125xi32, #tpu.memory_space<vmem>>
        %dma_start3A_40 = arith.constant 0 : i32
        %dma_start3A_41 = arith.constant 0 : i32
        %dma_start3A_42 = tpu.memref_slice %arg7[%dma_start3A_40, %dma_start3A_41] : memref<10240x128xf32, #tpu.memory_space<vmem_shared>> -> memref<10240x128xf32, #tpu.memory_space<vmem_shared>>
        tpu.enqueue_indirect_dma source(%arg5 : memref<125x128xf32, #tpu.memory_space<vmem>>) target(%dma_start3A_42 : memref<10240x128xf32, #tpu.memory_space<vmem_shared>>) offsets(%dma_start3A_39 : memref<125xi32, #tpu.memory_space<vmem>>) semaphore(%arg8 : memref<!tpu.dma_semaphore, #tpu.memory_space<semaphore_mem>>) {add = true}
      }
      %scan3A_31 = arith.constant 20 : i32
      %scan3A_32 = arith.constant 0 : i32
      %scan3A_33 = arith.constant 20 : i32
      %scan3A_34 = arith.addi %scan3A_32, %scan3A_33 : i32
      %scan3A_35 = arith.constant 1 : i32
      scf.for %scan3A_37 = %scan3A_32 to %scan3A_34 step %scan3A_35  : i32 {
        %dma_wait3A = arith.constant 0 : i32
        %dma_wait3A_38 = tpu.memref_slice %arg4[%scan3A_37, %dma_wait3A] : memref<20x125xi32, #tpu.memory_space<vmem>> -> memref<1x125xi32, #tpu.memory_space<vmem>>
        %dma_wait3A_39 = tpu.memref_squeeze %dma_wait3A_38 : memref<1x125xi32, #tpu.memory_space<vmem>> -> memref<125xi32, #tpu.memory_space<vmem>>
        %dma_wait3A_40 = arith.constant 0 : i32
        %dma_wait3A_41 = arith.constant 0 : i32
        %dma_wait3A_42 = tpu.memref_slice %arg7[%dma_wait3A_40, %dma_wait3A_41] : memref<10240x128xf32, #tpu.memory_space<vmem_shared>> -> memref<10240x128xf32, #tpu.memory_space<vmem_shared>>
        tpu.wait_indirect_dma semaphore(%arg8 : memref<!tpu.dma_semaphore, #tpu.memory_space<semaphore_mem>>) src(%arg5 : memref<125x128xf32, #tpu.memory_space<vmem>>) dst(%dma_wait3A_42 : memref<10240x128xf32, #tpu.memory_space<vmem_shared>>)
      }
      %scan3A_36 = arith.constant 20 : i32
    }
    %scan3A_20 = arith.constant 4 : i32
    %barrier3A_21 = arith.constant 0 : index
    tpu.barrier barrier_id(%barrier3A_21)
    %mul3A_22 = arith.constant 640 : i32
    %mul3A_23 = arith.muli %arg1, %mul3A_22 : i32
    %mul3A_24 = arith.constant 640 : i32
    %mul3A_25 = arith.muli %arg1, %mul3A_24 : i32
    "tpu.region"() ({
      %run_scoped3A = tpu.sem_alloc : memref<!tpu.dma_semaphore, #tpu.memory_space<semaphore_mem>>
      %dma_start3A = arith.constant 0 : i32
      %dma_start3A_26 = tpu.memref_slice %arg3[%arg0, %mul3A_25, %dma_start3A] : memref<2x10240x128xf32, #tpu.memory_space<hbm>> -> memref<1x640x128xf32, #tpu.memory_space<hbm>>
      %dma_start3A_27 = tpu.memref_squeeze %dma_start3A_26 : memref<1x640x128xf32, #tpu.memory_space<hbm>> -> memref<640x128xf32, #tpu.memory_space<hbm>>
      %dma_start3A_28 = arith.constant 0 : i32
      %dma_start3A_29 = tpu.memref_slice %arg7[%mul3A_23, %dma_start3A_28] : memref<10240x128xf32, #tpu.memory_space<vmem_shared>> -> memref<640x128xf32, #tpu.memory_space<vmem_shared>>
      tpu.enqueue_dma source(%dma_start3A_29 : memref<640x128xf32, #tpu.memory_space<vmem_shared>>) target(%dma_start3A_27 : memref<640x128xf32, #tpu.memory_space<hbm>>) target_semaphore(%run_scoped3A : memref<!tpu.dma_semaphore, #tpu.memory_space<semaphore_mem>>)
      %dma_wait3A = arith.constant 0 : i32
      %dma_wait3A_30 = tpu.memref_slice %arg3[%arg0, %mul3A_25, %dma_wait3A] : memref<2x10240x128xf32, #tpu.memory_space<hbm>> -> memref<1x640x128xf32, #tpu.memory_space<hbm>>
      %dma_wait3A_31 = tpu.memref_squeeze %dma_wait3A_30 : memref<1x640x128xf32, #tpu.memory_space<hbm>> -> memref<640x128xf32, #tpu.memory_space<hbm>>
      %dma_wait3A_32 = arith.constant 0 : i32
      %dma_wait3A_33 = tpu.memref_slice %arg7[%mul3A_23, %dma_wait3A_32] : memref<10240x128xf32, #tpu.memory_space<vmem_shared>> -> memref<640x128xf32, #tpu.memory_space<vmem_shared>>
      tpu.wait_dma2 semaphore(%run_scoped3A : memref<!tpu.dma_semaphore, #tpu.memory_space<semaphore_mem>>) src(%dma_wait3A_33 : memref<640x128xf32, #tpu.memory_space<vmem_shared>>) dst(%dma_wait3A_31 : memref<640x128xf32, #tpu.memory_space<hbm>>)
      tpu.yield
    }) : () -> ()
    return
  }
}

module attributes {stable_mosaic.version = 14 : i64} {
  func.func @_tc_prep_body(%arg0: memref<10000x128xf32, #tpu.memory_space<vmem>>, %arg1: memref<2x10240x128xf32, #tpu.memory_space<vmem>>, %arg2: memref<10000x128xf32, #tpu.memory_space<vmem>>, %arg3: memref<10000x1xf32, #tpu.memory_space<vmem>>) attributes {dimension_semantics = [], scalar_prefetch = 0 : i64, scratch_operands = 0 : i64, tpu.core_type = #tpu.core_type<tc>} {
    %get3A = arith.constant 0 : index
    %get3A_0 = arith.constant 0 : index
    %get3A_1 = arith.constant 0 : index
    %get3A_2 = vector.load %arg1[%get3A, %get3A_0, %get3A_1] : memref<2x10240x128xf32, #tpu.memory_space<vmem>>, vector<1x10000x1xf32>
    %get3A_3 = vector.shape_cast %get3A_2 : vector<1x10000x1xf32> to vector<10000x1xf32>
    %get3A_4 = arith.constant 1 : index
    %get3A_5 = arith.constant 0 : index
    %get3A_6 = arith.constant 0 : index
    %get3A_7 = vector.load %arg1[%get3A_4, %get3A_5, %get3A_6] : memref<2x10240x128xf32, #tpu.memory_space<vmem>>, vector<1x10000x1xf32>
    %get3A_8 = vector.shape_cast %get3A_7 : vector<1x10000x1xf32> to vector<10000x1xf32>
    %add3A = arith.addf %get3A_3, %get3A_8 : vector<10000x1xf32>
    %add3A_9 = arith.constant 1.000000e+00 : f32
    %add3A_10 = vector.broadcast %add3A_9 : f32 to vector<10000x1xf32>
    %add3A_11 = arith.addf %add3A, %add3A_10 : vector<10000x1xf32>
    %rsqrt3A = math.rsqrt %add3A_11 : vector<10000x1xf32>
    %swap3A = arith.constant 0 : index
    %swap3A_12 = arith.constant 0 : index
    %swap3A_13 = vector.load %arg3[%swap3A, %swap3A_12] : memref<10000x1xf32, #tpu.memory_space<vmem>>, vector<10000x1xf32>
    tpu.vector_store %arg3[%swap3A, %swap3A_12], %rsqrt3A {strides = array<i32>} : memref<10000x1xf32, #tpu.memory_space<vmem>>, vector<10000x1xf32>,
    %get3A_14 = arith.constant 0 : index
    %get3A_15 = arith.constant 0 : index
    %get3A_16 = vector.load %arg0[%get3A_14, %get3A_15] : memref<10000x128xf32, #tpu.memory_space<vmem>>, vector<10000x128xf32>
    %mul3A = vector.broadcast %rsqrt3A : vector<10000x1xf32> to vector<10000x128xf32>
    %mul3A_17 = arith.mulf %get3A_16, %mul3A : vector<10000x128xf32>
    %swap3A_18 = arith.constant 0 : index
    %swap3A_19 = arith.constant 0 : index
    %swap3A_20 = vector.load %arg2[%swap3A_18, %swap3A_19] : memref<10000x128xf32, #tpu.memory_space<vmem>>, vector<10000x128xf32>
    tpu.vector_store %arg2[%swap3A_18, %swap3A_19], %mul3A_17 {strides = array<i32>} : memref<10000x128xf32, #tpu.memory_space<vmem>>, vector<10000x128xf32>,
    return
  }
}

module attributes {stable_mosaic.version = 14 : i64} {
  func.func @_tc_mm1_body(%arg0: memref<10000x128xf32, #tpu.memory_space<vmem>>, %arg1: memref<128x128xf32, #tpu.memory_space<vmem>>, %arg2: memref<10000x128xf32, #tpu.memory_space<vmem>>) attributes {dimension_semantics = [], scalar_prefetch = 0 : i64, scratch_operands = 0 : i64, tpu.core_type = #tpu.core_type<tc>} {
    %get3A = arith.constant 0 : index
    %get3A_0 = arith.constant 0 : index
    %get3A_1 = vector.load %arg0[%get3A, %get3A_0] : memref<10000x128xf32, #tpu.memory_space<vmem>>, vector<10000x128xf32>
    %get3A_2 = arith.constant 0 : index
    %get3A_3 = arith.constant 0 : index
    %get3A_4 = vector.load %arg1[%get3A_2, %get3A_3] : memref<128x128xf32, #tpu.memory_space<vmem>>, vector<128x128xf32>
    %dot_general3A = arith.constant dense<0.000000e+00> : vector<10000x128xf32>
    %dot_general3A_5 = tpu.matmul %get3A_1, %get3A_4, %dot_general3A {dimension_numbers = #tpu.dot_dimension_numbers<[1], [1], [0], [0], [0, 0, 1, 0], [], []>, transpose_lhs_hint = false} : vector<10000x128xf32>, vector<128x128xf32>, vector<10000x128xf32> -> vector<10000x128xf32>
    %swap3A = arith.constant 0 : index
    %swap3A_6 = arith.constant 0 : index
    %swap3A_7 = vector.load %arg2[%swap3A, %swap3A_6] : memref<10000x128xf32, #tpu.memory_space<vmem>>, vector<10000x128xf32>
    tpu.vector_store %arg2[%swap3A, %swap3A_6], %dot_general3A_5 {strides = array<i32>} : memref<10000x128xf32, #tpu.memory_space<vmem>>, vector<10000x128xf32>,
    return
  }
}

module attributes {stable_mosaic.version = 14 : i64} {
  func.func @_tc_mid_body(%arg0: memref<2x10240x128xf32, #tpu.memory_space<vmem>>, %arg1: memref<10000x128xf32, #tpu.memory_space<vmem>>, %arg2: memref<10000x1xf32, #tpu.memory_space<vmem>>, %arg3: memref<1x128xf32, #tpu.memory_space<vmem>>, %arg4: memref<1x128xf32, #tpu.memory_space<vmem>>, %arg5: memref<1x128xf32, #tpu.memory_space<vmem>>, %arg6: memref<128x128xf32, #tpu.memory_space<vmem>>, %arg7: memref<1x1xf32, #tpu.memory_space<vmem>>, %arg8: memref<10000x128xf32, #tpu.memory_space<vmem>>) attributes {dimension_semantics = [], scalar_prefetch = 0 : i64, scratch_operands = 0 : i64, tpu.core_type = #tpu.core_type<tc>} {
    %get3A = arith.constant 0 : index
    %get3A_0 = arith.constant 0 : index
    %get3A_1 = vector.load %arg2[%get3A, %get3A_0] : memref<10000x1xf32, #tpu.memory_space<vmem>>, vector<10000x1xf32>
    %get3A_2 = arith.constant 0 : index
    %get3A_3 = arith.constant 0 : index
    %get3A_4 = arith.constant 0 : index
    %get3A_5 = vector.load %arg0[%get3A_2, %get3A_3, %get3A_4] : memref<2x10240x128xf32, #tpu.memory_space<vmem>>, vector<1x10000x128xf32>
    %get3A_6 = vector.shape_cast %get3A_5 : vector<1x10000x128xf32> to vector<10000x128xf32>
    %get3A_7 = arith.constant 1 : index
    %get3A_8 = arith.constant 0 : index
    %get3A_9 = arith.constant 0 : index
    %get3A_10 = vector.load %arg0[%get3A_7, %get3A_8, %get3A_9] : memref<2x10240x128xf32, #tpu.memory_space<vmem>>, vector<1x10000x128xf32>
    %get3A_11 = vector.shape_cast %get3A_10 : vector<1x10000x128xf32> to vector<10000x128xf32>
    %add3A = arith.addf %get3A_6, %get3A_11 : vector<10000x128xf32>
    %get3A_12 = arith.constant 0 : index
    %get3A_13 = arith.constant 0 : index
    %get3A_14 = vector.load %arg1[%get3A_12, %get3A_13] : memref<10000x128xf32, #tpu.memory_space<vmem>>, vector<10000x128xf32>
    %add3A_15 = arith.addf %add3A, %get3A_14 : vector<10000x128xf32>
    %mul3A = vector.broadcast %get3A_1 : vector<10000x1xf32> to vector<10000x128xf32>
    %mul3A_16 = arith.mulf %add3A_15, %mul3A : vector<10000x128xf32>
    %get3A_17 = arith.constant 0 : index
    %get3A_18 = arith.constant 0 : index
    %get3A_19 = vector.load %arg3[%get3A_17, %get3A_18] : memref<1x128xf32, #tpu.memory_space<vmem>>, vector<1x128xf32>
    %add3A_20 = vector.broadcast %get3A_19 : vector<1x128xf32> to vector<10000x128xf32>
    %add3A_21 = arith.addf %mul3A_16, %add3A_20 : vector<10000x128xf32>
    %get3A_22 = arith.constant 0 : index
    %get3A_23 = arith.constant 0 : index
    %get3A_24 = vector.load %arg4[%get3A_22, %get3A_23] : memref<1x128xf32, #tpu.memory_space<vmem>>, vector<1x128xf32>
    %get3A_25 = arith.constant 0 : index
    %get3A_26 = arith.constant 0 : index
    %get3A_27 = vector.load %arg5[%get3A_25, %get3A_26] : memref<1x128xf32, #tpu.memory_space<vmem>>, vector<1x128xf32>
    %get3A_28 = arith.constant 0 : index
    %get3A_29 = arith.constant 0 : index
    %get3A_30 = vector.load %arg7[%get3A_28, %get3A_29] : memref<1x1xf32, #tpu.memory_space<vmem>>, vector<1x1xf32>
    %get3A_31 = vector.extract %get3A_30[0, 0] : f32 from vector<1x1xf32>
    %reduce_sum3A = arith.constant dense<0.000000e+00> : vector<128xf32>
    %reduce_sum3A_32 = vector.multi_reduction <add>, %add3A_21, %reduce_sum3A [0] : vector<10000x128xf32> to vector<128xf32>
    %broadcast_in_dim3A = vector.shape_cast %reduce_sum3A_32 : vector<128xf32> to vector<1x128xf32>
    %div3A = arith.constant 1.000000e+04 : f32
    %div3A_33 = vector.broadcast %div3A : f32 to vector<1x128xf32>
    %div3A_34 = arith.divf %broadcast_in_dim3A, %div3A_33 : vector<1x128xf32>
    %sub3A = vector.broadcast %div3A_34 : vector<1x128xf32> to vector<10000x128xf32>
    %sub3A_35 = arith.subf %add3A_21, %sub3A : vector<10000x128xf32>
    %sub3A_36 = vector.broadcast %div3A_34 : vector<1x128xf32> to vector<10000x128xf32>
    %sub3A_37 = arith.subf %add3A_21, %sub3A_36 : vector<10000x128xf32>
    %mul3A_38 = arith.mulf %sub3A_35, %sub3A_37 : vector<10000x128xf32>
    %reduce_sum3A_39 = arith.constant dense<0.000000e+00> : vector<128xf32>
    %reduce_sum3A_40 = vector.multi_reduction <add>, %mul3A_38, %reduce_sum3A_39 [0] : vector<10000x128xf32> to vector<128xf32>
    %broadcast_in_dim3A_41 = vector.shape_cast %reduce_sum3A_40 : vector<128xf32> to vector<1x128xf32>
    %div3A_42 = arith.constant 1.000000e+04 : f32
    %div3A_43 = vector.broadcast %div3A_42 : f32 to vector<1x128xf32>
    %div3A_44 = arith.divf %broadcast_in_dim3A_41, %div3A_43 : vector<1x128xf32>
    %sub3A_45 = vector.broadcast %div3A_34 : vector<1x128xf32> to vector<10000x128xf32>
    %sub3A_46 = arith.subf %add3A_21, %sub3A_45 : vector<10000x128xf32>
    %add3A_47 = arith.constant 9.99999974E-6 : f32
    %add3A_48 = vector.broadcast %add3A_47 : f32 to vector<1x128xf32>
    %add3A_49 = arith.addf %div3A_44, %add3A_48 : vector<1x128xf32>
    %rsqrt3A = math.rsqrt %add3A_49 : vector<1x128xf32>
    %mul3A_50 = vector.broadcast %rsqrt3A : vector<1x128xf32> to vector<10000x128xf32>
    %mul3A_51 = arith.mulf %sub3A_46, %mul3A_50 : vector<10000x128xf32>
    %mul3A_52 = vector.broadcast %get3A_24 : vector<1x128xf32> to vector<10000x128xf32>
    %mul3A_53 = arith.mulf %mul3A_51, %mul3A_52 : vector<10000x128xf32>
    %add3A_54 = vector.broadcast %get3A_27 : vector<1x128xf32> to vector<10000x128xf32>
    %add3A_55 = arith.addf %mul3A_53, %add3A_54 : vector<10000x128xf32>
    %ge3A = arith.constant 0.000000e+00 : f32
    %ge3A_56 = vector.broadcast %ge3A : f32 to vector<10000x128xf32>
    %ge3A_57 = arith.cmpf oge, %add3A_55, %ge3A_56 : vector<10000x128xf32>
    %mul3A_58 = vector.broadcast %get3A_31 : f32 to vector<10000x128xf32>
    %mul3A_59 = arith.mulf %mul3A_58, %add3A_55 : vector<10000x128xf32>
    %select_n3A = arith.select %ge3A_57, %add3A_55, %mul3A_59 : vector<10000x128xi1>, vector<10000x128xf32>
    %get3A_60 = arith.constant 0 : index
    %get3A_61 = arith.constant 0 : index
    %get3A_62 = vector.load %arg6[%get3A_60, %get3A_61] : memref<128x128xf32, #tpu.memory_space<vmem>>, vector<128x128xf32>
    %dot_general3A = arith.constant dense<0.000000e+00> : vector<10000x128xf32>
    %dot_general3A_63 = tpu.matmul %select_n3A, %get3A_62, %dot_general3A {dimension_numbers = #tpu.dot_dimension_numbers<[1], [1], [0], [0], [0, 0, 1, 0], [], []>, transpose_lhs_hint = false} : vector<10000x128xf32>, vector<128x128xf32>, vector<10000x128xf32> -> vector<10000x128xf32>
    %mul3A_64 = vector.broadcast %get3A_1 : vector<10000x1xf32> to vector<10000x128xf32>
    %mul3A_65 = arith.mulf %dot_general3A_63, %mul3A_64 : vector<10000x128xf32>
    %swap3A = arith.constant 0 : index
    %swap3A_66 = arith.constant 0 : index
    %swap3A_67 = vector.load %arg8[%swap3A, %swap3A_66] : memref<10000x128xf32, #tpu.memory_space<vmem>>, vector<10000x128xf32>
    tpu.vector_store %arg8[%swap3A, %swap3A_66], %mul3A_65 {strides = array<i32>} : memref<10000x128xf32, #tpu.memory_space<vmem>>, vector<10000x128xf32>,
    return
  }
}

module attributes {stable_mosaic.version = 14 : i64} {
  func.func @_tc_final_body(%arg0: memref<2x10240x128xf32, #tpu.memory_space<vmem>>, %arg1: memref<10000x128xf32, #tpu.memory_space<vmem>>, %arg2: memref<10000x1xf32, #tpu.memory_space<vmem>>, %arg3: memref<1x128xf32, #tpu.memory_space<vmem>>, %arg4: memref<1x128xf32, #tpu.memory_space<vmem>>, %arg5: memref<1x128xf32, #tpu.memory_space<vmem>>, %arg6: memref<1x1xf32, #tpu.memory_space<vmem>>, %arg7: memref<10000x128xf32, #tpu.memory_space<vmem>>) attributes {dimension_semantics = [], scalar_prefetch = 0 : i64, scratch_operands = 0 : i64, tpu.core_type = #tpu.core_type<tc>} {
    %get3A = arith.constant 0 : index
    %get3A_0 = arith.constant 0 : index
    %get3A_1 = arith.constant 0 : index
    %get3A_2 = vector.load %arg0[%get3A, %get3A_0, %get3A_1] : memref<2x10240x128xf32, #tpu.memory_space<vmem>>, vector<1x10000x128xf32>
    %get3A_3 = vector.shape_cast %get3A_2 : vector<1x10000x128xf32> to vector<10000x128xf32>
    %get3A_4 = arith.constant 1 : index
    %get3A_5 = arith.constant 0 : index
    %get3A_6 = arith.constant 0 : index
    %get3A_7 = vector.load %arg0[%get3A_4, %get3A_5, %get3A_6] : memref<2x10240x128xf32, #tpu.memory_space<vmem>>, vector<1x10000x128xf32>
    %get3A_8 = vector.shape_cast %get3A_7 : vector<1x10000x128xf32> to vector<10000x128xf32>
    %add3A = arith.addf %get3A_3, %get3A_8 : vector<10000x128xf32>
    %get3A_9 = arith.constant 0 : index
    %get3A_10 = arith.constant 0 : index
    %get3A_11 = vector.load %arg1[%get3A_9, %get3A_10] : memref<10000x128xf32, #tpu.memory_space<vmem>>, vector<10000x128xf32>
    %add3A_12 = arith.addf %add3A, %get3A_11 : vector<10000x128xf32>
    %get3A_13 = arith.constant 0 : index
    %get3A_14 = arith.constant 0 : index
    %get3A_15 = vector.load %arg2[%get3A_13, %get3A_14] : memref<10000x1xf32, #tpu.memory_space<vmem>>, vector<10000x1xf32>
    %mul3A = vector.broadcast %get3A_15 : vector<10000x1xf32> to vector<10000x128xf32>
    %mul3A_16 = arith.mulf %add3A_12, %mul3A : vector<10000x128xf32>
    %get3A_17 = arith.constant 0 : index
    %get3A_18 = arith.constant 0 : index
    %get3A_19 = vector.load %arg3[%get3A_17, %get3A_18] : memref<1x128xf32, #tpu.memory_space<vmem>>, vector<1x128xf32>
    %add3A_20 = vector.broadcast %get3A_19 : vector<1x128xf32> to vector<10000x128xf32>
    %add3A_21 = arith.addf %mul3A_16, %add3A_20 : vector<10000x128xf32>
    %get3A_22 = arith.constant 0 : index
    %get3A_23 = arith.constant 0 : index
    %get3A_24 = vector.load %arg4[%get3A_22, %get3A_23] : memref<1x128xf32, #tpu.memory_space<vmem>>, vector<1x128xf32>
    %get3A_25 = arith.constant 0 : index
    %get3A_26 = arith.constant 0 : index
    %get3A_27 = vector.load %arg5[%get3A_25, %get3A_26] : memref<1x128xf32, #tpu.memory_space<vmem>>, vector<1x128xf32>
    %get3A_28 = arith.constant 0 : index
    %get3A_29 = arith.constant 0 : index
    %get3A_30 = vector.load %arg6[%get3A_28, %get3A_29] : memref<1x1xf32, #tpu.memory_space<vmem>>, vector<1x1xf32>
    %get3A_31 = vector.extract %get3A_30[0, 0] : f32 from vector<1x1xf32>
    %reduce_sum3A = arith.constant dense<0.000000e+00> : vector<128xf32>
    %reduce_sum3A_32 = vector.multi_reduction <add>, %add3A_21, %reduce_sum3A [0] : vector<10000x128xf32> to vector<128xf32>
    %broadcast_in_dim3A = vector.shape_cast %reduce_sum3A_32 : vector<128xf32> to vector<1x128xf32>
    %div3A = arith.constant 1.000000e+04 : f32
    %div3A_33 = vector.broadcast %div3A : f32 to vector<1x128xf32>
    %div3A_34 = arith.divf %broadcast_in_dim3A, %div3A_33 : vector<1x128xf32>
    %sub3A = vector.broadcast %div3A_34 : vector<1x128xf32> to vector<10000x128xf32>
    %sub3A_35 = arith.subf %add3A_21, %sub3A : vector<10000x128xf32>
    %sub3A_36 = vector.broadcast %div3A_34 : vector<1x128xf32> to vector<10000x128xf32>
    %sub3A_37 = arith.subf %add3A_21, %sub3A_36 : vector<10000x128xf32>
    %mul3A_38 = arith.mulf %sub3A_35, %sub3A_37 : vector<10000x128xf32>
    %reduce_sum3A_39 = arith.constant dense<0.000000e+00> : vector<128xf32>
    %reduce_sum3A_40 = vector.multi_reduction <add>, %mul3A_38, %reduce_sum3A_39 [0] : vector<10000x128xf32> to vector<128xf32>
    %broadcast_in_dim3A_41 = vector.shape_cast %reduce_sum3A_40 : vector<128xf32> to vector<1x128xf32>
    %div3A_42 = arith.constant 1.000000e+04 : f32
    %div3A_43 = vector.broadcast %div3A_42 : f32 to vector<1x128xf32>
    %div3A_44 = arith.divf %broadcast_in_dim3A_41, %div3A_43 : vector<1x128xf32>
    %sub3A_45 = vector.broadcast %div3A_34 : vector<1x128xf32> to vector<10000x128xf32>
    %sub3A_46 = arith.subf %add3A_21, %sub3A_45 : vector<10000x128xf32>
    %add3A_47 = arith.constant 9.99999974E-6 : f32
    %add3A_48 = vector.broadcast %add3A_47 : f32 to vector<1x128xf32>
    %add3A_49 = arith.addf %div3A_44, %add3A_48 : vector<1x128xf32>
    %rsqrt3A = math.rsqrt %add3A_49 : vector<1x128xf32>
    %mul3A_50 = vector.broadcast %rsqrt3A : vector<1x128xf32> to vector<10000x128xf32>
    %mul3A_51 = arith.mulf %sub3A_46, %mul3A_50 : vector<10000x128xf32>
    %mul3A_52 = vector.broadcast %get3A_24 : vector<1x128xf32> to vector<10000x128xf32>
    %mul3A_53 = arith.mulf %mul3A_51, %mul3A_52 : vector<10000x128xf32>
    %add3A_54 = vector.broadcast %get3A_27 : vector<1x128xf32> to vector<10000x128xf32>
    %add3A_55 = arith.addf %mul3A_53, %add3A_54 : vector<10000x128xf32>
    %ge3A = arith.constant 0.000000e+00 : f32
    %ge3A_56 = vector.broadcast %ge3A : f32 to vector<10000x128xf32>
    %ge3A_57 = arith.cmpf oge, %add3A_55, %ge3A_56 : vector<10000x128xf32>
    %mul3A_58 = vector.broadcast %get3A_31 : f32 to vector<10000x128xf32>
    %mul3A_59 = arith.mulf %mul3A_58, %add3A_55 : vector<10000x128xf32>
    %select_n3A = arith.select %ge3A_57, %add3A_55, %mul3A_59 : vector<10000x128xi1>, vector<10000x128xf32>
    %swap3A = arith.constant 0 : index
    %swap3A_60 = arith.constant 0 : index
    %swap3A_61 = vector.load %arg7[%swap3A, %swap3A_60] : memref<10000x128xf32, #tpu.memory_space<vmem>>, vector<10000x128xf32>
    tpu.vector_store %arg7[%swap3A, %swap3A_60], %select_n3A {strides = array<i32>} : memref<10000x128xf32, #tpu.memory_space<vmem>>, vector<10000x128xf32>,
    return
  }
}

</mosaic_0001>

<sc_bundles>
// kernel: kernel.12.cloned.1.call-start
scs
__scs_entry_jumppad:
0x0: {  	(pc) =	sbr.rel $0x88, $3  }
0x1: {  	(tag) =	ssettag $0x0;
	lr =	simm.s32 $0x1  }
0x2: {  	[smem:$0x3F96] =	sst lr;
	_ =	strace $0xD0000000  }
0x3: {  	_ = 	snop  }
0x4: {  	_ = 	snop  }
0x5: {  	_ = 	snop  }
0x6: {  	_ = 	snop  }
0x7: {  	_ = 	snop  }
__scs_overlays_trampoline_lowered:
0x8: {  	[smem:$0x3FA5] =	sst s0  }
0x9: {  	[smem:$0x3FA6] =	sst s1  }
0xa: {  	[smem:$0x3FA7] =	sst s2  }
0xb: {  	[smem:$0x3FA8] =	sst s3  }
0xc: {  	[smem:$0x3FA9] =	sst s4  }
0xd: {  	[smem:$0x3FAA] =	sst s5  }
0xe: {  	[smem:$0x3FAB] =	sst s6  }
0xf: {  	[smem:$0x3FAC] =	sst s7  }
0x10: {  	[smem:$0x3FAD] =	sst s8  }
0x11: {  	[smem:$0x3FAE] =	sst s9;
	s0 =	simm.s32 @!p0 $0x0  }
0x12: {  	s1 =	sld [smem:$0x3F94];
	s0 =	simm.s32 @p0 $0x1  }
0x13: {  	[smem:$0x3FAF] =	sst s0;
	s0 =	simm.s32 @!p1 $0x0  }
0x14: {  	s2 =	sld [smem:$0x3F93];
	s0 =	simm.s32 @p1 $0x1  }
0x15: {  	[smem:$0x3FB0] =	sst s0;
	s0 =	simm.s32 @!p2 $0x0  }
0x16: {  	s3 =	sld [smem:$0x3FDB];
	s0 =	simm.s32 @p2 $0x1  }
0x17: {  	s4 =	simm.s32 $0x1BF5;
	[smem:$0x3FB2] =	sst s0  }
0x18: {  	s0 =	sld [smem:$0x3F95];
	_ =	swait.ge [sflag:s4], $0x0  }
0x19: {  	s7 =	sld [smem:$0x3F96]  }
0x1a: {  	s8 =	sadd.s32 $0xFFFFE003, lr  }
0x1b: {  	s9 =	sadd.s32 $0xFFFFFEF7, lr;
	s5 =	simm.s32 $0xFFFFFFFF;
	p2 =	slt.u32 s8, $0xFFFFF086  }
0x1c: {  	p1 =	slt.u32 s9, $0xF7A;
	s5 =	simm.s32 @!p2 $0x0  }
0x1d: {  	s5 =	simm.s32 @p1 $0x1;
	p0 =	seq.s32 s7, s2  }
0x1e: {  	s7 =	smul.u32 @!p0 $0xF7A, s2;
	p2 =	seq.s32 @!p0 s5, $0x0  }
0x1f: {  	s9 =	smul.u32 $0xF7A, s1;
	s8 =	simm.s32 @!p0 $0x1BF5;
	p2 =	por !p2, p0  }
0x20: {  	[sflag:s8] =	ssyncset.s32 @!p0 $0xFFFFF086;
	s6 =	sadd.s32 @!p0 s3, s7;
	s7 =	simm.s32 @!p0 $0x108  }
0x21: {  	s3 =	sadd.s32 s3, s9;
	s6 =	sadd.s32 @!p0 $0x88, s6;
	s7 =	simm.s32 @p2 $0x1082  }
0x22: {  	[simem:s7], [sflag:s8] =	dma.local @!p0 [hbm:s6], $0xF7A  }
0x23: {  	s9 =	sor.u32 $0xD0000000, s2;
	s6 =	simm.s32 $0x108;
	_ =	swait.ge @!p0 [sflag:s8], $0x0  }
0x24: {  	s3 =	sadd.s32 $0x88, s3;
	s6 =	simm.s32 @!p1 $0x1082;
	[sflag:s4] =	ssyncset.s32 $0xFFFFF086  }
0x25: {  	[simem:s6], [sflag:s4] =	dma.local [hbm:s3], $0xF7A  }
0x26: {  	[smem:$0x3F96] =	sst s1;
	(tag) =	ssettag s2;
	_ =	strace s9  }
0x27: {  	s1 =	sld [smem:$0x3FA6]  }
0x28: {  	s2 =	sld [smem:$0x3FA7]  }
0x29: {  	s4 =	sld [smem:$0x3FA9]  }
0x2a: {  	p0 =	seq.s32 s5, $0x0;
	s5 =	sld [smem:$0x3FAA]  }
0x2b: {  	s6 =	sld [smem:$0x3FAB]  }
0x2c: {  	s7 =	sld [smem:$0x3FAC]  }
0x2d: {  	s3 =	simm.s32 $0x108;
	s8 =	sld [smem:$0x3FAD]  }
0x2e: {  	s3 =	simm.s32 @!p0 $0x1082;
	s9 =	sld [smem:$0x3FAE]  }
0x2f: {  	lr =	sadd.s32 s0, s3;
	s0 =	sld [smem:$0x3FA5]  }
0x30: {  	s3 =	sld [smem:$0x3FA8]  }
0x31: {  	[smem:$0x3FB1] =	sst s10  }
0x32: {  	s10 =	sld [smem:$0x3FAF];
	_ =	sdelay $0x3  }
0x33: {  	p0 =	seq.s32 s10, $0x1;
	s10 =	sld [smem:$0x3FB1];
	_ =	sdelay $0x3  }
0x34: {  	[smem:$0x3FB1] =	sst s10  }
0x35: {  	s10 =	sld [smem:$0x3FB0];
	_ =	sdelay $0x3  }
0x36: {  	p1 =	seq.s32 s10, $0x1;
	s10 =	sld [smem:$0x3FB1];
	_ =	sdelay $0x3  }
0x37: {  	[smem:$0x3FB1] =	sst s10  }
0x38: {  	s10 =	sld [smem:$0x3FB2]  }
0x39: {  	_ = 	snop;
	(pc) =	sbr.ind lr, $3  }
0x3a: {  	_ = 	snop  }
0x3b: {  	_ = 	snop  }
0x3c: {  	p2 =	seq.s32 s10, $0x1;
	s10 =	sld [smem:$0x3FB1]  }
0x3d: {  	_ =	shalt  }
0x3e: {  	_ =	shalt  }
0x3f: {  	_ =	shalt  }
0x40: {  	_ =	shalt  }
0x41: {  	_ =	shalt  }
0x42: {  	_ =	shalt  }
0x43: {  	_ =	shalt  }
0x44: {  	_ =	shalt  }
0x45: {  	_ =	shalt  }
0x46: {  	_ =	shalt  }
0x47: {  	_ =	shalt  }
0x48: {  	_ =	shalt  }
0x49: {  	_ =	shalt  }
0x4a: {  	_ =	shalt  }
0x4b: {  	_ =	shalt  }
0x4c: {  	_ =	shalt  }
0x4d: {  	_ =	shalt  }
0x4e: {  	_ =	shalt  }
0x4f: {  	_ =	shalt  }
0x50: {  	_ =	shalt  }
0x51: {  	_ =	shalt  }
0x52: {  	_ =	shalt  }
0x53: {  	_ =	shalt  }
0x54: {  	_ =	shalt  }
0x55: {  	_ =	shalt  }
0x56: {  	_ =	shalt  }
0x57: {  	_ =	shalt  }
0x58: {  	_ =	shalt  }
0x59: {  	_ =	shalt  }
0x5a: {  	_ =	shalt  }
0x5b: {  	_ =	shalt  }
0x5c: {  	_ =	shalt  }
0x5d: {  	_ =	shalt  }
0x5e: {  	_ =	shalt  }
0x5f: {  	_ =	shalt  }
0x60: {  	_ =	shalt  }
0x61: {  	_ =	shalt  }
0x62: {  	_ =	shalt  }
0x63: {  	_ =	shalt  }
0x64: {  	_ =	shalt  }
0x65: {  	_ =	shalt  }
0x66: {  	_ =	shalt  }
0x67: {  	_ =	shalt  }
0x68: {  	_ =	shalt  }
0x69: {  	_ =	shalt  }
0x6a: {  	_ =	shalt  }
0x6b: {  	_ =	shalt  }
0x6c: {  	_ =	shalt  }
0x6d: {  	_ =	shalt  }
0x6e: {  	_ =	shalt  }
0x6f: {  	_ =	shalt  }
0x70: {  	_ =	shalt  }
0x71: {  	_ =	shalt  }
0x72: {  	_ =	shalt  }
0x73: {  	_ =	shalt  }
0x74: {  	_ =	shalt  }
0x75: {  	_ =	shalt  }
0x76: {  	_ =	shalt  }
0x77: {  	_ =	shalt  }
0x78: {  	_ =	shalt  }
0x79: {  	_ =	shalt  }
0x7a: {  	_ =	shalt  }
0x7b: {  	_ =	shalt  }
0x7c: {  	_ =	shalt  }
0x7d: {  	_ =	shalt  }
0x7e: {  	_ =	shalt  }
0x7f: {  	_ =	shalt  }
0x80: {  	_ =	shalt  }
0x81: {  	_ =	shalt  }
0x82: {  	_ =	shalt  }
0x83: {  	_ =	shalt  }
0x84: {  	_ =	shalt  }
0x85: {  	_ =	shalt  }
0x86: {  	_ =	shalt  }
0x87: {  	_ =	shalt  }
.Lfunc_end0:
.L_simem_size_0:
called_computation.1_lowered:
.L_overlay_start_0:
0x88: {  	s2 =	sld [smem:$0x3FD9]  }
0x89: {  	s3 =	sld [smem:$0x3FFE];
	_ =	sdelay $0x1  }
0x8a: {  	s1 =	srdreg.scid  }
0x8b: {  	s0 =	sand.u32 $0x1, s1  }
0x8c: {  	s17 =	sshll.u32 s0, $0xA;
	s2 =	sadd.s32 s3, s2  }
0x8d: {  	s2 =	sadd.s32 s2, s17  }
0x8e: {  	[smem:$0x3FBD] =	sst s2  }
0x8f: {  	_ = 	snop  }
0x90: {  	s2 =	sld [smem:$0x3FD0];
	(tm) =	ssettm $0x1  }
0x91: {  	s18 =	sld [smem:$0x3FFB];
	_ =	sdelay $0x3  }
0x92: {  	_ =	strace s18  }
0x93: {  	s3 =	sld [smem:$0x3FFC];
	_ =	sdelay $0x3  }
0x94: {  	_ =	strace s3  }
0x95: {  	s3 =	sld [smem:$0x3FFD];
	_ =	sdelay $0x3  }
0x96: {  	_ =	strace s3  }
0x97: {  	_ =	strace $0x8FFFFFFF  }
0x98: {  	s19 =	sld [smem:$0x3FDB];
	_ =	sdelay $0x1  }
0x99: {  	s4 =	simm.s32 $_scs_section_size  }
0x9a: {  	s5 =	simm.s32 $_size__tile_overlayer_lowered;
	s6 =	simm.s32 $_tile_overlayer_lowered  }
0x9b: {  	s22 =	simm.s32 $0x1BFF;
	s21 =	sshll.u32 s6, $0x1;
	s3 =	sadd.s32 s4, s19  }
0x9c: {  	s7 =	simm.s32 $0x0;
	s20 =	sshll.u32 s5, $0x1;
	s5 =	sadd.s32 s21, s3  }
0x9d: {  	[timem:s7], [sflag:s22] =	dma.local [hbm:s5], s20  }
0x9e: {  	_ =	swait.ge [sflag:s22], s20  }
0x9f: {  	s4 =	ssub.s32 $0x0, s20;
	[sflag:s22] =	ssyncset.done $0x0  }
0xa0: {  	[sflag:s22] =	ssyncadd.s32 s4;
	_ =	sdelay $0x1  }
0xa1: {  	s23 =	simm.s32 $0x1B8B  }
0xa2: {  	_ =	swait.ge [sflag:s23], $0x1  }
0xa3: {  	[sflag:s23] =	ssyncset.done $0x0  }
0xa4: {  	s25 =	simm.s32 $0x1B8E;
	s24 =	sld [smem:$0x3FFE];
	[sflag:s23] =	ssyncadd.s32 $0xFFFFFFFF  }
0xa5: {  	s26 =	simm.s32 $execute0_lowered;
	[smem:$0x3FD2] =	sst s25  }
0xa6: {  	s5 =	sshll.u32 s26, $0x1;
	_ =	strace $0x80000049;
	[dreg:$0x1] =	wrdreg $0xFFFFFFFF  }
0xa7: {  	s28 =	simm.s32 $_size_execute0_lowered;
	s3 =	sadd.s32 s3, s5;
	[dreg:$0x0] =	wrdreg $0x0  }
0xa8: {  	s5 =	sshll.u32 s28, $0x1;
	[dreg:$0x2] =	wrdreg s3  }
0xa9: {  	[dreg:$0x3] =	wrdreg s5  }
0xaa: {  	[dreg:$0x4] =	wrdreg $0xC0  }
0xab: {  	_ =	task [dreg:s7], $0x5FFFF  }
0xac: {  	[dreg:$0x1] =	wrdreg $0xFFFFFFFF  }
0xad: {  	[dreg:$0x0] =	wrdreg $0x60  }
0xae: {  	[dreg:$0x2] =	wrdreg s2  }
0xaf: {  	[dreg:$0x3] =	wrdreg s24  }
0xb0: {  	[dreg:$0x4] =	wrdreg $0x98000  }
0xb1: {  	[dreg:$0x5] =	wrdreg $0x9  }
0xb2: {  	_ =	task.clear_ibuf [dreg:s7], $0x6FFFF;
	_ =	strace $0x90000049  }
0xb3: {  	s29 =	simm.s32 $0x9;
	_ =	strace $0x8000004B  }
0xb4: {  	_ =	swait.ge [sflag:s29], $0x1  }
0xb5: {  	[sflag:s29] =	ssyncadd.s32 $0xFFFFFFFF  }
0xb6: {  	_ =	strace $0x9000004B  }
0xb7: {  	_ =	sfence  }
0xb8: {  	s30 =	sld [smem:$0x0];
	_ =	sdelay $0x2  }
0xb9: {  	s31 =	sshll.u32 s1, $0xD;
	s1 =	sshrl.u32 s1, $0x2  }
0xba: {  	s3 =	sand.u32 $0x4000, s31;
	s1 =	sadd.s32 s1, s30  }
0xbb: {  	s0 =	sor.u32 s3, s0;
	s1 =	sshll.u32 s1, $0x11  }
0xbc: {  	s0 =	sor.u32 s1, s0  }
0xbd: {  	s0 =	sadd.s32 $0x8F2B, s0  }
0xbe: {  	[sflag:s0] =	ssyncadd.remote.s32 $0x1  }
0xbf: {  	_ =	sfence.sel $0xFFFF  }
0xc0: {  	[dreg:$0x0] =	wrdreg $0xFFFFFFFF;
	(pc) =	sbr.abs _section_cstart, $3  }
0xc1: {  	[dreg:$0x1] =	wrdreg $0xFFFFFFFF  }
0xc2: {  	_ =	task.clear_ibuf [dreg:s7], $0x2FFFF;
	_ =	strace $0x9FFFFFFF  }
0xc3: {  	(tm) =	ssettm $0x7FFFFFFF  }
tec
execute0_lowered:
.L_overlay_start_1:
0x0: {  	(tag) =	ssettag $0x1  }
0x1: {  	s0 =	srdreg.scid;
	s8 =	stileid.u32  }
0x2: {  	s2 =	rddreg [dreg:$0x0];
	s0 =	sand.u32 $0x1, s0;
	s4 =	smul.u32 $0x3000, s8  }
0x3: {  	s5 =	rddreg [dreg:$0x1];
	s1 =	smul.u32 $0x30000, s0  }
0x4: {  	s3 =	rddreg [dreg:$0x2]  }
0x5: {  	s15 =	simm.s32 $0x80;
	s1 =	sadd.s32 s4, s1;
	s4 =	simm.s32 $0x0  }
0x6: {  	s17 =	simm.s32 $0x100;
	s18 =	simm.s32 $0xC80;
	[smem:$0x7FF] =	sst s4  }
0x7: {  	s20 =	simm.s32 $0x180;
	_ =	strace $0x8000004A;
	[dreg:$0x6] =	wrdreg s15  }
0x8: {  	s6 =	smul.u32 $0x140000, s0;
	s0 =	ssub.s32 $0x2, s0;
	[dreg:$0x7] =	wrdreg s17  }
0x9: {  	s16 =	smul.u32 $0x50000, s8;
	s14 =	sshrl.u32 s0, $0x1;
	[dreg:$0x8] =	wrdreg s18  }
0xa: {  	s21 =	simm.s32 $0xD00;
	s0 =	ssub.s32 s0, s14;
	[dreg:$0x9] =	wrdreg s20  }
0xb: {  	s19 =	sshrl.u32 s16, $0x2;
	s0 =	smax.u32 s0, $0x1;
	[dreg:$0xa] =	wrdreg s21  }
0xc: {  	s22 =	simm.s32 $0x200;
	s24 =	sadd.s32 s19, s3;
	[dreg:$0x1d] =	wrdreg s0  }
0xd: {  	s25 =	sadd.s32 $0x2000, s24;
	[dreg:$0xb] =	wrdreg s22  }
0xe: {  	s23 =	simm.s32 $0xD80;
	s7 =	smul.u32 $0x14000, s8;
	[dreg:$0x1e] =	wrdreg s25  }
0xf: {  	s26 =	simm.s32 $0x280;
	s10 =	simm.s32 $0xE80;
	[dreg:$0xc] =	wrdreg s23  }
0x10: {  	s6 =	sadd.s32 s7, s6;
	s7 =	sadd.s32 $0x6000, s24;
	[dreg:$0xd] =	wrdreg s26  }
0x11: {  	s12 =	simm.s32 $0x380;
	s9 =	sadd.s32 $0x8000, s24;
	[smem:$0x7F7] =	sst s7  }
0x12: {  	s28 =	simm.s32 $0x1200;
	s8 =	simm.s32 $0x300;
	[smem:$0x7F8] =	sst s9  }
0x13: {  	s29 =	simm.s32 $0x700;
	s11 =	sadd.s32 $0xA000, s24;
	[dreg:$0xf] =	wrdreg s8  }
0x14: {  	s30 =	simm.s32 $0x1280;
	s31 =	simm.s32 $0x780;
	[smem:$0x7F9] =	sst s11  }
0x15: {  	s16 =	simm.s32 $0x400;
	s14 =	simm.s32 $0xF00;
	[dreg:$0x10] =	wrdreg s10  }
0x16: {  	s1 =	sshrl.u32 s1, $0x3;
	s6 =	sshrl.u32 s6, $0x3;
	[dreg:$0x11] =	wrdreg s12  }
0x17: {  	s19 =	sadd.s32 $0x12000, s24;
	s1 =	sadd.s32 s1, s5;
	[dreg:$0x12] =	wrdreg s14  }
0x18: {  	s5 =	sadd.s32 s6, s5;
	s6 =	simm.s32 $0xE00;
	[dreg:$0x13] =	wrdreg s16  }
0x19: {  	s15 =	sadd.s32 $0xE000, s24;
	s17 =	sadd.s32 $0x10000, s24;
	[smem:$0x7FD] =	sst s19  }
0x1a: {  	s18 =	simm.s32 $0xF80;
	s20 =	simm.s32 $0x480;
	[dreg:$0x1b] =	wrdreg s24  }
0x1b: {  	s21 =	simm.s32 $0x1000;
	s22 =	simm.s32 $0x500;
	[dreg:$0xe] =	wrdreg s6  }
0x1c: {  	s19 =	simm.s32 $0xC00;
	s23 =	simm.s32 $0x1080;
	[smem:$0x7FB] =	sst s15  }
0x1d: {  	s25 =	simm.s32 $0x580;
	s26 =	simm.s32 $0x1100;
	[smem:$0x7FC] =	sst s17  }
0x1e: {  	s0 =	simm.s32 $0x800;
	s7 =	simm.s32 $0x880;
	[dreg:$0x14] =	wrdreg s18  }
0x1f: {  	s8 =	simm.s32 $0x1400;
	s9 =	simm.s32 $0x900;
	[dreg:$0x15] =	wrdreg s20  }
0x20: {  	s10 =	simm.s32 $0x1480;
	s11 =	simm.s32 $0x980;
	[dreg:$0x16] =	wrdreg s21  }
0x21: {  	s12 =	simm.s32 $0x1500;
	s14 =	simm.s32 $0x0;
	[dreg:$0x17] =	wrdreg s22  }
0x22: {  	s13 =	sadd.s32 $0x2E00, s1;
	s1 =	sadd.s32 $0x5EE00, s1;
	[dreg:$0x18] =	wrdreg s23  }
0x23: {  	s5 =	sadd.s32 $0xEE00, s5;
	s17 =	simm.s32 $0x1800;
	[dreg:$0x19] =	wrdreg s25  }
0x24: {  	s18 =	simm.s32 $0x3;
	s20 =	simm.s32 $0x7D;
	[dreg:$0x1a] =	wrdreg s26  }
0x25: {  	s21 =	simm.s32 $0x5800;
	s22 =	simm.s32 $0x1;
	[dreg:$0x4] =	wrdreg s13  }
0x26: {  	s23 =	simm.s32 $0x2;
	s25 =	simm.s32 $0x1180;
	[dreg:$0x5] =	wrdreg s1  }
0x27: {  	s26 =	simm.s32 $0x680;
	[dreg:$0x1c] =	wrdreg s5;
	s5 =	sadd.s32 $0x4000, s24  }
0x28: {  	s6 =	simm.s32 $0x1380;
	s13 =	sadd.s32 $0xC000, s24;
	[dreg:$0x1f] =	wrdreg s5  }
0x29: {  	v0 =	vimm.f32 $0.0e+00;
	s1 =	simm.s32 $0x1300;
	[smem:$0x7FA] =	sst s13;
	s13 =	simm.s32 $0x1580  }
.LBB2_1:
0x2a: {  	s5 =	simm.s32 $0x0  }
0x2b: {  	s15 =	sand.u32 $0xFFFFFF80, s5  }
0x2c: {  	s15 =	ssub.s32 $0x0, s15  }
0x2d: {  	s5 =	sand.u32 $0x3FFFFF80, s5;
	s15 =	sand.u32 $0xFFFFFF80, s15  }
0x2e: {  	[smem:$0x7F6] =	sst s14;
	s16 =	sand.u32 $0x70, s4;
	s5 =	sadd.s32 s15, s5  }
0x2f: {  	s15 =	simm.s32 $0x1;
	s5 =	sor.u32 s16, s5;
	s16 =	simm.s32 $0x0  }
.LBB2_2:
0x30: {  	s14 =	sshll.u32 s15, $0x4;
	p0 =	sne.s32 s15, $0x3E7;
	s15 =	sadd.s32 $0x1, s15;
	[tilespmem:s5+$0x1800] =	vst v0  }
.Ltmp0:
0x31: {  	s16 =	sadd.s32 $0x10, s16;
	s5 =	sand.u32 $0xFFFFFF80, s14;
	(pc) =	sbr.rel @p0 .LBB2_2-.Ltmp0, $4  }
0x32: {  	s5 =	ssub.s32 s16, s5  }
0x33: {  	s14 =	sand.u32 $0x3FFFFF80, s14;
	s5 =	sand.u32 $0xFFFFFF80, s5  }
0x34: {  	s24 =	sand.u32 $0x70, s16;
	s5 =	sadd.s32 s5, s14  }
0x35: {  	s5 =	sor.u32 s24, s5  }
0x36: {  	[tilespmem:s5+$0x1800] =	vst v0;
	s24 =	rddreg [dreg:$0x1b]  }
0x37: {  	[spmem:s24] =	stream.linear.scatter [tilespmem:s17], [sflag:$0x3], $0x2000, $0x38;
	[tilespmem:$0x1D800] =	vst v63  }
0x38: {  	_ =	swait.ge [sflag:s18], $0x2000  }
0x39: {  	[sflag:s18] =	ssyncset.done $0x0  }
0x3a: {  	s14 =	rddreg [dreg:$0x1e];
	[sflag:s18] =	ssyncadd.s32 $0xFFFFE000  }
0x3b: {  	[spmem:s14] =	stream.linear.scatter [tilespmem:s17], [sflag:$0x3], $0x2000, $0x38;
	[tilespmem:$0x1D800] =	vst v63  }
0x3c: {  	_ =	swait.ge [sflag:s18], $0x2000  }
0x3d: {  	[sflag:s18] =	ssyncset.done $0x0  }
0x3e: {  	s15 =	rddreg [dreg:$0x1f];
	[sflag:s18] =	ssyncadd.s32 $0xFFFFE000  }
0x3f: {  	[spmem:s15] =	stream.linear.scatter [tilespmem:s17], [sflag:$0x3], $0x2000, $0x38;
	[tilespmem:$0x1D800] =	vst v63  }
0x40: {  	_ =	swait.ge [sflag:s18], $0x2000  }
0x41: {  	s16 =	sld [smem:$0x7F7]  }
0x42: {  	[sflag:s18] =	ssyncset.done $0x0  }
0x43: {  	[sflag:s18] =	ssyncadd.s32 $0xFFFFE000  }
0x44: {  	[spmem:s16] =	stream.linear.scatter [tilespmem:s17], [sflag:$0x3], $0x2000, $0x38;
	[tilespmem:$0x1D800] =	vst v63  }
0x45: {  	_ =	swait.ge [sflag:s18], $0x2000  }
0x46: {  	s14 =	sld [smem:$0x7F8]  }
0x47: {  	[sflag:s18] =	ssyncset.done $0x0  }
0x48: {  	[sflag:s18] =	ssyncadd.s32 $0xFFFFE000  }
0x49: {  	[spmem:s14] =	stream.linear.scatter [tilespmem:s17], [sflag:$0x3], $0x2000, $0x38;
	[tilespmem:$0x1D800] =	vst v63  }
0x4a: {  	_ =	swait.ge [sflag:s18], $0x2000  }
0x4b: {  	s15 =	sld [smem:$0x7F9]  }
0x4c: {  	[sflag:s18] =	ssyncset.done $0x0  }
0x4d: {  	[sflag:s18] =	ssyncadd.s32 $0xFFFFE000  }
0x4e: {  	[spmem:s15] =	stream.linear.scatter [tilespmem:s17], [sflag:$0x3], $0x2000, $0x38;
	[tilespmem:$0x1D800] =	vst v63  }
0x4f: {  	_ =	swait.ge [sflag:s18], $0x2000  }
0x50: {  	s16 =	sld [smem:$0x7FA]  }
0x51: {  	[sflag:s18] =	ssyncset.done $0x0  }
0x52: {  	[sflag:s18] =	ssyncadd.s32 $0xFFFFE000  }
0x53: {  	[spmem:s16] =	stream.linear.scatter [tilespmem:s17], [sflag:$0x3], $0x2000, $0x38;
	[tilespmem:$0x1D800] =	vst v63  }
0x54: {  	_ =	swait.ge [sflag:s18], $0x2000  }
0x55: {  	s14 =	sld [smem:$0x7FB]  }
0x56: {  	[sflag:s18] =	ssyncset.done $0x0  }
0x57: {  	[sflag:s18] =	ssyncadd.s32 $0xFFFFE000  }
0x58: {  	[spmem:s14] =	stream.linear.scatter [tilespmem:s17], [sflag:$0x3], $0x2000, $0x38;
	[tilespmem:$0x1D800] =	vst v63  }
0x59: {  	_ =	swait.ge [sflag:s18], $0x2000  }
0x5a: {  	s15 =	sld [smem:$0x7FC]  }
0x5b: {  	[sflag:s18] =	ssyncset.done $0x0  }
0x5c: {  	[sflag:s18] =	ssyncadd.s32 $0xFFFFE000  }
0x5d: {  	[spmem:s15] =	stream.linear.scatter [tilespmem:s17], [sflag:$0x3], $0x2000, $0x38;
	[tilespmem:$0x1D800] =	vst v63  }
0x5e: {  	_ =	swait.ge [sflag:s18], $0x2000  }
0x5f: {  	s16 =	sld [smem:$0x7FD]  }
0x60: {  	[sflag:s18] =	ssyncset.done $0x0  }
0x61: {  	[sflag:s18] =	ssyncadd.s32 $0xFFFFE000  }
0x62: {  	[spmem:s16] =	stream.linear.scatter [tilespmem:s17], [sflag:$0x3], $0x2000, $0x38;
	[tilespmem:$0x1D800] =	vst v63  }
0x63: {  	_ =	swait.ge [sflag:s18], $0x2000  }
0x64: {  	[sflag:s18] =	ssyncset.done $0x0  }
0x65: {  	[sflag:s18] =	ssyncadd.s32 $0xFFFFE000  }
0x66: {  	[bflag:$0x0] =	sbarrier.arrive $0xFFFF  }
0x67: {  	s14 =	rddreg [dreg:$0x5]  }
0x68: {  	s5 =	sadd.s32 $0x0, s14  }
0x69: {  	[tilespmem:s4], [sflag:$0x3] =	stream.linear.gather [hbm4b:s5+s4], $0xA00, $0x38;
	[tilespmem:$0x1D800] =	vst v63  }
0x6a: {  	_ =	swait.ge [sflag:s18], $0xA00  }
0x6b: {  	s15 =	rddreg [dreg:$0x4];
	[sflag:s18] =	ssyncset.done $0x0  }
0x6c: {  	[sflag:s18] =	ssyncadd.s32 $0xFFFFF600;
	s5 =	sadd.s32 $0x0, s15  }
0x6d: {  	[tilespmem:s19], [sflag:$0x3] =	stream.linear.gather [hbm4b:s5+s4], $0xA00, $0x38;
	[tilespmem:$0x1D800] =	vst v63  }
0x6e: {  	_ =	swait.ge [sflag:s18], $0xA00  }
0x6f: {  	[sflag:s18] =	ssyncset.done $0x0  }
0x70: {  	[sflag:s18] =	ssyncadd.s32 $0xFFFFF600  }
0x71: {  	[tilespmem:s17], [sflag:$0x1] =	stream.indirect.gather [hbm4b:s2+s20], $0x80, s4, s20, $0xb8;
	[tilespmem:$0x1D800] =	vst v63  }
0x72: {  	s16 =	rddreg [dreg:$0x6]  }
0x73: {  	[tilespmem:s21], [sflag:$0x2] =	stream.indirect.gather [hbm4b:s2+s20], $0x80, s16, s20, $0xb8;
	[tilespmem:$0x1D800] =	vst v63  }
0x74: {  	_ =	swait.ge [sflag:s22], $0x3E80  }
0x75: {  	[sflag:s22] =	ssyncset.done $0x0  }
0x76: {  	[sflag:s22] =	ssyncadd.s32 $0xFFFFC180  }
0x77: {  	[spmem:s3] =	stream.indirect.scatter.add.f32 [tilespmem:s17], [sflag:$0x3], $0x80, s19, s20, $0xb8;
	[tilespmem:$0x1D800] =	vst v63  }
0x78: {  	_ =	swait.ge [sflag:s18], $0x3E80  }
0x79: {  	[sflag:s18] =	ssyncset.done $0x0  }
0x7a: {  	s14 =	rddreg [dreg:$0x7];
	[sflag:s18] =	ssyncadd.s32 $0xFFFFC180  }
0x7b: {  	[tilespmem:s17], [sflag:$0x1] =	stream.indirect.gather [hbm4b:s2+s20], $0x80, s14, s20, $0xb8;
	[tilespmem:$0x1D800] =	vst v63  }
0x7c: {  	_ =	swait.ge [sflag:s23], $0x3E80  }
0x7d: {  	[sflag:s23] =	ssyncset.done $0x0  }
0x7e: {  	s15 =	rddreg [dreg:$0x8];
	[sflag:s23] =	ssyncadd.s32 $0xFFFFC180  }
0x7f: {  	[spmem:s3] =	stream.indirect.scatter.add.f32 [tilespmem:s21], [sflag:$0x3], $0x80, s15, s20, $0xb8;
	[tilespmem:$0x1D800] =	vst v63  }
0x80: {  	_ =	swait.ge [sflag:s18], $0x3E80  }
0x81: {  	[sflag:s18] =	ssyncset.done $0x0  }
0x82: {  	s16 =	rddreg [dreg:$0x9];
	[sflag:s18] =	ssyncadd.s32 $0xFFFFC180  }
0x83: {  	[tilespmem:s21], [sflag:$0x2] =	stream.indirect.gather [hbm4b:s2+s20], $0x80, s16, s20, $0xb8;
	[tilespmem:$0x1D800] =	vst v63  }
0x84: {  	_ =	swait.ge [sflag:s22], $0x3E80  }
0x85: {  	[sflag:s22] =	ssyncset.done $0x0  }
0x86: {  	s14 =	rddreg [dreg:$0xa];
	[sflag:s22] =	ssyncadd.s32 $0xFFFFC180  }
0x87: {  	[spmem:s3] =	stream.indirect.scatter.add.f32 [tilespmem:s17], [sflag:$0x3], $0x80, s14, s20, $0xb8;
	[tilespmem:$0x1D800] =	vst v63  }
0x88: {  	_ =	swait.ge [sflag:s18], $0x3E80  }
0x89: {  	[sflag:s18] =	ssyncset.done $0x0  }
0x8a: {  	s15 =	rddreg [dreg:$0xb];
	[sflag:s18] =	ssyncadd.s32 $0xFFFFC180  }
0x8b: {  	[tilespmem:s17], [sflag:$0x1] =	stream.indirect.gather [hbm4b:s2+s20], $0x80, s15, s20, $0xb8;
	[tilespmem:$0x1D800] =	vst v63  }
0x8c: {  	_ =	swait.ge [sflag:s23], $0x3E80  }
0x8d: {  	[sflag:s23] =	ssyncset.done $0x0  }
0x8e: {  	s16 =	rddreg [dreg:$0xc];
	[sflag:s23] =	ssyncadd.s32 $0xFFFFC180  }
0x8f: {  	[spmem:s3] =	stream.indirect.scatter.add.f32 [tilespmem:s21], [sflag:$0x3], $0x80, s16, s20, $0xb8;
	[tilespmem:$0x1D800] =	vst v63  }
0x90: {  	_ =	swait.ge [sflag:s18], $0x3E80  }
0x91: {  	[sflag:s18] =	ssyncset.done $0x0  }
0x92: {  	s14 =	rddreg [dreg:$0xd];
	[sflag:s18] =	ssyncadd.s32 $0xFFFFC180  }
0x93: {  	[tilespmem:s21], [sflag:$0x2] =	stream.indirect.gather [hbm4b:s2+s20], $0x80, s14, s20, $0xb8;
	[tilespmem:$0x1D800] =	vst v63  }
0x94: {  	_ =	swait.ge [sflag:s22], $0x3E80  }
0x95: {  	[sflag:s22] =	ssyncset.done $0x0  }
0x96: {  	s15 =	rddreg [dreg:$0xe];
	[sflag:s22] =	ssyncadd.s32 $0xFFFFC180  }
0x97: {  	[spmem:s3] =	stream.indirect.scatter.add.f32 [tilespmem:s17], [sflag:$0x3], $0x80, s15, s20, $0xb8;
	[tilespmem:$0x1D800] =	vst v63  }
0x98: {  	_ =	swait.ge [sflag:s18], $0x3E80  }
0x99: {  	[sflag:s18] =	ssyncset.done $0x0  }
0x9a: {  	s16 =	rddreg [dreg:$0xf];
	[sflag:s18] =	ssyncadd.s32 $0xFFFFC180  }
0x9b: {  	[tilespmem:s17], [sflag:$0x1] =	stream.indirect.gather [hbm4b:s2+s20], $0x80, s16, s20, $0xb8;
	[tilespmem:$0x1D800] =	vst v63  }
0x9c: {  	_ =	swait.ge [sflag:s23], $0x3E80  }
0x9d: {  	[sflag:s23] =	ssyncset.done $0x0  }
0x9e: {  	s14 =	rddreg [dreg:$0x10];
	[sflag:s23] =	ssyncadd.s32 $0xFFFFC180  }
0x9f: {  	[spmem:s3] =	stream.indirect.scatter.add.f32 [tilespmem:s21], [sflag:$0x3], $0x80, s14, s20, $0xb8;
	[tilespmem:$0x1D800] =	vst v63  }
0xa0: {  	_ =	swait.ge [sflag:s18], $0x3E80  }
0xa1: {  	[sflag:s18] =	ssyncset.done $0x0  }
0xa2: {  	s15 =	rddreg [dreg:$0x11];
	[sflag:s18] =	ssyncadd.s32 $0xFFFFC180  }
0xa3: {  	[tilespmem:s21], [sflag:$0x2] =	stream.indirect.gather [hbm4b:s2+s20], $0x80, s15, s20, $0xb8;
	[tilespmem:$0x1D800] =	vst v63  }
0xa4: {  	_ =	swait.ge [sflag:s22], $0x3E80  }
0xa5: {  	[sflag:s22] =	ssyncset.done $0x0  }
0xa6: {  	s16 =	rddreg [dreg:$0x12];
	[sflag:s22] =	ssyncadd.s32 $0xFFFFC180  }
0xa7: {  	[spmem:s3] =	stream.indirect.scatter.add.f32 [tilespmem:s17], [sflag:$0x3], $0x80, s16, s20, $0xb8;
	[tilespmem:$0x1D800] =	vst v63  }
0xa8: {  	_ =	swait.ge [sflag:s18], $0x3E80  }
0xa9: {  	[sflag:s18] =	ssyncset.done $0x0  }
0xaa: {  	s14 =	rddreg [dreg:$0x13];
	[sflag:s18] =	ssyncadd.s32 $0xFFFFC180  }
0xab: {  	[tilespmem:s17], [sflag:$0x1] =	stream.indirect.gather [hbm4b:s2+s20], $0x80, s14, s20, $0xb8;
	[tilespmem:$0x1D800] =	vst v63  }
0xac: {  	_ =	swait.ge [sflag:s23], $0x3E80  }
0xad: {  	[sflag:s23] =	ssyncset.done $0x0  }
0xae: {  	s15 =	rddreg [dreg:$0x14];
	[sflag:s23] =	ssyncadd.s32 $0xFFFFC180  }
0xaf: {  	[spmem:s3] =	stream.indirect.scatter.add.f32 [tilespmem:s21], [sflag:$0x3], $0x80, s15, s20, $0xb8;
	[tilespmem:$0x1D800] =	vst v63  }
0xb0: {  	_ =	swait.ge [sflag:s18], $0x3E80  }
0xb1: {  	[sflag:s18] =	ssyncset.done $0x0  }
0xb2: {  	s16 =	rddreg [dreg:$0x15];
	[sflag:s18] =	ssyncadd.s32 $0xFFFFC180  }
0xb3: {  	[tilespmem:s21], [sflag:$0x2] =	stream.indirect.gather [hbm4b:s2+s20], $0x80, s16, s20, $0xb8;
	[tilespmem:$0x1D800] =	vst v63  }
0xb4: {  	_ =	swait.ge [sflag:s22], $0x3E80  }
0xb5: {  	[sflag:s22] =	ssyncset.done $0x0  }
0xb6: {  	s14 =	rddreg [dreg:$0x16];
	[sflag:s22] =	ssyncadd.s32 $0xFFFFC180  }
0xb7: {  	[spmem:s3] =	stream.indirect.scatter.add.f32 [tilespmem:s17], [sflag:$0x3], $0x80, s14, s20, $0xb8;
	[tilespmem:$0x1D800] =	vst v63  }
0xb8: {  	_ =	swait.ge [sflag:s18], $0x3E80  }
0xb9: {  	[sflag:s18] =	ssyncset.done $0x0  }
0xba: {  	s15 =	rddreg [dreg:$0x17];
	[sflag:s18] =	ssyncadd.s32 $0xFFFFC180  }
0xbb: {  	[tilespmem:s17], [sflag:$0x1] =	stream.indirect.gather [hbm4b:s2+s20], $0x80, s15, s20, $0xb8;
	[tilespmem:$0x1D800] =	vst v63  }
0xbc: {  	_ =	swait.ge [sflag:s23], $0x3E80  }
0xbd: {  	[sflag:s23] =	ssyncset.done $0x0  }
0xbe: {  	s16 =	rddreg [dreg:$0x18];
	[sflag:s23] =	ssyncadd.s32 $0xFFFFC180  }
0xbf: {  	[spmem:s3] =	stream.indirect.scatter.add.f32 [tilespmem:s21], [sflag:$0x3], $0x80, s16, s20, $0xb8;
	[tilespmem:$0x1D800] =	vst v63  }
0xc0: {  	_ =	swait.ge [sflag:s18], $0x3E80  }
0xc1: {  	[sflag:s18] =	ssyncset.done $0x0  }
0xc2: {  	s14 =	rddreg [dreg:$0x19];
	[sflag:s18] =	ssyncadd.s32 $0xFFFFC180  }
0xc3: {  	[tilespmem:s21], [sflag:$0x2] =	stream.indirect.gather [hbm4b:s2+s20], $0x80, s14, s20, $0xb8;
	[tilespmem:$0x1D800] =	vst v63  }
0xc4: {  	_ =	swait.ge [sflag:s22], $0x3E80  }
0xc5: {  	[sflag:s22] =	ssyncset.done $0x0  }
0xc6: {  	s15 =	rddreg [dreg:$0x1a];
	[sflag:s22] =	ssyncadd.s32 $0xFFFFC180  }
0xc7: {  	[spmem:s3] =	stream.indirect.scatter.add.f32 [tilespmem:s17], [sflag:$0x3], $0x80, s15, s20, $0xb8;
	[tilespmem:$0x1D800] =	vst v63  }
0xc8: {  	_ =	swait.ge [sflag:s18], $0x3E80  }
0xc9: {  	[sflag:s18] =	ssyncset.done $0x0  }
0xca: {  	s16 =	simm.s32 $0x600;
	[sflag:s18] =	ssyncadd.s32 $0xFFFFC180  }
0xcb: {  	[tilespmem:s17], [sflag:$0x1] =	stream.indirect.gather [hbm4b:s2+s20], $0x80, s16, s20, $0xb8;
	[tilespmem:$0x1D800] =	vst v63  }
0xcc: {  	_ =	swait.ge [sflag:s23], $0x3E80  }
0xcd: {  	[sflag:s23] =	ssyncset.done $0x0  }
0xce: {  	[sflag:s23] =	ssyncadd.s32 $0xFFFFC180  }
0xcf: {  	[spmem:s3] =	stream.indirect.scatter.add.f32 [tilespmem:s21], [sflag:$0x3], $0x80, s25, s20, $0xb8;
	[tilespmem:$0x1D800] =	vst v63  }
0xd0: {  	_ =	swait.ge [sflag:s18], $0x3E80  }
0xd1: {  	[sflag:s18] =	ssyncset.done $0x0  }
0xd2: {  	[sflag:s18] =	ssyncadd.s32 $0xFFFFC180  }
0xd3: {  	[tilespmem:s21], [sflag:$0x2] =	stream.indirect.gather [hbm4b:s2+s20], $0x80, s26, s20, $0xb8;
	[tilespmem:$0x1D800] =	vst v63  }
0xd4: {  	_ =	swait.ge [sflag:s22], $0x3E80  }
0xd5: {  	[sflag:s22] =	ssyncset.done $0x0  }
0xd6: {  	[sflag:s22] =	ssyncadd.s32 $0xFFFFC180  }
0xd7: {  	[spmem:s3] =	stream.indirect.scatter.add.f32 [tilespmem:s17], [sflag:$0x3], $0x80, s28, s20, $0xb8;
	[tilespmem:$0x1D800] =	vst v63  }
0xd8: {  	_ =	swait.ge [sflag:s18], $0x3E80  }
0xd9: {  	[sflag:s18] =	ssyncset.done $0x0  }
0xda: {  	[sflag:s18] =	ssyncadd.s32 $0xFFFFC180  }
0xdb: {  	[tilespmem:s17], [sflag:$0x1] =	stream.indirect.gather [hbm4b:s2+s20], $0x80, s29, s20, $0xb8;
	[tilespmem:$0x1D800] =	vst v63  }
0xdc: {  	_ =	swait.ge [sflag:s23], $0x3E80  }
0xdd: {  	[sflag:s23] =	ssyncset.done $0x0  }
0xde: {  	[sflag:s23] =	ssyncadd.s32 $0xFFFFC180  }
0xdf: {  	[spmem:s3] =	stream.indirect.scatter.add.f32 [tilespmem:s21], [sflag:$0x3], $0x80, s30, s20, $0xb8;
	[tilespmem:$0x1D800] =	vst v63  }
0xe0: {  	_ =	swait.ge [sflag:s18], $0x3E80  }
0xe1: {  	[sflag:s18] =	ssyncset.done $0x0  }
0xe2: {  	[sflag:s18] =	ssyncadd.s32 $0xFFFFC180  }
0xe3: {  	[tilespmem:s21], [sflag:$0x2] =	stream.indirect.gather [hbm4b:s2+s20], $0x80, s31, s20, $0xb8;
	[tilespmem:$0x1D800] =	vst v63  }
0xe4: {  	_ =	swait.ge [sflag:s22], $0x3E80  }
0xe5: {  	[sflag:s22] =	ssyncset.done $0x0  }
0xe6: {  	[sflag:s22] =	ssyncadd.s32 $0xFFFFC180  }
0xe7: {  	[spmem:s3] =	stream.indirect.scatter.add.f32 [tilespmem:s17], [sflag:$0x3], $0x80, s1, s20, $0xb8;
	[tilespmem:$0x1D800] =	vst v63  }
0xe8: {  	_ =	swait.ge [sflag:s18], $0x3E80  }
0xe9: {  	[sflag:s18] =	ssyncset.done $0x0  }
0xea: {  	[sflag:s18] =	ssyncadd.s32 $0xFFFFC180  }
0xeb: {  	[tilespmem:s17], [sflag:$0x1] =	stream.indirect.gather [hbm4b:s2+s20], $0x80, s0, s20, $0xb8;
	[tilespmem:$0x1D800] =	vst v63  }
0xec: {  	_ =	swait.ge [sflag:s23], $0x3E80  }
0xed: {  	[sflag:s23] =	ssyncset.done $0x0  }
0xee: {  	[sflag:s23] =	ssyncadd.s32 $0xFFFFC180  }
0xef: {  	[spmem:s3] =	stream.indirect.scatter.add.f32 [tilespmem:s21], [sflag:$0x3], $0x80, s6, s20, $0xb8;
	[tilespmem:$0x1D800] =	vst v63  }
0xf0: {  	_ =	swait.ge [sflag:s18], $0x3E80  }
0xf1: {  	[sflag:s18] =	ssyncset.done $0x0  }
0xf2: {  	[sflag:s18] =	ssyncadd.s32 $0xFFFFC180  }
0xf3: {  	[tilespmem:s21], [sflag:$0x2] =	stream.indirect.gather [hbm4b:s2+s20], $0x80, s7, s20, $0xb8;
	[tilespmem:$0x1D800] =	vst v63  }
0xf4: {  	_ =	swait.ge [sflag:s22], $0x3E80  }
0xf5: {  	[sflag:s22] =	ssyncset.done $0x0  }
0xf6: {  	[sflag:s22] =	ssyncadd.s32 $0xFFFFC180  }
0xf7: {  	[spmem:s3] =	stream.indirect.scatter.add.f32 [tilespmem:s17], [sflag:$0x3], $0x80, s8, s20, $0xb8;
	[tilespmem:$0x1D800] =	vst v63  }
0xf8: {  	_ =	swait.ge [sflag:s18], $0x3E80  }
0xf9: {  	[sflag:s18] =	ssyncset.done $0x0  }
0xfa: {  	[sflag:s18] =	ssyncadd.s32 $0xFFFFC180  }
0xfb: {  	[tilespmem:s17], [sflag:$0x1] =	stream.indirect.gather [hbm4b:s2+s20], $0x80, s9, s20, $0xb8;
	[tilespmem:$0x1D800] =	vst v63  }
0xfc: {  	_ =	swait.ge [sflag:s23], $0x3E80  }
0xfd: {  	[sflag:s23] =	ssyncset.done $0x0  }
0xfe: {  	[sflag:s23] =	ssyncadd.s32 $0xFFFFC180  }
0xff: {  	[spmem:s3] =	stream.indirect.scatter.add.f32 [tilespmem:s21], [sflag:$0x3], $0x80, s10, s20, $0xb8;
	[tilespmem:$0x1D800] =	vst v63  }
0x100: {  	_ =	swait.ge [sflag:s18], $0x3E80  }
0x101: {  	[sflag:s18] =	ssyncset.done $0x0  }
0x102: {  	[sflag:s18] =	ssyncadd.s32 $0xFFFFC180  }
0x103: {  	[tilespmem:s21], [sflag:$0x2] =	stream.indirect.gather [hbm4b:s2+s20], $0x80, s11, s20, $0xb8;
	[tilespmem:$0x1D800] =	vst v63  }
0x104: {  	_ =	swait.ge [sflag:s22], $0x3E80  }
0x105: {  	[sflag:s22] =	ssyncset.done $0x0  }
0x106: {  	[sflag:s22] =	ssyncadd.s32 $0xFFFFC180  }
0x107: {  	[spmem:s3] =	stream.indirect.scatter.add.f32 [tilespmem:s17], [sflag:$0x3], $0x80, s12, s20, $0xb8;
	[tilespmem:$0x1D800] =	vst v63  }
0x108: {  	_ =	swait.ge [sflag:s18], $0x3E80  }
0x109: {  	[sflag:s18] =	ssyncset.done $0x0  }
0x10a: {  	[sflag:s18] =	ssyncadd.s32 $0xFFFFC180  }
0x10b: {  	_ =	swait.ge [sflag:s23], $0x3E80  }
0x10c: {  	[sflag:s23] =	ssyncset.done $0x0  }
0x10d: {  	[sflag:s23] =	ssyncadd.s32 $0xFFFFC180  }
0x10e: {  	[spmem:s3] =	stream.indirect.scatter.add.f32 [tilespmem:s21], [sflag:$0x3], $0x80, s13, s20, $0xb8;
	[tilespmem:$0x1D800] =	vst v63  }
0x10f: {  	s15 =	simm.s32 $0x180;
	_ =	swait.ge [sflag:s18], $0x3E80  }
0x110: {  	s16 =	simm.s32 $0x300;
	s5 =	rddreg [dreg:$0x5];
	[sflag:s18] =	ssyncset.done $0x0  }
.LBB2_4:
0x111: {  	[sflag:s18] =	ssyncadd.s32 $0xFFFFC180;
	s5 =	sadd.s32 s15, s5  }
0x112: {  	[tilespmem:s4], [sflag:$0x3] =	stream.linear.gather [hbm4b:s5+s4], $0xA00, $0x38;
	[tilespmem:$0x1D800] =	vst v63  }
0x113: {  	_ =	swait.ge [sflag:s18], $0xA00  }
0x114: {  	s5 =	rddreg [dreg:$0x4];
	[sflag:s18] =	ssyncset.done $0x0  }
0x115: {  	[sflag:s18] =	ssyncadd.s32 $0xFFFFF600;
	s5 =	sadd.s32 s15, s5  }
0x116: {  	[tilespmem:s19], [sflag:$0x3] =	stream.linear.gather [hbm4b:s5+s4], $0xA00, $0x38;
	[tilespmem:$0x1D800] =	vst v63  }
0x117: {  	_ =	swait.ge [sflag:s18], $0xA00  }
0x118: {  	[sflag:s18] =	ssyncset.done $0x0  }
0x119: {  	[sflag:s18] =	ssyncadd.s32 $0xFFFFF600  }
0x11a: {  	[tilespmem:s17], [sflag:$0x1] =	stream.indirect.gather [hbm4b:s2+s20], $0x80, s4, s20, $0xb8;
	[tilespmem:$0x1D800] =	vst v63  }
0x11b: {  	s5 =	rddreg [dreg:$0x6]  }
0x11c: {  	[tilespmem:s21], [sflag:$0x2] =	stream.indirect.gather [hbm4b:s2+s20], $0x80, s5, s20, $0xb8;
	[tilespmem:$0x1D800] =	vst v63  }
0x11d: {  	_ =	swait.ge [sflag:s22], $0x3E80  }
0x11e: {  	[sflag:s22] =	ssyncset.done $0x0  }
0x11f: {  	[sflag:s22] =	ssyncadd.s32 $0xFFFFC180  }
0x120: {  	[spmem:s3] =	stream.indirect.scatter.add.f32 [tilespmem:s17], [sflag:$0x3], $0x80, s19, s20, $0xb8;
	[tilespmem:$0x1D800] =	vst v63  }
0x121: {  	_ =	swait.ge [sflag:s18], $0x3E80  }
0x122: {  	[sflag:s18] =	ssyncset.done $0x0  }
0x123: {  	s5 =	rddreg [dreg:$0x7];
	[sflag:s18] =	ssyncadd.s32 $0xFFFFC180  }
0x124: {  	[tilespmem:s17], [sflag:$0x1] =	stream.indirect.gather [hbm4b:s2+s20], $0x80, s5, s20, $0xb8;
	[tilespmem:$0x1D800] =	vst v63  }
0x125: {  	_ =	swait.ge [sflag:s23], $0x3E80  }
0x126: {  	[sflag:s23] =	ssyncset.done $0x0  }
0x127: {  	s5 =	rddreg [dreg:$0x8];
	[sflag:s23] =	ssyncadd.s32 $0xFFFFC180  }
0x128: {  	[spmem:s3] =	stream.indirect.scatter.add.f32 [tilespmem:s21], [sflag:$0x3], $0x80, s5, s20, $0xb8;
	[tilespmem:$0x1D800] =	vst v63  }
0x129: {  	_ =	swait.ge [sflag:s18], $0x3E80  }
0x12a: {  	[sflag:s18] =	ssyncset.done $0x0  }
0x12b: {  	s5 =	rddreg [dreg:$0x9];
	[sflag:s18] =	ssyncadd.s32 $0xFFFFC180  }
0x12c: {  	[tilespmem:s21], [sflag:$0x2] =	stream.indirect.gather [hbm4b:s2+s20], $0x80, s5, s20, $0xb8;
	[tilespmem:$0x1D800] =	vst v63  }
0x12d: {  	_ =	swait.ge [sflag:s22], $0x3E80  }
0x12e: {  	[sflag:s22] =	ssyncset.done $0x0  }
0x12f: {  	s5 =	rddreg [dreg:$0xa];
	[sflag:s22] =	ssyncadd.s32 $0xFFFFC180  }
0x130: {  	[spmem:s3] =	stream.indirect.scatter.add.f32 [tilespmem:s17], [sflag:$0x3], $0x80, s5, s20, $0xb8;
	[tilespmem:$0x1D800] =	vst v63  }
0x131: {  	_ =	swait.ge [sflag:s18], $0x3E80  }
0x132: {  	[sflag:s18] =	ssyncset.done $0x0  }
0x133: {  	s5 =	rddreg [dreg:$0xb];
	[sflag:s18] =	ssyncadd.s32 $0xFFFFC180  }
0x134: {  	[tilespmem:s17], [sflag:$0x1] =	stream.indirect.gather [hbm4b:s2+s20], $0x80, s5, s20, $0xb8;
	[tilespmem:$0x1D800] =	vst v63  }
0x135: {  	_ =	swait.ge [sflag:s23], $0x3E80  }
0x136: {  	[sflag:s23] =	ssyncset.done $0x0  }
0x137: {  	s5 =	rddreg [dreg:$0xc];
	[sflag:s23] =	ssyncadd.s32 $0xFFFFC180  }
0x138: {  	[spmem:s3] =	stream.indirect.scatter.add.f32 [tilespmem:s21], [sflag:$0x3], $0x80, s5, s20, $0xb8;
	[tilespmem:$0x1D800] =	vst v63  }
0x139: {  	_ =	swait.ge [sflag:s18], $0x3E80  }
0x13a: {  	[sflag:s18] =	ssyncset.done $0x0  }
0x13b: {  	s5 =	rddreg [dreg:$0xd];
	[sflag:s18] =	ssyncadd.s32 $0xFFFFC180  }
0x13c: {  	[tilespmem:s21], [sflag:$0x2] =	stream.indirect.gather [hbm4b:s2+s20], $0x80, s5, s20, $0xb8;
	[tilespmem:$0x1D800] =	vst v63  }
0x13d: {  	_ =	swait.ge [sflag:s22], $0x3E80  }
0x13e: {  	[sflag:s22] =	ssyncset.done $0x0  }
0x13f: {  	s5 =	rddreg [dreg:$0xe];
	[sflag:s22] =	ssyncadd.s32 $0xFFFFC180  }
0x140: {  	[spmem:s3] =	stream.indirect.scatter.add.f32 [tilespmem:s17], [sflag:$0x3], $0x80, s5, s20, $0xb8;
	[tilespmem:$0x1D800] =	vst v63  }
0x141: {  	_ =	swait.ge [sflag:s18], $0x3E80  }
0x142: {  	[sflag:s18] =	ssyncset.done $0x0  }
0x143: {  	s5 =	rddreg [dreg:$0xf];
	[sflag:s18] =	ssyncadd.s32 $0xFFFFC180  }
0x144: {  	[tilespmem:s17], [sflag:$0x1] =	stream.indirect.gather [hbm4b:s2+s20], $0x80, s5, s20, $0xb8;
	[tilespmem:$0x1D800] =	vst v63  }
0x145: {  	_ =	swait.ge [sflag:s23], $0x3E80  }
0x146: {  	[sflag:s23] =	ssyncset.done $0x0  }
0x147: {  	s5 =	rddreg [dreg:$0x10];
	[sflag:s23] =	ssyncadd.s32 $0xFFFFC180  }
0x148: {  	[spmem:s3] =	stream.indirect.scatter.add.f32 [tilespmem:s21], [sflag:$0x3], $0x80, s5, s20, $0xb8;
	[tilespmem:$0x1D800] =	vst v63  }
0x149: {  	_ =	swait.ge [sflag:s18], $0x3E80  }
0x14a: {  	[sflag:s18] =	ssyncset.done $0x0  }
0x14b: {  	s5 =	rddreg [dreg:$0x11];
	[sflag:s18] =	ssyncadd.s32 $0xFFFFC180  }
0x14c: {  	[tilespmem:s21], [sflag:$0x2] =	stream.indirect.gather [hbm4b:s2+s20], $0x80, s5, s20, $0xb8;
	[tilespmem:$0x1D800] =	vst v63  }
0x14d: {  	_ =	swait.ge [sflag:s22], $0x3E80  }
0x14e: {  	[sflag:s22] =	ssyncset.done $0x0  }
0x14f: {  	s5 =	rddreg [dreg:$0x12];
	[sflag:s22] =	ssyncadd.s32 $0xFFFFC180  }
0x150: {  	[spmem:s3] =	stream.indirect.scatter.add.f32 [tilespmem:s17], [sflag:$0x3], $0x80, s5, s20, $0xb8;
	[tilespmem:$0x1D800] =	vst v63  }
0x151: {  	_ =	swait.ge [sflag:s18], $0x3E80  }
0x152: {  	[sflag:s18] =	ssyncset.done $0x0  }
0x153: {  	s5 =	rddreg [dreg:$0x13];
	[sflag:s18] =	ssyncadd.s32 $0xFFFFC180  }
0x154: {  	[tilespmem:s17], [sflag:$0x1] =	stream.indirect.gather [hbm4b:s2+s20], $0x80, s5, s20, $0xb8;
	[tilespmem:$0x1D800] =	vst v63  }
0x155: {  	_ =	swait.ge [sflag:s23], $0x3E80  }
0x156: {  	[sflag:s23] =	ssyncset.done $0x0  }
0x157: {  	s5 =	rddreg [dreg:$0x14];
	[sflag:s23] =	ssyncadd.s32 $0xFFFFC180  }
0x158: {  	[spmem:s3] =	stream.indirect.scatter.add.f32 [tilespmem:s21], [sflag:$0x3], $0x80, s5, s20, $0xb8;
	[tilespmem:$0x1D800] =	vst v63  }
0x159: {  	_ =	swait.ge [sflag:s18], $0x3E80  }
0x15a: {  	[sflag:s18] =	ssyncset.done $0x0  }
0x15b: {  	s5 =	rddreg [dreg:$0x15];
	[sflag:s18] =	ssyncadd.s32 $0xFFFFC180  }
0x15c: {  	[tilespmem:s21], [sflag:$0x2] =	stream.indirect.gather [hbm4b:s2+s20], $0x80, s5, s20, $0xb8;
	[tilespmem:$0x1D800] =	vst v63  }
0x15d: {  	_ =	swait.ge [sflag:s22], $0x3E80  }
0x15e: {  	[sflag:s22] =	ssyncset.done $0x0  }
0x15f: {  	s5 =	rddreg [dreg:$0x16];
	[sflag:s22] =	ssyncadd.s32 $0xFFFFC180  }
0x160: {  	[spmem:s3] =	stream.indirect.scatter.add.f32 [tilespmem:s17], [sflag:$0x3], $0x80, s5, s20, $0xb8;
	[tilespmem:$0x1D800] =	vst v63  }
0x161: {  	_ =	swait.ge [sflag:s18], $0x3E80  }
0x162: {  	[sflag:s18] =	ssyncset.done $0x0  }
0x163: {  	s5 =	rddreg [dreg:$0x17];
	[sflag:s18] =	ssyncadd.s32 $0xFFFFC180  }
0x164: {  	[tilespmem:s17], [sflag:$0x1] =	stream.indirect.gather [hbm4b:s2+s20], $0x80, s5, s20, $0xb8;
	[tilespmem:$0x1D800] =	vst v63  }
0x165: {  	_ =	swait.ge [sflag:s23], $0x3E80  }
0x166: {  	[sflag:s23] =	ssyncset.done $0x0  }
0x167: {  	s5 =	rddreg [dreg:$0x18];
	[sflag:s23] =	ssyncadd.s32 $0xFFFFC180  }
0x168: {  	[spmem:s3] =	stream.indirect.scatter.add.f32 [tilespmem:s21], [sflag:$0x3], $0x80, s5, s20, $0xb8;
	[tilespmem:$0x1D800] =	vst v63  }
0x169: {  	_ =	swait.ge [sflag:s18], $0x3E80  }
0x16a: {  	[sflag:s18] =	ssyncset.done $0x0  }
0x16b: {  	s5 =	rddreg [dreg:$0x19];
	[sflag:s18] =	ssyncadd.s32 $0xFFFFC180  }
0x16c: {  	[tilespmem:s21], [sflag:$0x2] =	stream.indirect.gather [hbm4b:s2+s20], $0x80, s5, s20, $0xb8;
	[tilespmem:$0x1D800] =	vst v63  }
0x16d: {  	_ =	swait.ge [sflag:s22], $0x3E80  }
0x16e: {  	[sflag:s22] =	ssyncset.done $0x0  }
0x16f: {  	s5 =	rddreg [dreg:$0x1a];
	[sflag:s22] =	ssyncadd.s32 $0xFFFFC180  }
0x170: {  	[spmem:s3] =	stream.indirect.scatter.add.f32 [tilespmem:s17], [sflag:$0x3], $0x80, s5, s20, $0xb8;
	[tilespmem:$0x1D800] =	vst v63  }
0x171: {  	_ =	swait.ge [sflag:s18], $0x3E80  }
0x172: {  	s14 =	smov.u32 s16;
	[sflag:s18] =	ssyncset.done $0x0  }
0x173: {  	s15 =	smov.u32 s14;
	s14 =	simm.s32 $0x600;
	[sflag:s18] =	ssyncadd.s32 $0xFFFFC180  }
0x174: {  	[tilespmem:s17], [sflag:$0x1] =	stream.indirect.gather [hbm4b:s2+s20], $0x80, s14, s20, $0xb8;
	[tilespmem:$0x1D800] =	vst v63  }
0x175: {  	_ =	swait.ge [sflag:s23], $0x3E80  }
0x176: {  	[sflag:s23] =	ssyncset.done $0x0  }
0x177: {  	[sflag:s23] =	ssyncadd.s32 $0xFFFFC180  }
0x178: {  	[spmem:s3] =	stream.indirect.scatter.add.f32 [tilespmem:s21], [sflag:$0x3], $0x80, s25, s20, $0xb8;
	[tilespmem:$0x1D800] =	vst v63  }
0x179: {  	_ =	swait.ge [sflag:s18], $0x3E80  }
0x17a: {  	[sflag:s18] =	ssyncset.done $0x0  }
0x17b: {  	[sflag:s18] =	ssyncadd.s32 $0xFFFFC180  }
0x17c: {  	[tilespmem:s21], [sflag:$0x2] =	stream.indirect.gather [hbm4b:s2+s20], $0x80, s26, s20, $0xb8;
	[tilespmem:$0x1D800] =	vst v63  }
0x17d: {  	_ =	swait.ge [sflag:s22], $0x3E80  }
0x17e: {  	[sflag:s22] =	ssyncset.done $0x0  }
0x17f: {  	[sflag:s22] =	ssyncadd.s32 $0xFFFFC180  }
0x180: {  	[spmem:s3] =	stream.indirect.scatter.add.f32 [tilespmem:s17], [sflag:$0x3], $0x80, s28, s20, $0xb8;
	[tilespmem:$0x1D800] =	vst v63  }
0x181: {  	_ =	swait.ge [sflag:s18], $0x3E80  }
0x182: {  	[sflag:s18] =	ssyncset.done $0x0  }
0x183: {  	[sflag:s18] =	ssyncadd.s32 $0xFFFFC180  }
0x184: {  	[tilespmem:s17], [sflag:$0x1] =	stream.indirect.gather [hbm4b:s2+s20], $0x80, s29, s20, $0xb8;
	[tilespmem:$0x1D800] =	vst v63  }
0x185: {  	_ =	swait.ge [sflag:s23], $0x3E80  }
0x186: {  	[sflag:s23] =	ssyncset.done $0x0  }
0x187: {  	[sflag:s23] =	ssyncadd.s32 $0xFFFFC180  }
0x188: {  	[spmem:s3] =	stream.indirect.scatter.add.f32 [tilespmem:s21], [sflag:$0x3], $0x80, s30, s20, $0xb8;
	[tilespmem:$0x1D800] =	vst v63  }
0x189: {  	_ =	swait.ge [sflag:s18], $0x3E80  }
0x18a: {  	[sflag:s18] =	ssyncset.done $0x0  }
0x18b: {  	[sflag:s18] =	ssyncadd.s32 $0xFFFFC180  }
0x18c: {  	[tilespmem:s21], [sflag:$0x2] =	stream.indirect.gather [hbm4b:s2+s20], $0x80, s31, s20, $0xb8;
	[tilespmem:$0x1D800] =	vst v63  }
0x18d: {  	_ =	swait.ge [sflag:s22], $0x3E80  }
0x18e: {  	[sflag:s22] =	ssyncset.done $0x0  }
0x18f: {  	[sflag:s22] =	ssyncadd.s32 $0xFFFFC180  }
0x190: {  	[spmem:s3] =	stream.indirect.scatter.add.f32 [tilespmem:s17], [sflag:$0x3], $0x80, s1, s20, $0xb8;
	[tilespmem:$0x1D800] =	vst v63  }
0x191: {  	_ =	swait.ge [sflag:s18], $0x3E80  }
0x192: {  	[sflag:s18] =	ssyncset.done $0x0  }
0x193: {  	[sflag:s18] =	ssyncadd.s32 $0xFFFFC180  }
0x194: {  	[tilespmem:s17], [sflag:$0x1] =	stream.indirect.gather [hbm4b:s2+s20], $0x80, s0, s20, $0xb8;
	[tilespmem:$0x1D800] =	vst v63  }
0x195: {  	_ =	swait.ge [sflag:s23], $0x3E80  }
0x196: {  	[sflag:s23] =	ssyncset.done $0x0  }
0x197: {  	[sflag:s23] =	ssyncadd.s32 $0xFFFFC180  }
0x198: {  	[spmem:s3] =	stream.indirect.scatter.add.f32 [tilespmem:s21], [sflag:$0x3], $0x80, s6, s20, $0xb8;
	[tilespmem:$0x1D800] =	vst v63  }
0x199: {  	_ =	swait.ge [sflag:s18], $0x3E80  }
0x19a: {  	[sflag:s18] =	ssyncset.done $0x0  }
0x19b: {  	[sflag:s18] =	ssyncadd.s32 $0xFFFFC180  }
0x19c: {  	[tilespmem:s21], [sflag:$0x2] =	stream.indirect.gather [hbm4b:s2+s20], $0x80, s7, s20, $0xb8;
	[tilespmem:$0x1D800] =	vst v63  }
0x19d: {  	_ =	swait.ge [sflag:s22], $0x3E80  }
0x19e: {  	[sflag:s22] =	ssyncset.done $0x0  }
0x19f: {  	[sflag:s22] =	ssyncadd.s32 $0xFFFFC180  }
0x1a0: {  	[spmem:s3] =	stream.indirect.scatter.add.f32 [tilespmem:s17], [sflag:$0x3], $0x80, s8, s20, $0xb8;
	[tilespmem:$0x1D800] =	vst v63  }
0x1a1: {  	_ =	swait.ge [sflag:s18], $0x3E80  }
0x1a2: {  	[sflag:s18] =	ssyncset.done $0x0  }
0x1a3: {  	[sflag:s18] =	ssyncadd.s32 $0xFFFFC180  }
0x1a4: {  	[tilespmem:s17], [sflag:$0x1] =	stream.indirect.gather [hbm4b:s2+s20], $0x80, s9, s20, $0xb8;
	[tilespmem:$0x1D800] =	vst v63  }
0x1a5: {  	_ =	swait.ge [sflag:s23], $0x3E80  }
0x1a6: {  	[sflag:s23] =	ssyncset.done $0x0  }
0x1a7: {  	[sflag:s23] =	ssyncadd.s32 $0xFFFFC180  }
0x1a8: {  	[spmem:s3] =	stream.indirect.scatter.add.f32 [tilespmem:s21], [sflag:$0x3], $0x80, s10, s20, $0xb8;
	[tilespmem:$0x1D800] =	vst v63  }
0x1a9: {  	_ =	swait.ge [sflag:s18], $0x3E80  }
0x1aa: {  	[sflag:s18] =	ssyncset.done $0x0  }
0x1ab: {  	[sflag:s18] =	ssyncadd.s32 $0xFFFFC180  }
0x1ac: {  	[tilespmem:s21], [sflag:$0x2] =	stream.indirect.gather [hbm4b:s2+s20], $0x80, s11, s20, $0xb8;
	[tilespmem:$0x1D800] =	vst v63  }
0x1ad: {  	_ =	swait.ge [sflag:s22], $0x3E80  }
0x1ae: {  	[sflag:s22] =	ssyncset.done $0x0  }
0x1af: {  	[sflag:s22] =	ssyncadd.s32 $0xFFFFC180  }
0x1b0: {  	[spmem:s3] =	stream.indirect.scatter.add.f32 [tilespmem:s17], [sflag:$0x3], $0x80, s12, s20, $0xb8;
	[tilespmem:$0x1D800] =	vst v63  }
0x1b1: {  	_ =	swait.ge [sflag:s18], $0x3E80  }
0x1b2: {  	[sflag:s18] =	ssyncset.done $0x0  }
0x1b3: {  	[sflag:s18] =	ssyncadd.s32 $0xFFFFC180  }
0x1b4: {  	p0 =	sne.s32 s16, $0x480;
	_ =	swait.ge [sflag:s23], $0x3E80  }
.Ltmp1:
0x1b5: {  	[sflag:s23] =	ssyncset.done $0x0;
	(pc) =	sbr.rel @p0 .LBB2_4-.Ltmp1, $4  }
0x1b6: {  	[sflag:s23] =	ssyncadd.s32 $0xFFFFC180  }
0x1b7: {  	[spmem:s3] =	stream.indirect.scatter.add.f32 [tilespmem:s21], [sflag:$0x3], $0x80, s13, s20, $0xb8;
	[tilespmem:$0x1D800] =	vst v63  }
0x1b8: {  	_ =	swait.ge [sflag:s18], $0x3E80  }
0x1b9: {  	s16 =	sadd.s32 $0x180, s16;
	s5 =	rddreg [dreg:$0x5];
	[sflag:s18] =	ssyncset.done $0x0  }
0x1ba: {  	[sflag:s18] =	ssyncadd.s32 $0xFFFFC180;
	s5 =	sadd.s32 s15, s5  }
0x1bb: {  	[tilespmem:s4], [sflag:$0x3] =	stream.linear.gather [hbm4b:s5+s4], $0xA00, $0x38;
	[tilespmem:$0x1D800] =	vst v63  }
0x1bc: {  	_ =	swait.ge [sflag:s18], $0xA00  }
0x1bd: {  	s16 =	rddreg [dreg:$0x4];
	[sflag:s18] =	ssyncset.done $0x0  }
0x1be: {  	[sflag:s18] =	ssyncadd.s32 $0xFFFFF600;
	s5 =	sadd.s32 s15, s16  }
0x1bf: {  	[tilespmem:s19], [sflag:$0x3] =	stream.linear.gather [hbm4b:s5+s4], $0xA00, $0x38;
	[tilespmem:$0x1D800] =	vst v63  }
0x1c0: {  	_ =	swait.ge [sflag:s18], $0xA00  }
0x1c1: {  	[sflag:s18] =	ssyncset.done $0x0  }
0x1c2: {  	[sflag:s18] =	ssyncadd.s32 $0xFFFFF600  }
0x1c3: {  	[tilespmem:s17], [sflag:$0x1] =	stream.indirect.gather [hbm4b:s2+s20], $0x80, s4, s20, $0xb8;
	[tilespmem:$0x1D800] =	vst v63  }
0x1c4: {  	s16 =	rddreg [dreg:$0x6]  }
0x1c5: {  	[tilespmem:s21], [sflag:$0x2] =	stream.indirect.gather [hbm4b:s2+s20], $0x80, s16, s20, $0xb8;
	[tilespmem:$0x1D800] =	vst v63  }
0x1c6: {  	_ =	swait.ge [sflag:s22], $0x3E80  }
0x1c7: {  	[sflag:s22] =	ssyncset.done $0x0  }
0x1c8: {  	[sflag:s22] =	ssyncadd.s32 $0xFFFFC180  }
0x1c9: {  	[spmem:s3] =	stream.indirect.scatter.add.f32 [tilespmem:s17], [sflag:$0x3], $0x80, s19, s20, $0xb8;
	[tilespmem:$0x1D800] =	vst v63  }
0x1ca: {  	_ =	swait.ge [sflag:s18], $0x3E80  }
0x1cb: {  	[sflag:s18] =	ssyncset.done $0x0  }
0x1cc: {  	s15 =	rddreg [dreg:$0x7];
	[sflag:s18] =	ssyncadd.s32 $0xFFFFC180  }
0x1cd: {  	[tilespmem:s17], [sflag:$0x1] =	stream.indirect.gather [hbm4b:s2+s20], $0x80, s15, s20, $0xb8;
	[tilespmem:$0x1D800] =	vst v63  }
0x1ce: {  	_ =	swait.ge [sflag:s23], $0x3E80  }
0x1cf: {  	[sflag:s23] =	ssyncset.done $0x0  }
0x1d0: {  	s16 =	rddreg [dreg:$0x8];
	[sflag:s23] =	ssyncadd.s32 $0xFFFFC180  }
0x1d1: {  	[spmem:s3] =	stream.indirect.scatter.add.f32 [tilespmem:s21], [sflag:$0x3], $0x80, s16, s20, $0xb8;
	[tilespmem:$0x1D800] =	vst v63  }
0x1d2: {  	_ =	swait.ge [sflag:s18], $0x3E80  }
0x1d3: {  	[sflag:s18] =	ssyncset.done $0x0  }
0x1d4: {  	s15 =	rddreg [dreg:$0x9];
	[sflag:s18] =	ssyncadd.s32 $0xFFFFC180  }
0x1d5: {  	[tilespmem:s21], [sflag:$0x2] =	stream.indirect.gather [hbm4b:s2+s20], $0x80, s15, s20, $0xb8;
	[tilespmem:$0x1D800] =	vst v63  }
0x1d6: {  	_ =	swait.ge [sflag:s22], $0x3E80  }
0x1d7: {  	[sflag:s22] =	ssyncset.done $0x0  }
0x1d8: {  	s16 =	rddreg [dreg:$0xa];
	[sflag:s22] =	ssyncadd.s32 $0xFFFFC180  }
0x1d9: {  	[spmem:s3] =	stream.indirect.scatter.add.f32 [tilespmem:s17], [sflag:$0x3], $0x80, s16, s20, $0xb8;
	[tilespmem:$0x1D800] =	vst v63  }
0x1da: {  	_ =	swait.ge [sflag:s18], $0x3E80  }
0x1db: {  	[sflag:s18] =	ssyncset.done $0x0  }
0x1dc: {  	s15 =	rddreg [dreg:$0xb];
	[sflag:s18] =	ssyncadd.s32 $0xFFFFC180  }
0x1dd: {  	[tilespmem:s17], [sflag:$0x1] =	stream.indirect.gather [hbm4b:s2+s20], $0x80, s15, s20, $0xb8;
	[tilespmem:$0x1D800] =	vst v63  }
0x1de: {  	_ =	swait.ge [sflag:s23], $0x3E80  }
0x1df: {  	[sflag:s23] =	ssyncset.done $0x0  }
0x1e0: {  	s16 =	rddreg [dreg:$0xc];
	[sflag:s23] =	ssyncadd.s32 $0xFFFFC180  }
0x1e1: {  	[spmem:s3] =	stream.indirect.scatter.add.f32 [tilespmem:s21], [sflag:$0x3], $0x80, s16, s20, $0xb8;
	[tilespmem:$0x1D800] =	vst v63  }
0x1e2: {  	_ =	swait.ge [sflag:s18], $0x3E80  }
0x1e3: {  	[sflag:s18] =	ssyncset.done $0x0  }
0x1e4: {  	s15 =	rddreg [dreg:$0xd];
	[sflag:s18] =	ssyncadd.s32 $0xFFFFC180  }
0x1e5: {  	[tilespmem:s21], [sflag:$0x2] =	stream.indirect.gather [hbm4b:s2+s20], $0x80, s15, s20, $0xb8;
	[tilespmem:$0x1D800] =	vst v63  }
0x1e6: {  	_ =	swait.ge [sflag:s22], $0x3E80  }
0x1e7: {  	[sflag:s22] =	ssyncset.done $0x0  }
0x1e8: {  	s16 =	rddreg [dreg:$0xe];
	[sflag:s22] =	ssyncadd.s32 $0xFFFFC180  }
0x1e9: {  	[spmem:s3] =	stream.indirect.scatter.add.f32 [tilespmem:s17], [sflag:$0x3], $0x80, s16, s20, $0xb8;
	[tilespmem:$0x1D800] =	vst v63  }
0x1ea: {  	_ =	swait.ge [sflag:s18], $0x3E80  }
0x1eb: {  	[sflag:s18] =	ssyncset.done $0x0  }
0x1ec: {  	s15 =	rddreg [dreg:$0xf];
	[sflag:s18] =	ssyncadd.s32 $0xFFFFC180  }
0x1ed: {  	[tilespmem:s17], [sflag:$0x1] =	stream.indirect.gather [hbm4b:s2+s20], $0x80, s15, s20, $0xb8;
	[tilespmem:$0x1D800] =	vst v63  }
0x1ee: {  	_ =	swait.ge [sflag:s23], $0x3E80  }
0x1ef: {  	[sflag:s23] =	ssyncset.done $0x0  }
0x1f0: {  	s16 =	rddreg [dreg:$0x10];
	[sflag:s23] =	ssyncadd.s32 $0xFFFFC180  }
0x1f1: {  	[spmem:s3] =	stream.indirect.scatter.add.f32 [tilespmem:s21], [sflag:$0x3], $0x80, s16, s20, $0xb8;
	[tilespmem:$0x1D800] =	vst v63  }
0x1f2: {  	_ =	swait.ge [sflag:s18], $0x3E80  }
0x1f3: {  	[sflag:s18] =	ssyncset.done $0x0  }
0x1f4: {  	s15 =	rddreg [dreg:$0x11];
	[sflag:s18] =	ssyncadd.s32 $0xFFFFC180  }
0x1f5: {  	[tilespmem:s21], [sflag:$0x2] =	stream.indirect.gather [hbm4b:s2+s20], $0x80, s15, s20, $0xb8;
	[tilespmem:$0x1D800] =	vst v63  }
0x1f6: {  	_ =	swait.ge [sflag:s22], $0x3E80  }
0x1f7: {  	[sflag:s22] =	ssyncset.done $0x0  }
0x1f8: {  	s16 =	rddreg [dreg:$0x12];
	[sflag:s22] =	ssyncadd.s32 $0xFFFFC180  }
0x1f9: {  	[spmem:s3] =	stream.indirect.scatter.add.f32 [tilespmem:s17], [sflag:$0x3], $0x80, s16, s20, $0xb8;
	[tilespmem:$0x1D800] =	vst v63  }
0x1fa: {  	_ =	swait.ge [sflag:s18], $0x3E80  }
0x1fb: {  	[sflag:s18] =	ssyncset.done $0x0  }
0x1fc: {  	s15 =	rddreg [dreg:$0x13];
	[sflag:s18] =	ssyncadd.s32 $0xFFFFC180  }
0x1fd: {  	[tilespmem:s17], [sflag:$0x1] =	stream.indirect.gather [hbm4b:s2+s20], $0x80, s15, s20, $0xb8;
	[tilespmem:$0x1D800] =	vst v63  }
0x1fe: {  	_ =	swait.ge [sflag:s23], $0x3E80  }
0x1ff: {  	[sflag:s23] =	ssyncset.done $0x0  }
0x200: {  	s16 =	rddreg [dreg:$0x14];
	[sflag:s23] =	ssyncadd.s32 $0xFFFFC180  }
0x201: {  	[spmem:s3] =	stream.indirect.scatter.add.f32 [tilespmem:s21], [sflag:$0x3], $0x80, s16, s20, $0xb8;
	[tilespmem:$0x1D800] =	vst v63  }
0x202: {  	_ =	swait.ge [sflag:s18], $0x3E80  }
0x203: {  	[sflag:s18] =	ssyncset.done $0x0  }
0x204: {  	s15 =	rddreg [dreg:$0x15];
	[sflag:s18] =	ssyncadd.s32 $0xFFFFC180  }
0x205: {  	[tilespmem:s21], [sflag:$0x2] =	stream.indirect.gather [hbm4b:s2+s20], $0x80, s15, s20, $0xb8;
	[tilespmem:$0x1D800] =	vst v63  }
0x206: {  	_ =	swait.ge [sflag:s22], $0x3E80  }
0x207: {  	[sflag:s22] =	ssyncset.done $0x0  }
0x208: {  	s16 =	rddreg [dreg:$0x16];
	[sflag:s22] =	ssyncadd.s32 $0xFFFFC180  }
0x209: {  	[spmem:s3] =	stream.indirect.scatter.add.f32 [tilespmem:s17], [sflag:$0x3], $0x80, s16, s20, $0xb8;
	[tilespmem:$0x1D800] =	vst v63  }
0x20a: {  	_ =	swait.ge [sflag:s18], $0x3E80  }
0x20b: {  	[sflag:s18] =	ssyncset.done $0x0  }
0x20c: {  	s15 =	rddreg [dreg:$0x17];
	[sflag:s18] =	ssyncadd.s32 $0xFFFFC180  }
0x20d: {  	[tilespmem:s17], [sflag:$0x1] =	stream.indirect.gather [hbm4b:s2+s20], $0x80, s15, s20, $0xb8;
	[tilespmem:$0x1D800] =	vst v63  }
0x20e: {  	_ =	swait.ge [sflag:s23], $0x3E80  }
0x20f: {  	[sflag:s23] =	ssyncset.done $0x0  }
0x210: {  	s16 =	rddreg [dreg:$0x18];
	[sflag:s23] =	ssyncadd.s32 $0xFFFFC180  }
0x211: {  	[spmem:s3] =	stream.indirect.scatter.add.f32 [tilespmem:s21], [sflag:$0x3], $0x80, s16, s20, $0xb8;
	[tilespmem:$0x1D800] =	vst v63  }
0x212: {  	_ =	swait.ge [sflag:s18], $0x3E80  }
0x213: {  	[sflag:s18] =	ssyncset.done $0x0  }
0x214: {  	s15 =	rddreg [dreg:$0x19];
	[sflag:s18] =	ssyncadd.s32 $0xFFFFC180  }
0x215: {  	[tilespmem:s21], [sflag:$0x2] =	stream.indirect.gather [hbm4b:s2+s20], $0x80, s15, s20, $0xb8;
	[tilespmem:$0x1D800] =	vst v63  }
0x216: {  	_ =	swait.ge [sflag:s22], $0x3E80  }
0x217: {  	[sflag:s22] =	ssyncset.done $0x0  }
0x218: {  	s16 =	rddreg [dreg:$0x1a];
	[sflag:s22] =	ssyncadd.s32 $0xFFFFC180  }
0x219: {  	[spmem:s3] =	stream.indirect.scatter.add.f32 [tilespmem:s17], [sflag:$0x3], $0x80, s16, s20, $0xb8;
	[tilespmem:$0x1D800] =	vst v63  }
0x21a: {  	_ =	swait.ge [sflag:s18], $0x3E80  }
0x21b: {  	[sflag:s18] =	ssyncset.done $0x0  }
0x21c: {  	[sflag:s18] =	ssyncadd.s32 $0xFFFFC180  }
0x21d: {  	[tilespmem:s17], [sflag:$0x1] =	stream.indirect.gather [hbm4b:s2+s20], $0x80, s14, s20, $0xb8;
	[tilespmem:$0x1D800] =	vst v63  }
0x21e: {  	_ =	swait.ge [sflag:s23], $0x3E80  }
0x21f: {  	[sflag:s23] =	ssyncset.done $0x0  }
0x220: {  	[sflag:s23] =	ssyncadd.s32 $0xFFFFC180  }
0x221: {  	[spmem:s3] =	stream.indirect.scatter.add.f32 [tilespmem:s21], [sflag:$0x3], $0x80, s25, s20, $0xb8;
	[tilespmem:$0x1D800] =	vst v63  }
0x222: {  	_ =	swait.ge [sflag:s18], $0x3E80  }
0x223: {  	[sflag:s18] =	ssyncset.done $0x0  }
0x224: {  	[sflag:s18] =	ssyncadd.s32 $0xFFFFC180  }
0x225: {  	[tilespmem:s21], [sflag:$0x2] =	stream.indirect.gather [hbm4b:s2+s20], $0x80, s26, s20, $0xb8;
	[tilespmem:$0x1D800] =	vst v63  }
0x226: {  	_ =	swait.ge [sflag:s22], $0x3E80  }
0x227: {  	[sflag:s22] =	ssyncset.done $0x0  }
0x228: {  	[sflag:s22] =	ssyncadd.s32 $0xFFFFC180  }
0x229: {  	[spmem:s3] =	stream.indirect.scatter.add.f32 [tilespmem:s17], [sflag:$0x3], $0x80, s28, s20, $0xb8;
	[tilespmem:$0x1D800] =	vst v63  }
0x22a: {  	_ =	swait.ge [sflag:s18], $0x3E80  }
0x22b: {  	[sflag:s18] =	ssyncset.done $0x0  }
0x22c: {  	[sflag:s18] =	ssyncadd.s32 $0xFFFFC180  }
0x22d: {  	[tilespmem:s17], [sflag:$0x1] =	stream.indirect.gather [hbm4b:s2+s20], $0x80, s29, s20, $0xb8;
	[tilespmem:$0x1D800] =	vst v63  }
0x22e: {  	_ =	swait.ge [sflag:s23], $0x3E80  }
0x22f: {  	[sflag:s23] =	ssyncset.done $0x0  }
0x230: {  	[sflag:s23] =	ssyncadd.s32 $0xFFFFC180  }
0x231: {  	[spmem:s3] =	stream.indirect.scatter.add.f32 [tilespmem:s21], [sflag:$0x3], $0x80, s30, s20, $0xb8;
	[tilespmem:$0x1D800] =	vst v63  }
0x232: {  	_ =	swait.ge [sflag:s18], $0x3E80  }
0x233: {  	[sflag:s18] =	ssyncset.done $0x0  }
0x234: {  	[sflag:s18] =	ssyncadd.s32 $0xFFFFC180  }
0x235: {  	[tilespmem:s21], [sflag:$0x2] =	stream.indirect.gather [hbm4b:s2+s20], $0x80, s31, s20, $0xb8;
	[tilespmem:$0x1D800] =	vst v63  }
0x236: {  	_ =	swait.ge [sflag:s22], $0x3E80  }
0x237: {  	[sflag:s22] =	ssyncset.done $0x0  }
0x238: {  	[sflag:s22] =	ssyncadd.s32 $0xFFFFC180  }
0x239: {  	[spmem:s3] =	stream.indirect.scatter.add.f32 [tilespmem:s17], [sflag:$0x3], $0x80, s1, s20, $0xb8;
	[tilespmem:$0x1D800] =	vst v63  }
0x23a: {  	_ =	swait.ge [sflag:s18], $0x3E80  }
0x23b: {  	[sflag:s18] =	ssyncset.done $0x0  }
0x23c: {  	[sflag:s18] =	ssyncadd.s32 $0xFFFFC180  }
0x23d: {  	[tilespmem:s17], [sflag:$0x1] =	stream.indirect.gather [hbm4b:s2+s20], $0x80, s0, s20, $0xb8;
	[tilespmem:$0x1D800] =	vst v63  }
0x23e: {  	_ =	swait.ge [sflag:s23], $0x3E80  }
0x23f: {  	[sflag:s23] =	ssyncset.done $0x0  }
0x240: {  	[sflag:s23] =	ssyncadd.s32 $0xFFFFC180  }
0x241: {  	[spmem:s3] =	stream.indirect.scatter.add.f32 [tilespmem:s21], [sflag:$0x3], $0x80, s6, s20, $0xb8;
	[tilespmem:$0x1D800] =	vst v63  }
0x242: {  	_ =	swait.ge [sflag:s18], $0x3E80  }
0x243: {  	[sflag:s18] =	ssyncset.done $0x0  }
0x244: {  	[sflag:s18] =	ssyncadd.s32 $0xFFFFC180  }
0x245: {  	[tilespmem:s21], [sflag:$0x2] =	stream.indirect.gather [hbm4b:s2+s20], $0x80, s7, s20, $0xb8;
	[tilespmem:$0x1D800] =	vst v63  }
0x246: {  	_ =	swait.ge [sflag:s22], $0x3E80  }
0x247: {  	[sflag:s22] =	ssyncset.done $0x0  }
0x248: {  	[sflag:s22] =	ssyncadd.s32 $0xFFFFC180  }
0x249: {  	[spmem:s3] =	stream.indirect.scatter.add.f32 [tilespmem:s17], [sflag:$0x3], $0x80, s8, s20, $0xb8;
	[tilespmem:$0x1D800] =	vst v63  }
0x24a: {  	_ =	swait.ge [sflag:s18], $0x3E80  }
0x24b: {  	[sflag:s18] =	ssyncset.done $0x0  }
0x24c: {  	[sflag:s18] =	ssyncadd.s32 $0xFFFFC180  }
0x24d: {  	[tilespmem:s17], [sflag:$0x1] =	stream.indirect.gather [hbm4b:s2+s20], $0x80, s9, s20, $0xb8;
	[tilespmem:$0x1D800] =	vst v63  }
0x24e: {  	_ =	swait.ge [sflag:s23], $0x3E80  }
0x24f: {  	[sflag:s23] =	ssyncset.done $0x0  }
0x250: {  	[sflag:s23] =	ssyncadd.s32 $0xFFFFC180  }
0x251: {  	[spmem:s3] =	stream.indirect.scatter.add.f32 [tilespmem:s21], [sflag:$0x3], $0x80, s10, s20, $0xb8;
	[tilespmem:$0x1D800] =	vst v63  }
0x252: {  	_ =	swait.ge [sflag:s18], $0x3E80  }
0x253: {  	[sflag:s18] =	ssyncset.done $0x0  }
0x254: {  	[sflag:s18] =	ssyncadd.s32 $0xFFFFC180  }
0x255: {  	[tilespmem:s21], [sflag:$0x2] =	stream.indirect.gather [hbm4b:s2+s20], $0x80, s11, s20, $0xb8;
	[tilespmem:$0x1D800] =	vst v63  }
0x256: {  	_ =	swait.ge [sflag:s22], $0x3E80  }
0x257: {  	[sflag:s22] =	ssyncset.done $0x0  }
0x258: {  	[sflag:s22] =	ssyncadd.s32 $0xFFFFC180  }
0x259: {  	[spmem:s3] =	stream.indirect.scatter.add.f32 [tilespmem:s17], [sflag:$0x3], $0x80, s12, s20, $0xb8;
	[tilespmem:$0x1D800] =	vst v63  }
0x25a: {  	_ =	swait.ge [sflag:s18], $0x3E80  }
0x25b: {  	[sflag:s18] =	ssyncset.done $0x0  }
0x25c: {  	[sflag:s18] =	ssyncadd.s32 $0xFFFFC180  }
0x25d: {  	_ =	swait.ge [sflag:s23], $0x3E80  }
0x25e: {  	[sflag:s23] =	ssyncset.done $0x0  }
0x25f: {  	[sflag:s23] =	ssyncadd.s32 $0xFFFFC180  }
0x260: {  	[spmem:s3] =	stream.indirect.scatter.add.f32 [tilespmem:s21], [sflag:$0x3], $0x80, s13, s20, $0xb8;
	[tilespmem:$0x1D800] =	vst v63  }
0x261: {  	_ =	swait.ge [sflag:s18], $0x3E80  }
0x262: {  	[sflag:s18] =	ssyncset.done $0x0  }
0x263: {  	s15 =	stileid.u32;
	[sflag:s18] =	ssyncadd.s32 $0xFFFFC180  }
0x264: {  	s5 =	sshll.u32 s15, $0x6;
	[bflag:$0x0] =	sbarrier.arrive $0xFFFF  }
0x265: {  	s5 =	sor.u32 $0x1C03, s5;
	s16 =	sshrl.u32 s24, $0x3;
	s24 =	rddreg [dreg:$0x1c]  }
0x266: {  	[hbm:s24], [sflag:s5] =	dma.local [spmem:s16], $0x2800  }
0x267: {  	_ =	swait.ge [sflag:s18], $0x2800  }
0x268: {  	s16 =	sld [smem:$0x7F6];
	_ =	sdelay $0x2  }
0x269: {  	s24 =	rddreg [dreg:$0x1d];
	s14 =	sadd.s32 $0x1, s16  }
0x26a: {  	p0 =	sne.s32 s14, s24  }
.Ltmp2:
0x26b: {  	_ = 	snop;
	(pc) =	sbr.rel @p0 .LBB2_1-.Ltmp2, $3  }
0x26c: {  	_ =	sdelay $0x1  }
0x26d: {  	[sflag:s18] =	ssyncset.done $0x0  }
0x26e: {  	[sflag:s18] =	ssyncadd.s32 $0xFFFFD800  }
0x26f: {  	_ =	sfence.sel $0x180000  }
0x270: {  	[bflag:$0x0] =	sbarrier.arrive $0xFFFF  }
0x271: {  	_ =	strace $0x9000004A  }
0x272: {  	s0 =	stileid.u32;
	[bflag:$0x2] =	sbarrier.arrive $0xFFFF  }
0x273: {  	p0 =	sne.s32 s0, $0x0;
	s0 =	rddreg [dreg:$0x3]  }
0x274: {  	s0 =	sadd.s32 @!p0 $0x100000, s0  }
0x275: {  	[sflag:s0] =	ssyncadd.tile.s32 @!p0 $0x1;
	_ =	shalt  }
.Lfunc_end2:
_tile_overlayer_lowered:
.L_overlay_start_2:
0x276: {  	(tag) =	ssettag $0x2  }
0x277: {  	s0 =	rddreg [dreg:$0x0];
	s2 =	stileid.u32  }
0x278: {  	s1 =	rddreg [dreg:$0x1];
	p0 =	sne.s32 s2, $0x0  }
0x279: {  	s3 =	rddreg [dreg:$0x2];
	[bflag:$0x3] =	sbarrier.arrive $0xFFFF;
	s2 =	simm.s32 @!p0 $0x1C03  }
0x27a: {  	[timem:s3], [sflag:s2] =	dma.local @!p0 [hbm:s0], s1  }
0x27b: {  	s0 =	simm.s32 @!p0 $0x3  }
0x27c: {  	_ =	swait.ge @!p0 [sflag:s0], s1  }
0x27d: {  	s1 =	ssub.s32 @!p0 $0x0, s1;
	[sflag:s0] =	ssyncset.done @!p0 $0x0  }
0x27e: {  	[sflag:s0] =	ssyncadd.s32 @!p0 s1  }
0x27f: {  	[bflag:$0x3] =	sbarrier.arrive $0xFFFF  }
0x280: {  	_ =	shalt  }

// kernel: kernel.15.cloned.1.call-start
scs
__scs_entry_jumppad:
0x0: {  	(pc) =	sbr.rel $0x88, $3  }
0x1: {  	(tag) =	ssettag $0x0;
	lr =	simm.s32 $0x1  }
0x2: {  	[smem:$0x3F96] =	sst lr;
	_ =	strace $0xD0000000  }
0x3: {  	_ = 	snop  }
0x4: {  	_ = 	snop  }
0x5: {  	_ = 	snop  }
0x6: {  	_ = 	snop  }
0x7: {  	_ = 	snop  }
__scs_overlays_trampoline_lowered:
0x8: {  	[smem:$0x3FA5] =	sst s0  }
0x9: {  	[smem:$0x3FA6] =	sst s1  }
0xa: {  	[smem:$0x3FA7] =	sst s2  }
0xb: {  	[smem:$0x3FA8] =	sst s3  }
0xc: {  	[smem:$0x3FA9] =	sst s4  }
0xd: {  	[smem:$0x3FAA] =	sst s5  }
0xe: {  	[smem:$0x3FAB] =	sst s6  }
0xf: {  	[smem:$0x3FAC] =	sst s7  }
0x10: {  	[smem:$0x3FAD] =	sst s8  }
0x11: {  	[smem:$0x3FAE] =	sst s9;
	s0 =	simm.s32 @!p0 $0x0  }
0x12: {  	s1 =	sld [smem:$0x3F94];
	s0 =	simm.s32 @p0 $0x1  }
0x13: {  	[smem:$0x3FAF] =	sst s0;
	s0 =	simm.s32 @!p1 $0x0  }
0x14: {  	s2 =	sld [smem:$0x3F93];
	s0 =	simm.s32 @p1 $0x1  }
0x15: {  	[smem:$0x3FB0] =	sst s0;
	s0 =	simm.s32 @!p2 $0x0  }
0x16: {  	s3 =	sld [smem:$0x3FDB];
	s0 =	simm.s32 @p2 $0x1  }
0x17: {  	s4 =	simm.s32 $0x1BF5;
	[smem:$0x3FB2] =	sst s0  }
0x18: {  	s0 =	sld [smem:$0x3F95];
	_ =	swait.ge [sflag:s4], $0x0  }
0x19: {  	s7 =	sld [smem:$0x3F96]  }
0x1a: {  	s8 =	sadd.s32 $0xFFFFE003, lr  }
0x1b: {  	s9 =	sadd.s32 $0xFFFFFEF7, lr;
	s5 =	simm.s32 $0xFFFFFFFF;
	p2 =	slt.u32 s8, $0xFFFFF086  }
0x1c: {  	p1 =	slt.u32 s9, $0xF7A;
	s5 =	simm.s32 @!p2 $0x0  }
0x1d: {  	s5 =	simm.s32 @p1 $0x1;
	p0 =	seq.s32 s7, s2  }
0x1e: {  	s7 =	smul.u32 @!p0 $0xF7A, s2;
	p2 =	seq.s32 @!p0 s5, $0x0  }
0x1f: {  	s9 =	smul.u32 $0xF7A, s1;
	s8 =	simm.s32 @!p0 $0x1BF5;
	p2 =	por !p2, p0  }
0x20: {  	[sflag:s8] =	ssyncset.s32 @!p0 $0xFFFFF086;
	s6 =	sadd.s32 @!p0 s3, s7;
	s7 =	simm.s32 @!p0 $0x108  }
0x21: {  	s3 =	sadd.s32 s3, s9;
	s6 =	sadd.s32 @!p0 $0x88, s6;
	s7 =	simm.s32 @p2 $0x1082  }
0x22: {  	[simem:s7], [sflag:s8] =	dma.local @!p0 [hbm:s6], $0xF7A  }
0x23: {  	s9 =	sor.u32 $0xD0000000, s2;
	s6 =	simm.s32 $0x108;
	_ =	swait.ge @!p0 [sflag:s8], $0x0  }
0x24: {  	s3 =	sadd.s32 $0x88, s3;
	s6 =	simm.s32 @!p1 $0x1082;
	[sflag:s4] =	ssyncset.s32 $0xFFFFF086  }
0x25: {  	[simem:s6], [sflag:s4] =	dma.local [hbm:s3], $0xF7A  }
0x26: {  	[smem:$0x3F96] =	sst s1;
	(tag) =	ssettag s2;
	_ =	strace s9  }
0x27: {  	s1 =	sld [smem:$0x3FA6]  }
0x28: {  	s2 =	sld [smem:$0x3FA7]  }
0x29: {  	s4 =	sld [smem:$0x3FA9]  }
0x2a: {  	p0 =	seq.s32 s5, $0x0;
	s5 =	sld [smem:$0x3FAA]  }
0x2b: {  	s6 =	sld [smem:$0x3FAB]  }
0x2c: {  	s7 =	sld [smem:$0x3FAC]  }
0x2d: {  	s3 =	simm.s32 $0x108;
	s8 =	sld [smem:$0x3FAD]  }
0x2e: {  	s3 =	simm.s32 @!p0 $0x1082;
	s9 =	sld [smem:$0x3FAE]  }
0x2f: {  	lr =	sadd.s32 s0, s3;
	s0 =	sld [smem:$0x3FA5]  }
0x30: {  	s3 =	sld [smem:$0x3FA8]  }
0x31: {  	[smem:$0x3FB1] =	sst s10  }
0x32: {  	s10 =	sld [smem:$0x3FAF];
	_ =	sdelay $0x3  }
0x33: {  	p0 =	seq.s32 s10, $0x1;
	s10 =	sld [smem:$0x3FB1];
	_ =	sdelay $0x3  }
0x34: {  	[smem:$0x3FB1] =	sst s10  }
0x35: {  	s10 =	sld [smem:$0x3FB0];
	_ =	sdelay $0x3  }
0x36: {  	p1 =	seq.s32 s10, $0x1;
	s10 =	sld [smem:$0x3FB1];
	_ =	sdelay $0x3  }
0x37: {  	[smem:$0x3FB1] =	sst s10  }
0x38: {  	s10 =	sld [smem:$0x3FB2]  }
0x39: {  	_ = 	snop;
	(pc) =	sbr.ind lr, $3  }
0x3a: {  	_ = 	snop  }
0x3b: {  	_ = 	snop  }
0x3c: {  	p2 =	seq.s32 s10, $0x1;
	s10 =	sld [smem:$0x3FB1]  }
0x3d: {  	_ =	shalt  }
0x3e: {  	_ =	shalt  }
0x3f: {  	_ =	shalt  }
0x40: {  	_ =	shalt  }
0x41: {  	_ =	shalt  }
0x42: {  	_ =	shalt  }
0x43: {  	_ =	shalt  }
0x44: {  	_ =	shalt  }
0x45: {  	_ =	shalt  }
0x46: {  	_ =	shalt  }
0x47: {  	_ =	shalt  }
0x48: {  	_ =	shalt  }
0x49: {  	_ =	shalt  }
0x4a: {  	_ =	shalt  }
0x4b: {  	_ =	shalt  }
0x4c: {  	_ =	shalt  }
0x4d: {  	_ =	shalt  }
0x4e: {  	_ =	shalt  }
0x4f: {  	_ =	shalt  }
0x50: {  	_ =	shalt  }
0x51: {  	_ =	shalt  }
0x52: {  	_ =	shalt  }
0x53: {  	_ =	shalt  }
0x54: {  	_ =	shalt  }
0x55: {  	_ =	shalt  }
0x56: {  	_ =	shalt  }
0x57: {  	_ =	shalt  }
0x58: {  	_ =	shalt  }
0x59: {  	_ =	shalt  }
0x5a: {  	_ =	shalt  }
0x5b: {  	_ =	shalt  }
0x5c: {  	_ =	shalt  }
0x5d: {  	_ =	shalt  }
0x5e: {  	_ =	shalt  }
0x5f: {  	_ =	shalt  }
0x60: {  	_ =	shalt  }
0x61: {  	_ =	shalt  }
0x62: {  	_ =	shalt  }
0x63: {  	_ =	shalt  }
0x64: {  	_ =	shalt  }
0x65: {  	_ =	shalt  }
0x66: {  	_ =	shalt  }
0x67: {  	_ =	shalt  }
0x68: {  	_ =	shalt  }
0x69: {  	_ =	shalt  }
0x6a: {  	_ =	shalt  }
0x6b: {  	_ =	shalt  }
0x6c: {  	_ =	shalt  }
0x6d: {  	_ =	shalt  }
0x6e: {  	_ =	shalt  }
0x6f: {  	_ =	shalt  }
0x70: {  	_ =	shalt  }
0x71: {  	_ =	shalt  }
0x72: {  	_ =	shalt  }
0x73: {  	_ =	shalt  }
0x74: {  	_ =	shalt  }
0x75: {  	_ =	shalt  }
0x76: {  	_ =	shalt  }
0x77: {  	_ =	shalt  }
0x78: {  	_ =	shalt  }
0x79: {  	_ =	shalt  }
0x7a: {  	_ =	shalt  }
0x7b: {  	_ =	shalt  }
0x7c: {  	_ =	shalt  }
0x7d: {  	_ =	shalt  }
0x7e: {  	_ =	shalt  }
0x7f: {  	_ =	shalt  }
0x80: {  	_ =	shalt  }
0x81: {  	_ =	shalt  }
0x82: {  	_ =	shalt  }
0x83: {  	_ =	shalt  }
0x84: {  	_ =	shalt  }
0x85: {  	_ =	shalt  }
0x86: {  	_ =	shalt  }
0x87: {  	_ =	shalt  }
.Lfunc_end0:
.L_simem_size_0:
called_computation.2_lowered:
.L_overlay_start_0:
0x88: {  	s2 =	sld [smem:$0x3FD9]  }
0x89: {  	s3 =	sld [smem:$0x3FFE];
	_ =	sdelay $0x1  }
0x8a: {  	s1 =	srdreg.scid  }
0x8b: {  	s0 =	sand.u32 $0x1, s1  }
0x8c: {  	s17 =	sshll.u32 s0, $0xA;
	s2 =	sadd.s32 s3, s2  }
0x8d: {  	s2 =	sadd.s32 s2, s17  }
0x8e: {  	[smem:$0x3FBD] =	sst s2  }
0x8f: {  	_ = 	snop  }
0x90: {  	s2 =	sld [smem:$0x3FD0];
	(tm) =	ssettm $0x1  }
0x91: {  	s18 =	sld [smem:$0x3FFB];
	_ =	sdelay $0x3  }
0x92: {  	_ =	strace s18  }
0x93: {  	s3 =	sld [smem:$0x3FFC];
	_ =	sdelay $0x3  }
0x94: {  	_ =	strace s3  }
0x95: {  	s3 =	sld [smem:$0x3FFD];
	_ =	sdelay $0x3  }
0x96: {  	_ =	strace s3  }
0x97: {  	_ =	strace $0x8FFFFFFF  }
0x98: {  	s19 =	sld [smem:$0x3FDB];
	_ =	sdelay $0x1  }
0x99: {  	s4 =	simm.s32 $_scs_section_size  }
0x9a: {  	s5 =	simm.s32 $_size__tile_overlayer_lowered;
	s6 =	simm.s32 $_tile_overlayer_lowered  }
0x9b: {  	s22 =	simm.s32 $0x1BFF;
	s21 =	sshll.u32 s6, $0x1;
	s3 =	sadd.s32 s4, s19  }
0x9c: {  	s7 =	simm.s32 $0x0;
	s20 =	sshll.u32 s5, $0x1;
	s5 =	sadd.s32 s21, s3  }
0x9d: {  	[timem:s7], [sflag:s22] =	dma.local [hbm:s5], s20  }
0x9e: {  	_ =	swait.ge [sflag:s22], s20  }
0x9f: {  	s4 =	ssub.s32 $0x0, s20;
	[sflag:s22] =	ssyncset.done $0x0  }
0xa0: {  	[sflag:s22] =	ssyncadd.s32 s4;
	_ =	sdelay $0x1  }
0xa1: {  	s23 =	simm.s32 $0x1B8B  }
0xa2: {  	_ =	swait.ge [sflag:s23], $0x1  }
0xa3: {  	[sflag:s23] =	ssyncset.done $0x0  }
0xa4: {  	s25 =	simm.s32 $0x1B8E;
	s24 =	sld [smem:$0x3FFE];
	[sflag:s23] =	ssyncadd.s32 $0xFFFFFFFF  }
0xa5: {  	s26 =	simm.s32 $execute0_lowered;
	[smem:$0x3FD2] =	sst s25  }
0xa6: {  	s5 =	sshll.u32 s26, $0x1;
	_ =	strace $0x8000004C;
	[dreg:$0x1] =	wrdreg $0xFFFFFFFF  }
0xa7: {  	s28 =	simm.s32 $_size_execute0_lowered;
	s3 =	sadd.s32 s3, s5;
	[dreg:$0x0] =	wrdreg $0x0  }
0xa8: {  	s5 =	sshll.u32 s28, $0x1;
	[dreg:$0x2] =	wrdreg s3  }
0xa9: {  	[dreg:$0x3] =	wrdreg s5  }
0xaa: {  	[dreg:$0x4] =	wrdreg $0xC0  }
0xab: {  	_ =	task [dreg:s7], $0x5FFFF  }
0xac: {  	[dreg:$0x1] =	wrdreg $0xFFFFFFFF  }
0xad: {  	[dreg:$0x0] =	wrdreg $0x60  }
0xae: {  	[dreg:$0x2] =	wrdreg s2  }
0xaf: {  	[dreg:$0x3] =	wrdreg s24  }
0xb0: {  	[dreg:$0x4] =	wrdreg $0x98000  }
0xb1: {  	[dreg:$0x5] =	wrdreg $0x9  }
0xb2: {  	_ =	task.clear_ibuf [dreg:s7], $0x6FFFF;
	_ =	strace $0x9000004C  }
0xb3: {  	s29 =	simm.s32 $0x9;
	_ =	strace $0x8000004E  }
0xb4: {  	_ =	swait.ge [sflag:s29], $0x1  }
0xb5: {  	[sflag:s29] =	ssyncadd.s32 $0xFFFFFFFF  }
0xb6: {  	_ =	strace $0x9000004E  }
0xb7: {  	_ =	sfence  }
0xb8: {  	s30 =	sld [smem:$0x0];
	_ =	sdelay $0x2  }
0xb9: {  	s31 =	sshll.u32 s1, $0xD;
	s1 =	sshrl.u32 s1, $0x2  }
0xba: {  	s3 =	sand.u32 $0x4000, s31;
	s1 =	sadd.s32 s1, s30  }
0xbb: {  	s0 =	sor.u32 s3, s0;
	s1 =	sshll.u32 s1, $0x11  }
0xbc: {  	s0 =	sor.u32 s1, s0  }
0xbd: {  	s0 =	sadd.s32 $0x8F2B, s0  }
0xbe: {  	[sflag:s0] =	ssyncadd.remote.s32 $0x1  }
0xbf: {  	_ =	sfence.sel $0xFFFF  }
0xc0: {  	[dreg:$0x0] =	wrdreg $0xFFFFFFFF;
	(pc) =	sbr.abs _section_cstart, $3  }
0xc1: {  	[dreg:$0x1] =	wrdreg $0xFFFFFFFF  }
0xc2: {  	_ =	task.clear_ibuf [dreg:s7], $0x2FFFF;
	_ =	strace $0x9FFFFFFF  }
0xc3: {  	(tm) =	ssettm $0x7FFFFFFF  }
tec
execute0_lowered:
.L_overlay_start_1:
0x0: {  	(tag) =	ssettag $0x1  }
0x1: {  	s0 =	srdreg.scid;
	s8 =	stileid.u32  }
0x2: {  	s2 =	rddreg [dreg:$0x0];
	s0 =	sand.u32 $0x1, s0;
	s4 =	smul.u32 $0x3000, s8  }
0x3: {  	s5 =	rddreg [dreg:$0x1];
	s1 =	smul.u32 $0x30000, s0  }
0x4: {  	s3 =	rddreg [dreg:$0x2]  }
0x5: {  	s15 =	simm.s32 $0x80;
	s1 =	sadd.s32 s4, s1;
	s4 =	simm.s32 $0x0  }
0x6: {  	s17 =	simm.s32 $0x100;
	s18 =	simm.s32 $0xC80;
	[smem:$0x7FF] =	sst s4  }
0x7: {  	s20 =	simm.s32 $0x180;
	_ =	strace $0x8000004D;
	[dreg:$0x6] =	wrdreg s15  }
0x8: {  	s6 =	smul.u32 $0x140000, s0;
	s0 =	ssub.s32 $0x2, s0;
	[dreg:$0x7] =	wrdreg s17  }
0x9: {  	s16 =	smul.u32 $0x50000, s8;
	s14 =	sshrl.u32 s0, $0x1;
	[dreg:$0x8] =	wrdreg s18  }
0xa: {  	s21 =	simm.s32 $0xD00;
	s0 =	ssub.s32 s0, s14;
	[dreg:$0x9] =	wrdreg s20  }
0xb: {  	s19 =	sshrl.u32 s16, $0x2;
	s0 =	smax.u32 s0, $0x1;
	[dreg:$0xa] =	wrdreg s21  }
0xc: {  	s22 =	simm.s32 $0x200;
	s24 =	sadd.s32 s19, s3;
	[dreg:$0x1d] =	wrdreg s0  }
0xd: {  	s25 =	sadd.s32 $0x2000, s24;
	[dreg:$0xb] =	wrdreg s22  }
0xe: {  	s23 =	simm.s32 $0xD80;
	s7 =	smul.u32 $0x14000, s8;
	[dreg:$0x1e] =	wrdreg s25  }
0xf: {  	s26 =	simm.s32 $0x280;
	s10 =	simm.s32 $0xE80;
	[dreg:$0xc] =	wrdreg s23  }
0x10: {  	s6 =	sadd.s32 s7, s6;
	s7 =	sadd.s32 $0x6000, s24;
	[dreg:$0xd] =	wrdreg s26  }
0x11: {  	s12 =	simm.s32 $0x380;
	s9 =	sadd.s32 $0x8000, s24;
	[smem:$0x7F7] =	sst s7  }
0x12: {  	s28 =	simm.s32 $0x1200;
	s8 =	simm.s32 $0x300;
	[smem:$0x7F8] =	sst s9  }
0x13: {  	s29 =	simm.s32 $0x700;
	s11 =	sadd.s32 $0xA000, s24;
	[dreg:$0xf] =	wrdreg s8  }
0x14: {  	s30 =	simm.s32 $0x1280;
	s31 =	simm.s32 $0x780;
	[smem:$0x7F9] =	sst s11  }
0x15: {  	s16 =	simm.s32 $0x400;
	s14 =	simm.s32 $0xF00;
	[dreg:$0x10] =	wrdreg s10  }
0x16: {  	s1 =	sshrl.u32 s1, $0x3;
	s6 =	sshrl.u32 s6, $0x3;
	[dreg:$0x11] =	wrdreg s12  }
0x17: {  	s19 =	sadd.s32 $0x12000, s24;
	s1 =	sadd.s32 s1, s5;
	[dreg:$0x12] =	wrdreg s14  }
0x18: {  	s5 =	sadd.s32 s6, s5;
	s6 =	simm.s32 $0xE00;
	[dreg:$0x13] =	wrdreg s16  }
0x19: {  	s15 =	sadd.s32 $0xE000, s24;
	s17 =	sadd.s32 $0x10000, s24;
	[smem:$0x7FD] =	sst s19  }
0x1a: {  	s18 =	simm.s32 $0xF80;
	s20 =	simm.s32 $0x480;
	[dreg:$0x1b] =	wrdreg s24  }
0x1b: {  	s21 =	simm.s32 $0x1000;
	s22 =	simm.s32 $0x500;
	[dreg:$0xe] =	wrdreg s6  }
0x1c: {  	s19 =	simm.s32 $0xC00;
	s23 =	simm.s32 $0x1080;
	[smem:$0x7FB] =	sst s15  }
0x1d: {  	s25 =	simm.s32 $0x580;
	s26 =	simm.s32 $0x1100;
	[smem:$0x7FC] =	sst s17  }
0x1e: {  	s0 =	simm.s32 $0x800;
	s7 =	simm.s32 $0x880;
	[dreg:$0x14] =	wrdreg s18  }
0x1f: {  	s8 =	simm.s32 $0x1400;
	s9 =	simm.s32 $0x900;
	[dreg:$0x15] =	wrdreg s20  }
0x20: {  	s10 =	simm.s32 $0x1480;
	s11 =	simm.s32 $0x980;
	[dreg:$0x16] =	wrdreg s21  }
0x21: {  	s12 =	simm.s32 $0x1500;
	s14 =	simm.s32 $0x0;
	[dreg:$0x17] =	wrdreg s22  }
0x22: {  	s13 =	sadd.s32 $0x2E00, s1;
	s1 =	sadd.s32 $0x5EE00, s1;
	[dreg:$0x18] =	wrdreg s23  }
0x23: {  	s5 =	sadd.s32 $0xEE00, s5;
	s17 =	simm.s32 $0x1800;
	[dreg:$0x19] =	wrdreg s25  }
0x24: {  	s18 =	simm.s32 $0x3;
	s20 =	simm.s32 $0x7D;
	[dreg:$0x1a] =	wrdreg s26  }
0x25: {  	s21 =	simm.s32 $0x5800;
	s22 =	simm.s32 $0x1;
	[dreg:$0x4] =	wrdreg s13  }
0x26: {  	s23 =	simm.s32 $0x2;
	s25 =	simm.s32 $0x1180;
	[dreg:$0x5] =	wrdreg s1  }
0x27: {  	s26 =	simm.s32 $0x680;
	[dreg:$0x1c] =	wrdreg s5;
	s5 =	sadd.s32 $0x4000, s24  }
0x28: {  	s6 =	simm.s32 $0x1380;
	s13 =	sadd.s32 $0xC000, s24;
	[dreg:$0x1f] =	wrdreg s5  }
0x29: {  	v0 =	vimm.f32 $0.0e+00;
	s1 =	simm.s32 $0x1300;
	[smem:$0x7FA] =	sst s13;
	s13 =	simm.s32 $0x1580  }
.LBB2_1:
0x2a: {  	s5 =	simm.s32 $0x0  }
0x2b: {  	s15 =	sand.u32 $0xFFFFFF80, s5  }
0x2c: {  	s15 =	ssub.s32 $0x0, s15  }
0x2d: {  	s5 =	sand.u32 $0x3FFFFF80, s5;
	s15 =	sand.u32 $0xFFFFFF80, s15  }
0x2e: {  	[smem:$0x7F6] =	sst s14;
	s16 =	sand.u32 $0x70, s4;
	s5 =	sadd.s32 s15, s5  }
0x2f: {  	s15 =	simm.s32 $0x1;
	s5 =	sor.u32 s16, s5;
	s16 =	simm.s32 $0x0  }
.LBB2_2:
0x30: {  	s14 =	sshll.u32 s15, $0x4;
	p0 =	sne.s32 s15, $0x3E7;
	s15 =	sadd.s32 $0x1, s15;
	[tilespmem:s5+$0x1800] =	vst v0  }
.Ltmp0:
0x31: {  	s16 =	sadd.s32 $0x10, s16;
	s5 =	sand.u32 $0xFFFFFF80, s14;
	(pc) =	sbr.rel @p0 .LBB2_2-.Ltmp0, $4  }
0x32: {  	s5 =	ssub.s32 s16, s5  }
0x33: {  	s14 =	sand.u32 $0x3FFFFF80, s14;
	s5 =	sand.u32 $0xFFFFFF80, s5  }
0x34: {  	s24 =	sand.u32 $0x70, s16;
	s5 =	sadd.s32 s5, s14  }
0x35: {  	s5 =	sor.u32 s24, s5  }
0x36: {  	[tilespmem:s5+$0x1800] =	vst v0;
	s24 =	rddreg [dreg:$0x1b]  }
0x37: {  	[spmem:s24] =	stream.linear.scatter [tilespmem:s17], [sflag:$0x3], $0x2000, $0x38;
	[tilespmem:$0x1D800] =	vst v63  }
0x38: {  	_ =	swait.ge [sflag:s18], $0x2000  }
0x39: {  	[sflag:s18] =	ssyncset.done $0x0  }
0x3a: {  	s14 =	rddreg [dreg:$0x1e];
	[sflag:s18] =	ssyncadd.s32 $0xFFFFE000  }
0x3b: {  	[spmem:s14] =	stream.linear.scatter [tilespmem:s17], [sflag:$0x3], $0x2000, $0x38;
	[tilespmem:$0x1D800] =	vst v63  }
0x3c: {  	_ =	swait.ge [sflag:s18], $0x2000  }
0x3d: {  	[sflag:s18] =	ssyncset.done $0x0  }
0x3e: {  	s15 =	rddreg [dreg:$0x1f];
	[sflag:s18] =	ssyncadd.s32 $0xFFFFE000  }
0x3f: {  	[spmem:s15] =	stream.linear.scatter [tilespmem:s17], [sflag:$0x3], $0x2000, $0x38;
	[tilespmem:$0x1D800] =	vst v63  }
0x40: {  	_ =	swait.ge [sflag:s18], $0x2000  }
0x41: {  	s16 =	sld [smem:$0x7F7]  }
0x42: {  	[sflag:s18] =	ssyncset.done $0x0  }
0x43: {  	[sflag:s18] =	ssyncadd.s32 $0xFFFFE000  }
0x44: {  	[spmem:s16] =	stream.linear.scatter [tilespmem:s17], [sflag:$0x3], $0x2000, $0x38;
	[tilespmem:$0x1D800] =	vst v63  }
0x45: {  	_ =	swait.ge [sflag:s18], $0x2000  }
0x46: {  	s14 =	sld [smem:$0x7F8]  }
0x47: {  	[sflag:s18] =	ssyncset.done $0x0  }
0x48: {  	[sflag:s18] =	ssyncadd.s32 $0xFFFFE000  }
0x49: {  	[spmem:s14] =	stream.linear.scatter [tilespmem:s17], [sflag:$0x3], $0x2000, $0x38;
	[tilespmem:$0x1D800] =	vst v63  }
0x4a: {  	_ =	swait.ge [sflag:s18], $0x2000  }
0x4b: {  	s15 =	sld [smem:$0x7F9]  }
0x4c: {  	[sflag:s18] =	ssyncset.done $0x0  }
0x4d: {  	[sflag:s18] =	ssyncadd.s32 $0xFFFFE000  }
0x4e: {  	[spmem:s15] =	stream.linear.scatter [tilespmem:s17], [sflag:$0x3], $0x2000, $0x38;
	[tilespmem:$0x1D800] =	vst v63  }
0x4f: {  	_ =	swait.ge [sflag:s18], $0x2000  }
0x50: {  	s16 =	sld [smem:$0x7FA]  }
0x51: {  	[sflag:s18] =	ssyncset.done $0x0  }
0x52: {  	[sflag:s18] =	ssyncadd.s32 $0xFFFFE000  }
0x53: {  	[spmem:s16] =	stream.linear.scatter [tilespmem:s17], [sflag:$0x3], $0x2000, $0x38;
	[tilespmem:$0x1D800] =	vst v63  }
0x54: {  	_ =	swait.ge [sflag:s18], $0x2000  }
0x55: {  	s14 =	sld [smem:$0x7FB]  }
0x56: {  	[sflag:s18] =	ssyncset.done $0x0  }
0x57: {  	[sflag:s18] =	ssyncadd.s32 $0xFFFFE000  }
0x58: {  	[spmem:s14] =	stream.linear.scatter [tilespmem:s17], [sflag:$0x3], $0x2000, $0x38;
	[tilespmem:$0x1D800] =	vst v63  }
0x59: {  	_ =	swait.ge [sflag:s18], $0x2000  }
0x5a: {  	s15 =	sld [smem:$0x7FC]  }
0x5b: {  	[sflag:s18] =	ssyncset.done $0x0  }
0x5c: {  	[sflag:s18] =	ssyncadd.s32 $0xFFFFE000  }
0x5d: {  	[spmem:s15] =	stream.linear.scatter [tilespmem:s17], [sflag:$0x3], $0x2000, $0x38;
	[tilespmem:$0x1D800] =	vst v63  }
0x5e: {  	_ =	swait.ge [sflag:s18], $0x2000  }
0x5f: {  	s16 =	sld [smem:$0x7FD]  }
0x60: {  	[sflag:s18] =	ssyncset.done $0x0  }
0x61: {  	[sflag:s18] =	ssyncadd.s32 $0xFFFFE000  }
0x62: {  	[spmem:s16] =	stream.linear.scatter [tilespmem:s17], [sflag:$0x3], $0x2000, $0x38;
	[tilespmem:$0x1D800] =	vst v63  }
0x63: {  	_ =	swait.ge [sflag:s18], $0x2000  }
0x64: {  	[sflag:s18] =	ssyncset.done $0x0  }
0x65: {  	[sflag:s18] =	ssyncadd.s32 $0xFFFFE000  }
0x66: {  	[bflag:$0x0] =	sbarrier.arrive $0xFFFF  }
0x67: {  	s14 =	rddreg [dreg:$0x5]  }
0x68: {  	s5 =	sadd.s32 $0x0, s14  }
0x69: {  	[tilespmem:s4], [sflag:$0x3] =	stream.linear.gather [hbm4b:s5+s4], $0xA00, $0x38;
	[tilespmem:$0x1D800] =	vst v63  }
0x6a: {  	_ =	swait.ge [sflag:s18], $0xA00  }
0x6b: {  	s15 =	rddreg [dreg:$0x4];
	[sflag:s18] =	ssyncset.done $0x0  }
0x6c: {  	[sflag:s18] =	ssyncadd.s32 $0xFFFFF600;
	s5 =	sadd.s32 $0x0, s15  }
0x6d: {  	[tilespmem:s19], [sflag:$0x3] =	stream.linear.gather [hbm4b:s5+s4], $0xA00, $0x38;
	[tilespmem:$0x1D800] =	vst v63  }
0x6e: {  	_ =	swait.ge [sflag:s18], $0xA00  }
0x6f: {  	[sflag:s18] =	ssyncset.done $0x0  }
0x70: {  	[sflag:s18] =	ssyncadd.s32 $0xFFFFF600  }
0x71: {  	[tilespmem:s17], [sflag:$0x1] =	stream.indirect.gather [hbm4b:s2+s20], $0x80, s4, s20, $0xb8;
	[tilespmem:$0x1D800] =	vst v63  }
0x72: {  	s16 =	rddreg [dreg:$0x6]  }
0x73: {  	[tilespmem:s21], [sflag:$0x2] =	stream.indirect.gather [hbm4b:s2+s20], $0x80, s16, s20, $0xb8;
	[tilespmem:$0x1D800] =	vst v63  }
0x74: {  	_ =	swait.ge [sflag:s22], $0x3E80  }
0x75: {  	[sflag:s22] =	ssyncset.done $0x0  }
0x76: {  	[sflag:s22] =	ssyncadd.s32 $0xFFFFC180  }
0x77: {  	[spmem:s3] =	stream.indirect.scatter.add.f32 [tilespmem:s17], [sflag:$0x3], $0x80, s19, s20, $0xb8;
	[tilespmem:$0x1D800] =	vst v63  }
0x78: {  	_ =	swait.ge [sflag:s18], $0x3E80  }
0x79: {  	[sflag:s18] =	ssyncset.done $0x0  }
0x7a: {  	s14 =	rddreg [dreg:$0x7];
	[sflag:s18] =	ssyncadd.s32 $0xFFFFC180  }
0x7b: {  	[tilespmem:s17], [sflag:$0x1] =	stream.indirect.gather [hbm4b:s2+s20], $0x80, s14, s20, $0xb8;
	[tilespmem:$0x1D800] =	vst v63  }
0x7c: {  	_ =	swait.ge [sflag:s23], $0x3E80  }
0x7d: {  	[sflag:s23] =	ssyncset.done $0x0  }
0x7e: {  	s15 =	rddreg [dreg:$0x8];
	[sflag:s23] =	ssyncadd.s32 $0xFFFFC180  }
0x7f: {  	[spmem:s3] =	stream.indirect.scatter.add.f32 [tilespmem:s21], [sflag:$0x3], $0x80, s15, s20, $0xb8;
	[tilespmem:$0x1D800] =	vst v63  }
0x80: {  	_ =	swait.ge [sflag:s18], $0x3E80  }
0x81: {  	[sflag:s18] =	ssyncset.done $0x0  }
0x82: {  	s16 =	rddreg [dreg:$0x9];
	[sflag:s18] =	ssyncadd.s32 $0xFFFFC180  }
0x83: {  	[tilespmem:s21], [sflag:$0x2] =	stream.indirect.gather [hbm4b:s2+s20], $0x80, s16, s20, $0xb8;
	[tilespmem:$0x1D800] =	vst v63  }
0x84: {  	_ =	swait.ge [sflag:s22], $0x3E80  }
0x85: {  	[sflag:s22] =	ssyncset.done $0x0  }
0x86: {  	s14 =	rddreg [dreg:$0xa];
	[sflag:s22] =	ssyncadd.s32 $0xFFFFC180  }
0x87: {  	[spmem:s3] =	stream.indirect.scatter.add.f32 [tilespmem:s17], [sflag:$0x3], $0x80, s14, s20, $0xb8;
	[tilespmem:$0x1D800] =	vst v63  }
0x88: {  	_ =	swait.ge [sflag:s18], $0x3E80  }
0x89: {  	[sflag:s18] =	ssyncset.done $0x0  }
0x8a: {  	s15 =	rddreg [dreg:$0xb];
	[sflag:s18] =	ssyncadd.s32 $0xFFFFC180  }
0x8b: {  	[tilespmem:s17], [sflag:$0x1] =	stream.indirect.gather [hbm4b:s2+s20], $0x80, s15, s20, $0xb8;
	[tilespmem:$0x1D800] =	vst v63  }
0x8c: {  	_ =	swait.ge [sflag:s23], $0x3E80  }
0x8d: {  	[sflag:s23] =	ssyncset.done $0x0  }
0x8e: {  	s16 =	rddreg [dreg:$0xc];
	[sflag:s23] =	ssyncadd.s32 $0xFFFFC180  }
0x8f: {  	[spmem:s3] =	stream.indirect.scatter.add.f32 [tilespmem:s21], [sflag:$0x3], $0x80, s16, s20, $0xb8;
	[tilespmem:$0x1D800] =	vst v63  }
0x90: {  	_ =	swait.ge [sflag:s18], $0x3E80  }
0x91: {  	[sflag:s18] =	ssyncset.done $0x0  }
0x92: {  	s14 =	rddreg [dreg:$0xd];
	[sflag:s18] =	ssyncadd.s32 $0xFFFFC180  }
0x93: {  	[tilespmem:s21], [sflag:$0x2] =	stream.indirect.gather [hbm4b:s2+s20], $0x80, s14, s20, $0xb8;
	[tilespmem:$0x1D800] =	vst v63  }
0x94: {  	_ =	swait.ge [sflag:s22], $0x3E80  }
0x95: {  	[sflag:s22] =	ssyncset.done $0x0  }
0x96: {  	s15 =	rddreg [dreg:$0xe];
	[sflag:s22] =	ssyncadd.s32 $0xFFFFC180  }
0x97: {  	[spmem:s3] =	stream.indirect.scatter.add.f32 [tilespmem:s17], [sflag:$0x3], $0x80, s15, s20, $0xb8;
	[tilespmem:$0x1D800] =	vst v63  }
0x98: {  	_ =	swait.ge [sflag:s18], $0x3E80  }
0x99: {  	[sflag:s18] =	ssyncset.done $0x0  }
0x9a: {  	s16 =	rddreg [dreg:$0xf];
	[sflag:s18] =	ssyncadd.s32 $0xFFFFC180  }
0x9b: {  	[tilespmem:s17], [sflag:$0x1] =	stream.indirect.gather [hbm4b:s2+s20], $0x80, s16, s20, $0xb8;
	[tilespmem:$0x1D800] =	vst v63  }
0x9c: {  	_ =	swait.ge [sflag:s23], $0x3E80  }
0x9d: {  	[sflag:s23] =	ssyncset.done $0x0  }
0x9e: {  	s14 =	rddreg [dreg:$0x10];
	[sflag:s23] =	ssyncadd.s32 $0xFFFFC180  }
0x9f: {  	[spmem:s3] =	stream.indirect.scatter.add.f32 [tilespmem:s21], [sflag:$0x3], $0x80, s14, s20, $0xb8;
	[tilespmem:$0x1D800] =	vst v63  }
0xa0: {  	_ =	swait.ge [sflag:s18], $0x3E80  }
0xa1: {  	[sflag:s18] =	ssyncset.done $0x0  }
0xa2: {  	s15 =	rddreg [dreg:$0x11];
	[sflag:s18] =	ssyncadd.s32 $0xFFFFC180  }
0xa3: {  	[tilespmem:s21], [sflag:$0x2] =	stream.indirect.gather [hbm4b:s2+s20], $0x80, s15, s20, $0xb8;
	[tilespmem:$0x1D800] =	vst v63  }
0xa4: {  	_ =	swait.ge [sflag:s22], $0x3E80  }
0xa5: {  	[sflag:s22] =	ssyncset.done $0x0  }
0xa6: {  	s16 =	rddreg [dreg:$0x12];
	[sflag:s22] =	ssyncadd.s32 $0xFFFFC180  }
0xa7: {  	[spmem:s3] =	stream.indirect.scatter.add.f32 [tilespmem:s17], [sflag:$0x3], $0x80, s16, s20, $0xb8;
	[tilespmem:$0x1D800] =	vst v63  }
0xa8: {  	_ =	swait.ge [sflag:s18], $0x3E80  }
0xa9: {  	[sflag:s18] =	ssyncset.done $0x0  }
0xaa: {  	s14 =	rddreg [dreg:$0x13];
	[sflag:s18] =	ssyncadd.s32 $0xFFFFC180  }
0xab: {  	[tilespmem:s17], [sflag:$0x1] =	stream.indirect.gather [hbm4b:s2+s20], $0x80, s14, s20, $0xb8;
	[tilespmem:$0x1D800] =	vst v63  }
0xac: {  	_ =	swait.ge [sflag:s23], $0x3E80  }
0xad: {  	[sflag:s23] =	ssyncset.done $0x0  }
0xae: {  	s15 =	rddreg [dreg:$0x14];
	[sflag:s23] =	ssyncadd.s32 $0xFFFFC180  }
0xaf: {  	[spmem:s3] =	stream.indirect.scatter.add.f32 [tilespmem:s21], [sflag:$0x3], $0x80, s15, s20, $0xb8;
	[tilespmem:$0x1D800] =	vst v63  }
0xb0: {  	_ =	swait.ge [sflag:s18], $0x3E80  }
0xb1: {  	[sflag:s18] =	ssyncset.done $0x0  }
0xb2: {  	s16 =	rddreg [dreg:$0x15];
	[sflag:s18] =	ssyncadd.s32 $0xFFFFC180  }
0xb3: {  	[tilespmem:s21], [sflag:$0x2] =	stream.indirect.gather [hbm4b:s2+s20], $0x80, s16, s20, $0xb8;
	[tilespmem:$0x1D800] =	vst v63  }
0xb4: {  	_ =	swait.ge [sflag:s22], $0x3E80  }
0xb5: {  	[sflag:s22] =	ssyncset.done $0x0  }
0xb6: {  	s14 =	rddreg [dreg:$0x16];
	[sflag:s22] =	ssyncadd.s32 $0xFFFFC180  }
0xb7: {  	[spmem:s3] =	stream.indirect.scatter.add.f32 [tilespmem:s17], [sflag:$0x3], $0x80, s14, s20, $0xb8;
	[tilespmem:$0x1D800] =	vst v63  }
0xb8: {  	_ =	swait.ge [sflag:s18], $0x3E80  }
0xb9: {  	[sflag:s18] =	ssyncset.done $0x0  }
0xba: {  	s15 =	rddreg [dreg:$0x17];
	[sflag:s18] =	ssyncadd.s32 $0xFFFFC180  }
0xbb: {  	[tilespmem:s17], [sflag:$0x1] =	stream.indirect.gather [hbm4b:s2+s20], $0x80, s15, s20, $0xb8;
	[tilespmem:$0x1D800] =	vst v63  }
0xbc: {  	_ =	swait.ge [sflag:s23], $0x3E80  }
0xbd: {  	[sflag:s23] =	ssyncset.done $0x0  }
0xbe: {  	s16 =	rddreg [dreg:$0x18];
	[sflag:s23] =	ssyncadd.s32 $0xFFFFC180  }
0xbf: {  	[spmem:s3] =	stream.indirect.scatter.add.f32 [tilespmem:s21], [sflag:$0x3], $0x80, s16, s20, $0xb8;
	[tilespmem:$0x1D800] =	vst v63  }
0xc0: {  	_ =	swait.ge [sflag:s18], $0x3E80  }
0xc1: {  	[sflag:s18] =	ssyncset.done $0x0  }
0xc2: {  	s14 =	rddreg [dreg:$0x19];
	[sflag:s18] =	ssyncadd.s32 $0xFFFFC180  }
0xc3: {  	[tilespmem:s21], [sflag:$0x2] =	stream.indirect.gather [hbm4b:s2+s20], $0x80, s14, s20, $0xb8;
	[tilespmem:$0x1D800] =	vst v63  }
0xc4: {  	_ =	swait.ge [sflag:s22], $0x3E80  }
0xc5: {  	[sflag:s22] =	ssyncset.done $0x0  }
0xc6: {  	s15 =	rddreg [dreg:$0x1a];
	[sflag:s22] =	ssyncadd.s32 $0xFFFFC180  }
0xc7: {  	[spmem:s3] =	stream.indirect.scatter.add.f32 [tilespmem:s17], [sflag:$0x3], $0x80, s15, s20, $0xb8;
	[tilespmem:$0x1D800] =	vst v63  }
0xc8: {  	_ =	swait.ge [sflag:s18], $0x3E80  }
0xc9: {  	[sflag:s18] =	ssyncset.done $0x0  }
0xca: {  	s16 =	simm.s32 $0x600;
	[sflag:s18] =	ssyncadd.s32 $0xFFFFC180  }
0xcb: {  	[tilespmem:s17], [sflag:$0x1] =	stream.indirect.gather [hbm4b:s2+s20], $0x80, s16, s20, $0xb8;
	[tilespmem:$0x1D800] =	vst v63  }
0xcc: {  	_ =	swait.ge [sflag:s23], $0x3E80  }
0xcd: {  	[sflag:s23] =	ssyncset.done $0x0  }
0xce: {  	[sflag:s23] =	ssyncadd.s32 $0xFFFFC180  }
0xcf: {  	[spmem:s3] =	stream.indirect.scatter.add.f32 [tilespmem:s21], [sflag:$0x3], $0x80, s25, s20, $0xb8;
	[tilespmem:$0x1D800] =	vst v63  }
0xd0: {  	_ =	swait.ge [sflag:s18], $0x3E80  }
0xd1: {  	[sflag:s18] =	ssyncset.done $0x0  }
0xd2: {  	[sflag:s18] =	ssyncadd.s32 $0xFFFFC180  }
0xd3: {  	[tilespmem:s21], [sflag:$0x2] =	stream.indirect.gather [hbm4b:s2+s20], $0x80, s26, s20, $0xb8;
	[tilespmem:$0x1D800] =	vst v63  }
0xd4: {  	_ =	swait.ge [sflag:s22], $0x3E80  }
0xd5: {  	[sflag:s22] =	ssyncset.done $0x0  }
0xd6: {  	[sflag:s22] =	ssyncadd.s32 $0xFFFFC180  }
0xd7: {  	[spmem:s3] =	stream.indirect.scatter.add.f32 [tilespmem:s17], [sflag:$0x3], $0x80, s28, s20, $0xb8;
	[tilespmem:$0x1D800] =	vst v63  }
0xd8: {  	_ =	swait.ge [sflag:s18], $0x3E80  }
0xd9: {  	[sflag:s18] =	ssyncset.done $0x0  }
0xda: {  	[sflag:s18] =	ssyncadd.s32 $0xFFFFC180  }
0xdb: {  	[tilespmem:s17], [sflag:$0x1] =	stream.indirect.gather [hbm4b:s2+s20], $0x80, s29, s20, $0xb8;
	[tilespmem:$0x1D800] =	vst v63  }
0xdc: {  	_ =	swait.ge [sflag:s23], $0x3E80  }
0xdd: {  	[sflag:s23] =	ssyncset.done $0x0  }
0xde: {  	[sflag:s23] =	ssyncadd.s32 $0xFFFFC180  }
0xdf: {  	[spmem:s3] =	stream.indirect.scatter.add.f32 [tilespmem:s21], [sflag:$0x3], $0x80, s30, s20, $0xb8;
	[tilespmem:$0x1D800] =	vst v63  }
0xe0: {  	_ =	swait.ge [sflag:s18], $0x3E80  }
0xe1: {  	[sflag:s18] =	ssyncset.done $0x0  }
0xe2: {  	[sflag:s18] =	ssyncadd.s32 $0xFFFFC180  }
0xe3: {  	[tilespmem:s21], [sflag:$0x2] =	stream.indirect.gather [hbm4b:s2+s20], $0x80, s31, s20, $0xb8;
	[tilespmem:$0x1D800] =	vst v63  }
0xe4: {  	_ =	swait.ge [sflag:s22], $0x3E80  }
0xe5: {  	[sflag:s22] =	ssyncset.done $0x0  }
0xe6: {  	[sflag:s22] =	ssyncadd.s32 $0xFFFFC180  }
0xe7: {  	[spmem:s3] =	stream.indirect.scatter.add.f32 [tilespmem:s17], [sflag:$0x3], $0x80, s1, s20, $0xb8;
	[tilespmem:$0x1D800] =	vst v63  }
0xe8: {  	_ =	swait.ge [sflag:s18], $0x3E80  }
0xe9: {  	[sflag:s18] =	ssyncset.done $0x0  }
0xea: {  	[sflag:s18] =	ssyncadd.s32 $0xFFFFC180  }
0xeb: {  	[tilespmem:s17], [sflag:$0x1] =	stream.indirect.gather [hbm4b:s2+s20], $0x80, s0, s20, $0xb8;
	[tilespmem:$0x1D800] =	vst v63  }
0xec: {  	_ =	swait.ge [sflag:s23], $0x3E80  }
0xed: {  	[sflag:s23] =	ssyncset.done $0x0  }
0xee: {  	[sflag:s23] =	ssyncadd.s32 $0xFFFFC180  }
0xef: {  	[spmem:s3] =	stream.indirect.scatter.add.f32 [tilespmem:s21], [sflag:$0x3], $0x80, s6, s20, $0xb8;
	[tilespmem:$0x1D800] =	vst v63  }
0xf0: {  	_ =	swait.ge [sflag:s18], $0x3E80  }
0xf1: {  	[sflag:s18] =	ssyncset.done $0x0  }
0xf2: {  	[sflag:s18] =	ssyncadd.s32 $0xFFFFC180  }
0xf3: {  	[tilespmem:s21], [sflag:$0x2] =	stream.indirect.gather [hbm4b:s2+s20], $0x80, s7, s20, $0xb8;
	[tilespmem:$0x1D800] =	vst v63  }
0xf4: {  	_ =	swait.ge [sflag:s22], $0x3E80  }
0xf5: {  	[sflag:s22] =	ssyncset.done $0x0  }
0xf6: {  	[sflag:s22] =	ssyncadd.s32 $0xFFFFC180  }
0xf7: {  	[spmem:s3] =	stream.indirect.scatter.add.f32 [tilespmem:s17], [sflag:$0x3], $0x80, s8, s20, $0xb8;
	[tilespmem:$0x1D800] =	vst v63  }
0xf8: {  	_ =	swait.ge [sflag:s18], $0x3E80  }
0xf9: {  	[sflag:s18] =	ssyncset.done $0x0  }
0xfa: {  	[sflag:s18] =	ssyncadd.s32 $0xFFFFC180  }
0xfb: {  	[tilespmem:s17], [sflag:$0x1] =	stream.indirect.gather [hbm4b:s2+s20], $0x80, s9, s20, $0xb8;
	[tilespmem:$0x1D800] =	vst v63  }
0xfc: {  	_ =	swait.ge [sflag:s23], $0x3E80  }
0xfd: {  	[sflag:s23] =	ssyncset.done $0x0  }
0xfe: {  	[sflag:s23] =	ssyncadd.s32 $0xFFFFC180  }
0xff: {  	[spmem:s3] =	stream.indirect.scatter.add.f32 [tilespmem:s21], [sflag:$0x3], $0x80, s10, s20, $0xb8;
	[tilespmem:$0x1D800] =	vst v63  }
0x100: {  	_ =	swait.ge [sflag:s18], $0x3E80  }
0x101: {  	[sflag:s18] =	ssyncset.done $0x0  }
0x102: {  	[sflag:s18] =	ssyncadd.s32 $0xFFFFC180  }
0x103: {  	[tilespmem:s21], [sflag:$0x2] =	stream.indirect.gather [hbm4b:s2+s20], $0x80, s11, s20, $0xb8;
	[tilespmem:$0x1D800] =	vst v63  }
0x104: {  	_ =	swait.ge [sflag:s22], $0x3E80  }
0x105: {  	[sflag:s22] =	ssyncset.done $0x0  }
0x106: {  	[sflag:s22] =	ssyncadd.s32 $0xFFFFC180  }
0x107: {  	[spmem:s3] =	stream.indirect.scatter.add.f32 [tilespmem:s17], [sflag:$0x3], $0x80, s12, s20, $0xb8;
	[tilespmem:$0x1D800] =	vst v63  }
0x108: {  	_ =	swait.ge [sflag:s18], $0x3E80  }
0x109: {  	[sflag:s18] =	ssyncset.done $0x0  }
0x10a: {  	[sflag:s18] =	ssyncadd.s32 $0xFFFFC180  }
0x10b: {  	_ =	swait.ge [sflag:s23], $0x3E80  }
0x10c: {  	[sflag:s23] =	ssyncset.done $0x0  }
0x10d: {  	[sflag:s23] =	ssyncadd.s32 $0xFFFFC180  }
0x10e: {  	[spmem:s3] =	stream.indirect.scatter.add.f32 [tilespmem:s21], [sflag:$0x3], $0x80, s13, s20, $0xb8;
	[tilespmem:$0x1D800] =	vst v63  }
0x10f: {  	s15 =	simm.s32 $0x180;
	_ =	swait.ge [sflag:s18], $0x3E80  }
0x110: {  	s16 =	simm.s32 $0x300;
	s5 =	rddreg [dreg:$0x5];
	[sflag:s18] =	ssyncset.done $0x0  }
.LBB2_4:
0x111: {  	[sflag:s18] =	ssyncadd.s32 $0xFFFFC180;
	s5 =	sadd.s32 s15, s5  }
0x112: {  	[tilespmem:s4], [sflag:$0x3] =	stream.linear.gather [hbm4b:s5+s4], $0xA00, $0x38;
	[tilespmem:$0x1D800] =	vst v63  }
0x113: {  	_ =	swait.ge [sflag:s18], $0xA00  }
0x114: {  	s5 =	rddreg [dreg:$0x4];
	[sflag:s18] =	ssyncset.done $0x0  }
0x115: {  	[sflag:s18] =	ssyncadd.s32 $0xFFFFF600;
	s5 =	sadd.s32 s15, s5  }
0x116: {  	[tilespmem:s19], [sflag:$0x3] =	stream.linear.gather [hbm4b:s5+s4], $0xA00, $0x38;
	[tilespmem:$0x1D800] =	vst v63  }
0x117: {  	_ =	swait.ge [sflag:s18], $0xA00  }
0x118: {  	[sflag:s18] =	ssyncset.done $0x0  }
0x119: {  	[sflag:s18] =	ssyncadd.s32 $0xFFFFF600  }
0x11a: {  	[tilespmem:s17], [sflag:$0x1] =	stream.indirect.gather [hbm4b:s2+s20], $0x80, s4, s20, $0xb8;
	[tilespmem:$0x1D800] =	vst v63  }
0x11b: {  	s5 =	rddreg [dreg:$0x6]  }
0x11c: {  	[tilespmem:s21], [sflag:$0x2] =	stream.indirect.gather [hbm4b:s2+s20], $0x80, s5, s20, $0xb8;
	[tilespmem:$0x1D800] =	vst v63  }
0x11d: {  	_ =	swait.ge [sflag:s22], $0x3E80  }
0x11e: {  	[sflag:s22] =	ssyncset.done $0x0  }
0x11f: {  	[sflag:s22] =	ssyncadd.s32 $0xFFFFC180  }
0x120: {  	[spmem:s3] =	stream.indirect.scatter.add.f32 [tilespmem:s17], [sflag:$0x3], $0x80, s19, s20, $0xb8;
	[tilespmem:$0x1D800] =	vst v63  }
0x121: {  	_ =	swait.ge [sflag:s18], $0x3E80  }
0x122: {  	[sflag:s18] =	ssyncset.done $0x0  }
0x123: {  	s5 =	rddreg [dreg:$0x7];
	[sflag:s18] =	ssyncadd.s32 $0xFFFFC180  }
0x124: {  	[tilespmem:s17], [sflag:$0x1] =	stream.indirect.gather [hbm4b:s2+s20], $0x80, s5, s20, $0xb8;
	[tilespmem:$0x1D800] =	vst v63  }
0x125: {  	_ =	swait.ge [sflag:s23], $0x3E80  }
0x126: {  	[sflag:s23] =	ssyncset.done $0x0  }
0x127: {  	s5 =	rddreg [dreg:$0x8];
	[sflag:s23] =	ssyncadd.s32 $0xFFFFC180  }
0x128: {  	[spmem:s3] =	stream.indirect.scatter.add.f32 [tilespmem:s21], [sflag:$0x3], $0x80, s5, s20, $0xb8;
	[tilespmem:$0x1D800] =	vst v63  }
0x129: {  	_ =	swait.ge [sflag:s18], $0x3E80  }
0x12a: {  	[sflag:s18] =	ssyncset.done $0x0  }
0x12b: {  	s5 =	rddreg [dreg:$0x9];
	[sflag:s18] =	ssyncadd.s32 $0xFFFFC180  }
0x12c: {  	[tilespmem:s21], [sflag:$0x2] =	stream.indirect.gather [hbm4b:s2+s20], $0x80, s5, s20, $0xb8;
	[tilespmem:$0x1D800] =	vst v63  }
0x12d: {  	_ =	swait.ge [sflag:s22], $0x3E80  }
0x12e: {  	[sflag:s22] =	ssyncset.done $0x0  }
0x12f: {  	s5 =	rddreg [dreg:$0xa];
	[sflag:s22] =	ssyncadd.s32 $0xFFFFC180  }
0x130: {  	[spmem:s3] =	stream.indirect.scatter.add.f32 [tilespmem:s17], [sflag:$0x3], $0x80, s5, s20, $0xb8;
	[tilespmem:$0x1D800] =	vst v63  }
0x131: {  	_ =	swait.ge [sflag:s18], $0x3E80  }
0x132: {  	[sflag:s18] =	ssyncset.done $0x0  }
0x133: {  	s5 =	rddreg [dreg:$0xb];
	[sflag:s18] =	ssyncadd.s32 $0xFFFFC180  }
0x134: {  	[tilespmem:s17], [sflag:$0x1] =	stream.indirect.gather [hbm4b:s2+s20], $0x80, s5, s20, $0xb8;
	[tilespmem:$0x1D800] =	vst v63  }
0x135: {  	_ =	swait.ge [sflag:s23], $0x3E80  }
0x136: {  	[sflag:s23] =	ssyncset.done $0x0  }
0x137: {  	s5 =	rddreg [dreg:$0xc];
	[sflag:s23] =	ssyncadd.s32 $0xFFFFC180  }
0x138: {  	[spmem:s3] =	stream.indirect.scatter.add.f32 [tilespmem:s21], [sflag:$0x3], $0x80, s5, s20, $0xb8;
	[tilespmem:$0x1D800] =	vst v63  }
0x139: {  	_ =	swait.ge [sflag:s18], $0x3E80  }
0x13a: {  	[sflag:s18] =	ssyncset.done $0x0  }
0x13b: {  	s5 =	rddreg [dreg:$0xd];
	[sflag:s18] =	ssyncadd.s32 $0xFFFFC180  }
0x13c: {  	[tilespmem:s21], [sflag:$0x2] =	stream.indirect.gather [hbm4b:s2+s20], $0x80, s5, s20, $0xb8;
	[tilespmem:$0x1D800] =	vst v63  }
0x13d: {  	_ =	swait.ge [sflag:s22], $0x3E80  }
0x13e: {  	[sflag:s22] =	ssyncset.done $0x0  }
0x13f: {  	s5 =	rddreg [dreg:$0xe];
	[sflag:s22] =	ssyncadd.s32 $0xFFFFC180  }
0x140: {  	[spmem:s3] =	stream.indirect.scatter.add.f32 [tilespmem:s17], [sflag:$0x3], $0x80, s5, s20, $0xb8;
	[tilespmem:$0x1D800] =	vst v63  }
0x141: {  	_ =	swait.ge [sflag:s18], $0x3E80  }
0x142: {  	[sflag:s18] =	ssyncset.done $0x0  }
0x143: {  	s5 =	rddreg [dreg:$0xf];
	[sflag:s18] =	ssyncadd.s32 $0xFFFFC180  }
0x144: {  	[tilespmem:s17], [sflag:$0x1] =	stream.indirect.gather [hbm4b:s2+s20], $0x80, s5, s20, $0xb8;
	[tilespmem:$0x1D800] =	vst v63  }
0x145: {  	_ =	swait.ge [sflag:s23], $0x3E80  }
0x146: {  	[sflag:s23] =	ssyncset.done $0x0  }
0x147: {  	s5 =	rddreg [dreg:$0x10];
	[sflag:s23] =	ssyncadd.s32 $0xFFFFC180  }
0x148: {  	[spmem:s3] =	stream.indirect.scatter.add.f32 [tilespmem:s21], [sflag:$0x3], $0x80, s5, s20, $0xb8;
	[tilespmem:$0x1D800] =	vst v63  }
0x149: {  	_ =	swait.ge [sflag:s18], $0x3E80  }
0x14a: {  	[sflag:s18] =	ssyncset.done $0x0  }
0x14b: {  	s5 =	rddreg [dreg:$0x11];
	[sflag:s18] =	ssyncadd.s32 $0xFFFFC180  }
0x14c: {  	[tilespmem:s21], [sflag:$0x2] =	stream.indirect.gather [hbm4b:s2+s20], $0x80, s5, s20, $0xb8;
	[tilespmem:$0x1D800] =	vst v63  }
0x14d: {  	_ =	swait.ge [sflag:s22], $0x3E80  }
0x14e: {  	[sflag:s22] =	ssyncset.done $0x0  }
0x14f: {  	s5 =	rddreg [dreg:$0x12];
	[sflag:s22] =	ssyncadd.s32 $0xFFFFC180  }
0x150: {  	[spmem:s3] =	stream.indirect.scatter.add.f32 [tilespmem:s17], [sflag:$0x3], $0x80, s5, s20, $0xb8;
	[tilespmem:$0x1D800] =	vst v63  }
0x151: {  	_ =	swait.ge [sflag:s18], $0x3E80  }
0x152: {  	[sflag:s18] =	ssyncset.done $0x0  }
0x153: {  	s5 =	rddreg [dreg:$0x13];
	[sflag:s18] =	ssyncadd.s32 $0xFFFFC180  }
0x154: {  	[tilespmem:s17], [sflag:$0x1] =	stream.indirect.gather [hbm4b:s2+s20], $0x80, s5, s20, $0xb8;
	[tilespmem:$0x1D800] =	vst v63  }
0x155: {  	_ =	swait.ge [sflag:s23], $0x3E80  }
0x156: {  	[sflag:s23] =	ssyncset.done $0x0  }
0x157: {  	s5 =	rddreg [dreg:$0x14];
	[sflag:s23] =	ssyncadd.s32 $0xFFFFC180  }
0x158: {  	[spmem:s3] =	stream.indirect.scatter.add.f32 [tilespmem:s21], [sflag:$0x3], $0x80, s5, s20, $0xb8;
	[tilespmem:$0x1D800] =	vst v63  }
0x159: {  	_ =	swait.ge [sflag:s18], $0x3E80  }
0x15a: {  	[sflag:s18] =	ssyncset.done $0x0  }
0x15b: {  	s5 =	rddreg [dreg:$0x15];
	[sflag:s18] =	ssyncadd.s32 $0xFFFFC180  }
0x15c: {  	[tilespmem:s21], [sflag:$0x2] =	stream.indirect.gather [hbm4b:s2+s20], $0x80, s5, s20, $0xb8;
	[tilespmem:$0x1D800] =	vst v63  }
0x15d: {  	_ =	swait.ge [sflag:s22], $0x3E80  }
0x15e: {  	[sflag:s22] =	ssyncset.done $0x0  }
0x15f: {  	s5 =	rddreg [dreg:$0x16];
	[sflag:s22] =	ssyncadd.s32 $0xFFFFC180  }
0x160: {  	[spmem:s3] =	stream.indirect.scatter.add.f32 [tilespmem:s17], [sflag:$0x3], $0x80, s5, s20, $0xb8;
	[tilespmem:$0x1D800] =	vst v63  }
0x161: {  	_ =	swait.ge [sflag:s18], $0x3E80  }
0x162: {  	[sflag:s18] =	ssyncset.done $0x0  }
0x163: {  	s5 =	rddreg [dreg:$0x17];
	[sflag:s18] =	ssyncadd.s32 $0xFFFFC180  }
0x164: {  	[tilespmem:s17], [sflag:$0x1] =	stream.indirect.gather [hbm4b:s2+s20], $0x80, s5, s20, $0xb8;
	[tilespmem:$0x1D800] =	vst v63  }
0x165: {  	_ =	swait.ge [sflag:s23], $0x3E80  }
0x166: {  	[sflag:s23] =	ssyncset.done $0x0  }
0x167: {  	s5 =	rddreg [dreg:$0x18];
	[sflag:s23] =	ssyncadd.s32 $0xFFFFC180  }
0x168: {  	[spmem:s3] =	stream.indirect.scatter.add.f32 [tilespmem:s21], [sflag:$0x3], $0x80, s5, s20, $0xb8;
	[tilespmem:$0x1D800] =	vst v63  }
0x169: {  	_ =	swait.ge [sflag:s18], $0x3E80  }
0x16a: {  	[sflag:s18] =	ssyncset.done $0x0  }
0x16b: {  	s5 =	rddreg [dreg:$0x19];
	[sflag:s18] =	ssyncadd.s32 $0xFFFFC180  }
0x16c: {  	[tilespmem:s21], [sflag:$0x2] =	stream.indirect.gather [hbm4b:s2+s20], $0x80, s5, s20, $0xb8;
	[tilespmem:$0x1D800] =	vst v63  }
0x16d: {  	_ =	swait.ge [sflag:s22], $0x3E80  }
0x16e: {  	[sflag:s22] =	ssyncset.done $0x0  }
0x16f: {  	s5 =	rddreg [dreg:$0x1a];
	[sflag:s22] =	ssyncadd.s32 $0xFFFFC180  }
0x170: {  	[spmem:s3] =	stream.indirect.scatter.add.f32 [tilespmem:s17], [sflag:$0x3], $0x80, s5, s20, $0xb8;
	[tilespmem:$0x1D800] =	vst v63  }
0x171: {  	_ =	swait.ge [sflag:s18], $0x3E80  }
0x172: {  	s14 =	smov.u32 s16;
	[sflag:s18] =	ssyncset.done $0x0  }
0x173: {  	s15 =	smov.u32 s14;
	s14 =	simm.s32 $0x600;
	[sflag:s18] =	ssyncadd.s32 $0xFFFFC180  }
0x174: {  	[tilespmem:s17], [sflag:$0x1] =	stream.indirect.gather [hbm4b:s2+s20], $0x80, s14, s20, $0xb8;
	[tilespmem:$0x1D800] =	vst v63  }
0x175: {  	_ =	swait.ge [sflag:s23], $0x3E80  }
0x176: {  	[sflag:s23] =	ssyncset.done $0x0  }
0x177: {  	[sflag:s23] =	ssyncadd.s32 $0xFFFFC180  }
0x178: {  	[spmem:s3] =	stream.indirect.scatter.add.f32 [tilespmem:s21], [sflag:$0x3], $0x80, s25, s20, $0xb8;
	[tilespmem:$0x1D800] =	vst v63  }
0x179: {  	_ =	swait.ge [sflag:s18], $0x3E80  }
0x17a: {  	[sflag:s18] =	ssyncset.done $0x0  }
0x17b: {  	[sflag:s18] =	ssyncadd.s32 $0xFFFFC180  }
0x17c: {  	[tilespmem:s21], [sflag:$0x2] =	stream.indirect.gather [hbm4b:s2+s20], $0x80, s26, s20, $0xb8;
	[tilespmem:$0x1D800] =	vst v63  }
0x17d: {  	_ =	swait.ge [sflag:s22], $0x3E80  }
0x17e: {  	[sflag:s22] =	ssyncset.done $0x0  }
0x17f: {  	[sflag:s22] =	ssyncadd.s32 $0xFFFFC180  }
0x180: {  	[spmem:s3] =	stream.indirect.scatter.add.f32 [tilespmem:s17], [sflag:$0x3], $0x80, s28, s20, $0xb8;
	[tilespmem:$0x1D800] =	vst v63  }
0x181: {  	_ =	swait.ge [sflag:s18], $0x3E80  }
0x182: {  	[sflag:s18] =	ssyncset.done $0x0  }
0x183: {  	[sflag:s18] =	ssyncadd.s32 $0xFFFFC180  }
0x184: {  	[tilespmem:s17], [sflag:$0x1] =	stream.indirect.gather [hbm4b:s2+s20], $0x80, s29, s20, $0xb8;
	[tilespmem:$0x1D800] =	vst v63  }
0x185: {  	_ =	swait.ge [sflag:s23], $0x3E80  }
0x186: {  	[sflag:s23] =	ssyncset.done $0x0  }
0x187: {  	[sflag:s23] =	ssyncadd.s32 $0xFFFFC180  }
0x188: {  	[spmem:s3] =	stream.indirect.scatter.add.f32 [tilespmem:s21], [sflag:$0x3], $0x80, s30, s20, $0xb8;
	[tilespmem:$0x1D800] =	vst v63  }
0x189: {  	_ =	swait.ge [sflag:s18], $0x3E80  }
0x18a: {  	[sflag:s18] =	ssyncset.done $0x0  }
0x18b: {  	[sflag:s18] =	ssyncadd.s32 $0xFFFFC180  }
0x18c: {  	[tilespmem:s21], [sflag:$0x2] =	stream.indirect.gather [hbm4b:s2+s20], $0x80, s31, s20, $0xb8;
	[tilespmem:$0x1D800] =	vst v63  }
0x18d: {  	_ =	swait.ge [sflag:s22], $0x3E80  }
0x18e: {  	[sflag:s22] =	ssyncset.done $0x0  }
0x18f: {  	[sflag:s22] =	ssyncadd.s32 $0xFFFFC180  }
0x190: {  	[spmem:s3] =	stream.indirect.scatter.add.f32 [tilespmem:s17], [sflag:$0x3], $0x80, s1, s20, $0xb8;
	[tilespmem:$0x1D800] =	vst v63  }
0x191: {  	_ =	swait.ge [sflag:s18], $0x3E80  }
0x192: {  	[sflag:s18] =	ssyncset.done $0x0  }
0x193: {  	[sflag:s18] =	ssyncadd.s32 $0xFFFFC180  }
0x194: {  	[tilespmem:s17], [sflag:$0x1] =	stream.indirect.gather [hbm4b:s2+s20], $0x80, s0, s20, $0xb8;
	[tilespmem:$0x1D800] =	vst v63  }
0x195: {  	_ =	swait.ge [sflag:s23], $0x3E80  }
0x196: {  	[sflag:s23] =	ssyncset.done $0x0  }
0x197: {  	[sflag:s23] =	ssyncadd.s32 $0xFFFFC180  }
0x198: {  	[spmem:s3] =	stream.indirect.scatter.add.f32 [tilespmem:s21], [sflag:$0x3], $0x80, s6, s20, $0xb8;
	[tilespmem:$0x1D800] =	vst v63  }
0x199: {  	_ =	swait.ge [sflag:s18], $0x3E80  }
0x19a: {  	[sflag:s18] =	ssyncset.done $0x0  }
0x19b: {  	[sflag:s18] =	ssyncadd.s32 $0xFFFFC180  }
0x19c: {  	[tilespmem:s21], [sflag:$0x2] =	stream.indirect.gather [hbm4b:s2+s20], $0x80, s7, s20, $0xb8;
	[tilespmem:$0x1D800] =	vst v63  }
0x19d: {  	_ =	swait.ge [sflag:s22], $0x3E80  }
0x19e: {  	[sflag:s22] =	ssyncset.done $0x0  }
0x19f: {  	[sflag:s22] =	ssyncadd.s32 $0xFFFFC180  }
0x1a0: {  	[spmem:s3] =	stream.indirect.scatter.add.f32 [tilespmem:s17], [sflag:$0x3], $0x80, s8, s20, $0xb8;
	[tilespmem:$0x1D800] =	vst v63  }
0x1a1: {  	_ =	swait.ge [sflag:s18], $0x3E80  }
0x1a2: {  	[sflag:s18] =	ssyncset.done $0x0  }
0x1a3: {  	[sflag:s18] =	ssyncadd.s32 $0xFFFFC180  }
0x1a4: {  	[tilespmem:s17], [sflag:$0x1] =	stream.indirect.gather [hbm4b:s2+s20], $0x80, s9, s20, $0xb8;
	[tilespmem:$0x1D800] =	vst v63  }
0x1a5: {  	_ =	swait.ge [sflag:s23], $0x3E80  }
0x1a6: {  	[sflag:s23] =	ssyncset.done $0x0  }
0x1a7: {  	[sflag:s23] =	ssyncadd.s32 $0xFFFFC180  }
0x1a8: {  	[spmem:s3] =	stream.indirect.scatter.add.f32 [tilespmem:s21], [sflag:$0x3], $0x80, s10, s20, $0xb8;
	[tilespmem:$0x1D800] =	vst v63  }
0x1a9: {  	_ =	swait.ge [sflag:s18], $0x3E80  }
0x1aa: {  	[sflag:s18] =	ssyncset.done $0x0  }
0x1ab: {  	[sflag:s18] =	ssyncadd.s32 $0xFFFFC180  }
0x1ac: {  	[tilespmem:s21], [sflag:$0x2] =	stream.indirect.gather [hbm4b:s2+s20], $0x80, s11, s20, $0xb8;
	[tilespmem:$0x1D800] =	vst v63  }
0x1ad: {  	_ =	swait.ge [sflag:s22], $0x3E80  }
0x1ae: {  	[sflag:s22] =	ssyncset.done $0x0  }
0x1af: {  	[sflag:s22] =	ssyncadd.s32 $0xFFFFC180  }
0x1b0: {  	[spmem:s3] =	stream.indirect.scatter.add.f32 [tilespmem:s17], [sflag:$0x3], $0x80, s12, s20, $0xb8;
	[tilespmem:$0x1D800] =	vst v63  }
0x1b1: {  	_ =	swait.ge [sflag:s18], $0x3E80  }
0x1b2: {  	[sflag:s18] =	ssyncset.done $0x0  }
0x1b3: {  	[sflag:s18] =	ssyncadd.s32 $0xFFFFC180  }
0x1b4: {  	p0 =	sne.s32 s16, $0x480;
	_ =	swait.ge [sflag:s23], $0x3E80  }
.Ltmp1:
0x1b5: {  	[sflag:s23] =	ssyncset.done $0x0;
	(pc) =	sbr.rel @p0 .LBB2_4-.Ltmp1, $4  }
0x1b6: {  	[sflag:s23] =	ssyncadd.s32 $0xFFFFC180  }
0x1b7: {  	[spmem:s3] =	stream.indirect.scatter.add.f32 [tilespmem:s21], [sflag:$0x3], $0x80, s13, s20, $0xb8;
	[tilespmem:$0x1D800] =	vst v63  }
0x1b8: {  	_ =	swait.ge [sflag:s18], $0x3E80  }
0x1b9: {  	s16 =	sadd.s32 $0x180, s16;
	s5 =	rddreg [dreg:$0x5];
	[sflag:s18] =	ssyncset.done $0x0  }
0x1ba: {  	[sflag:s18] =	ssyncadd.s32 $0xFFFFC180;
	s5 =	sadd.s32 s15, s5  }
0x1bb: {  	[tilespmem:s4], [sflag:$0x3] =	stream.linear.gather [hbm4b:s5+s4], $0xA00, $0x38;
	[tilespmem:$0x1D800] =	vst v63  }
0x1bc: {  	_ =	swait.ge [sflag:s18], $0xA00  }
0x1bd: {  	s16 =	rddreg [dreg:$0x4];
	[sflag:s18] =	ssyncset.done $0x0  }
0x1be: {  	[sflag:s18] =	ssyncadd.s32 $0xFFFFF600;
	s5 =	sadd.s32 s15, s16  }
0x1bf: {  	[tilespmem:s19], [sflag:$0x3] =	stream.linear.gather [hbm4b:s5+s4], $0xA00, $0x38;
	[tilespmem:$0x1D800] =	vst v63  }
0x1c0: {  	_ =	swait.ge [sflag:s18], $0xA00  }
0x1c1: {  	[sflag:s18] =	ssyncset.done $0x0  }
0x1c2: {  	[sflag:s18] =	ssyncadd.s32 $0xFFFFF600  }
0x1c3: {  	[tilespmem:s17], [sflag:$0x1] =	stream.indirect.gather [hbm4b:s2+s20], $0x80, s4, s20, $0xb8;
	[tilespmem:$0x1D800] =	vst v63  }
0x1c4: {  	s16 =	rddreg [dreg:$0x6]  }
0x1c5: {  	[tilespmem:s21], [sflag:$0x2] =	stream.indirect.gather [hbm4b:s2+s20], $0x80, s16, s20, $0xb8;
	[tilespmem:$0x1D800] =	vst v63  }
0x1c6: {  	_ =	swait.ge [sflag:s22], $0x3E80  }
0x1c7: {  	[sflag:s22] =	ssyncset.done $0x0  }
0x1c8: {  	[sflag:s22] =	ssyncadd.s32 $0xFFFFC180  }
0x1c9: {  	[spmem:s3] =	stream.indirect.scatter.add.f32 [tilespmem:s17], [sflag:$0x3], $0x80, s19, s20, $0xb8;
	[tilespmem:$0x1D800] =	vst v63  }
0x1ca: {  	_ =	swait.ge [sflag:s18], $0x3E80  }
0x1cb: {  	[sflag:s18] =	ssyncset.done $0x0  }
0x1cc: {  	s15 =	rddreg [dreg:$0x7];
	[sflag:s18] =	ssyncadd.s32 $0xFFFFC180  }
0x1cd: {  	[tilespmem:s17], [sflag:$0x1] =	stream.indirect.gather [hbm4b:s2+s20], $0x80, s15, s20, $0xb8;
	[tilespmem:$0x1D800] =	vst v63  }
0x1ce: {  	_ =	swait.ge [sflag:s23], $0x3E80  }
0x1cf: {  	[sflag:s23] =	ssyncset.done $0x0  }
0x1d0: {  	s16 =	rddreg [dreg:$0x8];
	[sflag:s23] =	ssyncadd.s32 $0xFFFFC180  }
0x1d1: {  	[spmem:s3] =	stream.indirect.scatter.add.f32 [tilespmem:s21], [sflag:$0x3], $0x80, s16, s20, $0xb8;
	[tilespmem:$0x1D800] =	vst v63  }
0x1d2: {  	_ =	swait.ge [sflag:s18], $0x3E80  }
0x1d3: {  	[sflag:s18] =	ssyncset.done $0x0  }
0x1d4: {  	s15 =	rddreg [dreg:$0x9];
	[sflag:s18] =	ssyncadd.s32 $0xFFFFC180  }
0x1d5: {  	[tilespmem:s21], [sflag:$0x2] =	stream.indirect.gather [hbm4b:s2+s20], $0x80, s15, s20, $0xb8;
	[tilespmem:$0x1D800] =	vst v63  }
0x1d6: {  	_ =	swait.ge [sflag:s22], $0x3E80  }
0x1d7: {  	[sflag:s22] =	ssyncset.done $0x0  }
0x1d8: {  	s16 =	rddreg [dreg:$0xa];
	[sflag:s22] =	ssyncadd.s32 $0xFFFFC180  }
0x1d9: {  	[spmem:s3] =	stream.indirect.scatter.add.f32 [tilespmem:s17], [sflag:$0x3], $0x80, s16, s20, $0xb8;
	[tilespmem:$0x1D800] =	vst v63  }
0x1da: {  	_ =	swait.ge [sflag:s18], $0x3E80  }
0x1db: {  	[sflag:s18] =	ssyncset.done $0x0  }
0x1dc: {  	s15 =	rddreg [dreg:$0xb];
	[sflag:s18] =	ssyncadd.s32 $0xFFFFC180  }
0x1dd: {  	[tilespmem:s17], [sflag:$0x1] =	stream.indirect.gather [hbm4b:s2+s20], $0x80, s15, s20, $0xb8;
	[tilespmem:$0x1D800] =	vst v63  }
0x1de: {  	_ =	swait.ge [sflag:s23], $0x3E80  }
0x1df: {  	[sflag:s23] =	ssyncset.done $0x0  }
0x1e0: {  	s16 =	rddreg [dreg:$0xc];
	[sflag:s23] =	ssyncadd.s32 $0xFFFFC180  }
0x1e1: {  	[spmem:s3] =	stream.indirect.scatter.add.f32 [tilespmem:s21], [sflag:$0x3], $0x80, s16, s20, $0xb8;
	[tilespmem:$0x1D800] =	vst v63  }
0x1e2: {  	_ =	swait.ge [sflag:s18], $0x3E80  }
0x1e3: {  	[sflag:s18] =	ssyncset.done $0x0  }
0x1e4: {  	s15 =	rddreg [dreg:$0xd];
	[sflag:s18] =	ssyncadd.s32 $0xFFFFC180  }
0x1e5: {  	[tilespmem:s21], [sflag:$0x2] =	stream.indirect.gather [hbm4b:s2+s20], $0x80, s15, s20, $0xb8;
	[tilespmem:$0x1D800] =	vst v63  }
0x1e6: {  	_ =	swait.ge [sflag:s22], $0x3E80  }
0x1e7: {  	[sflag:s22] =	ssyncset.done $0x0  }
0x1e8: {  	s16 =	rddreg [dreg:$0xe];
	[sflag:s22] =	ssyncadd.s32 $0xFFFFC180  }
0x1e9: {  	[spmem:s3] =	stream.indirect.scatter.add.f32 [tilespmem:s17], [sflag:$0x3], $0x80, s16, s20, $0xb8;
	[tilespmem:$0x1D800] =	vst v63  }
0x1ea: {  	_ =	swait.ge [sflag:s18], $0x3E80  }
0x1eb: {  	[sflag:s18] =	ssyncset.done $0x0  }
0x1ec: {  	s15 =	rddreg [dreg:$0xf];
	[sflag:s18] =	ssyncadd.s32 $0xFFFFC180  }
0x1ed: {  	[tilespmem:s17], [sflag:$0x1] =	stream.indirect.gather [hbm4b:s2+s20], $0x80, s15, s20, $0xb8;
	[tilespmem:$0x1D800] =	vst v63  }
0x1ee: {  	_ =	swait.ge [sflag:s23], $0x3E80  }
0x1ef: {  	[sflag:s23] =	ssyncset.done $0x0  }
0x1f0: {  	s16 =	rddreg [dreg:$0x10];
	[sflag:s23] =	ssyncadd.s32 $0xFFFFC180  }
0x1f1: {  	[spmem:s3] =	stream.indirect.scatter.add.f32 [tilespmem:s21], [sflag:$0x3], $0x80, s16, s20, $0xb8;
	[tilespmem:$0x1D800] =	vst v63  }
0x1f2: {  	_ =	swait.ge [sflag:s18], $0x3E80  }
0x1f3: {  	[sflag:s18] =	ssyncset.done $0x0  }
0x1f4: {  	s15 =	rddreg [dreg:$0x11];
	[sflag:s18] =	ssyncadd.s32 $0xFFFFC180  }
0x1f5: {  	[tilespmem:s21], [sflag:$0x2] =	stream.indirect.gather [hbm4b:s2+s20], $0x80, s15, s20, $0xb8;
	[tilespmem:$0x1D800] =	vst v63  }
0x1f6: {  	_ =	swait.ge [sflag:s22], $0x3E80  }
0x1f7: {  	[sflag:s22] =	ssyncset.done $0x0  }
0x1f8: {  	s16 =	rddreg [dreg:$0x12];
	[sflag:s22] =	ssyncadd.s32 $0xFFFFC180  }
0x1f9: {  	[spmem:s3] =	stream.indirect.scatter.add.f32 [tilespmem:s17], [sflag:$0x3], $0x80, s16, s20, $0xb8;
	[tilespmem:$0x1D800] =	vst v63  }
0x1fa: {  	_ =	swait.ge [sflag:s18], $0x3E80  }
0x1fb: {  	[sflag:s18] =	ssyncset.done $0x0  }
0x1fc: {  	s15 =	rddreg [dreg:$0x13];
	[sflag:s18] =	ssyncadd.s32 $0xFFFFC180  }
0x1fd: {  	[tilespmem:s17], [sflag:$0x1] =	stream.indirect.gather [hbm4b:s2+s20], $0x80, s15, s20, $0xb8;
	[tilespmem:$0x1D800] =	vst v63  }
0x1fe: {  	_ =	swait.ge [sflag:s23], $0x3E80  }
0x1ff: {  	[sflag:s23] =	ssyncset.done $0x0  }
0x200: {  	s16 =	rddreg [dreg:$0x14];
	[sflag:s23] =	ssyncadd.s32 $0xFFFFC180  }
0x201: {  	[spmem:s3] =	stream.indirect.scatter.add.f32 [tilespmem:s21], [sflag:$0x3], $0x80, s16, s20, $0xb8;
	[tilespmem:$0x1D800] =	vst v63  }
0x202: {  	_ =	swait.ge [sflag:s18], $0x3E80  }
0x203: {  	[sflag:s18] =	ssyncset.done $0x0  }
0x204: {  	s15 =	rddreg [dreg:$0x15];
	[sflag:s18] =	ssyncadd.s32 $0xFFFFC180  }
0x205: {  	[tilespmem:s21], [sflag:$0x2] =	stream.indirect.gather [hbm4b:s2+s20], $0x80, s15, s20, $0xb8;
	[tilespmem:$0x1D800] =	vst v63  }
0x206: {  	_ =	swait.ge [sflag:s22], $0x3E80  }
0x207: {  	[sflag:s22] =	ssyncset.done $0x0  }
0x208: {  	s16 =	rddreg [dreg:$0x16];
	[sflag:s22] =	ssyncadd.s32 $0xFFFFC180  }
0x209: {  	[spmem:s3] =	stream.indirect.scatter.add.f32 [tilespmem:s17], [sflag:$0x3], $0x80, s16, s20, $0xb8;
	[tilespmem:$0x1D800] =	vst v63  }
0x20a: {  	_ =	swait.ge [sflag:s18], $0x3E80  }
0x20b: {  	[sflag:s18] =	ssyncset.done $0x0  }
0x20c: {  	s15 =	rddreg [dreg:$0x17];
	[sflag:s18] =	ssyncadd.s32 $0xFFFFC180  }
0x20d: {  	[tilespmem:s17], [sflag:$0x1] =	stream.indirect.gather [hbm4b:s2+s20], $0x80, s15, s20, $0xb8;
	[tilespmem:$0x1D800] =	vst v63  }
0x20e: {  	_ =	swait.ge [sflag:s23], $0x3E80  }
0x20f: {  	[sflag:s23] =	ssyncset.done $0x0  }
0x210: {  	s16 =	rddreg [dreg:$0x18];
	[sflag:s23] =	ssyncadd.s32 $0xFFFFC180  }
0x211: {  	[spmem:s3] =	stream.indirect.scatter.add.f32 [tilespmem:s21], [sflag:$0x3], $0x80, s16, s20, $0xb8;
	[tilespmem:$0x1D800] =	vst v63  }
0x212: {  	_ =	swait.ge [sflag:s18], $0x3E80  }
0x213: {  	[sflag:s18] =	ssyncset.done $0x0  }
0x214: {  	s15 =	rddreg [dreg:$0x19];
	[sflag:s18] =	ssyncadd.s32 $0xFFFFC180  }
0x215: {  	[tilespmem:s21], [sflag:$0x2] =	stream.indirect.gather [hbm4b:s2+s20], $0x80, s15, s20, $0xb8;
	[tilespmem:$0x1D800] =	vst v63  }
0x216: {  	_ =	swait.ge [sflag:s22], $0x3E80  }
0x217: {  	[sflag:s22] =	ssyncset.done $0x0  }
0x218: {  	s16 =	rddreg [dreg:$0x1a];
	[sflag:s22] =	ssyncadd.s32 $0xFFFFC180  }
0x219: {  	[spmem:s3] =	stream.indirect.scatter.add.f32 [tilespmem:s17], [sflag:$0x3], $0x80, s16, s20, $0xb8;
	[tilespmem:$0x1D800] =	vst v63  }
0x21a: {  	_ =	swait.ge [sflag:s18], $0x3E80  }
0x21b: {  	[sflag:s18] =	ssyncset.done $0x0  }
0x21c: {  	[sflag:s18] =	ssyncadd.s32 $0xFFFFC180  }
0x21d: {  	[tilespmem:s17], [sflag:$0x1] =	stream.indirect.gather [hbm4b:s2+s20], $0x80, s14, s20, $0xb8;
	[tilespmem:$0x1D800] =	vst v63  }
0x21e: {  	_ =	swait.ge [sflag:s23], $0x3E80  }
0x21f: {  	[sflag:s23] =	ssyncset.done $0x0  }
0x220: {  	[sflag:s23] =	ssyncadd.s32 $0xFFFFC180  }
0x221: {  	[spmem:s3] =	stream.indirect.scatter.add.f32 [tilespmem:s21], [sflag:$0x3], $0x80, s25, s20, $0xb8;
	[tilespmem:$0x1D800] =	vst v63  }
0x222: {  	_ =	swait.ge [sflag:s18], $0x3E80  }
0x223: {  	[sflag:s18] =	ssyncset.done $0x0  }
0x224: {  	[sflag:s18] =	ssyncadd.s32 $0xFFFFC180  }
0x225: {  	[tilespmem:s21], [sflag:$0x2] =	stream.indirect.gather [hbm4b:s2+s20], $0x80, s26, s20, $0xb8;
	[tilespmem:$0x1D800] =	vst v63  }
0x226: {  	_ =	swait.ge [sflag:s22], $0x3E80  }
0x227: {  	[sflag:s22] =	ssyncset.done $0x0  }
0x228: {  	[sflag:s22] =	ssyncadd.s32 $0xFFFFC180  }
0x229: {  	[spmem:s3] =	stream.indirect.scatter.add.f32 [tilespmem:s17], [sflag:$0x3], $0x80, s28, s20, $0xb8;
	[tilespmem:$0x1D800] =	vst v63  }
0x22a: {  	_ =	swait.ge [sflag:s18], $0x3E80  }
0x22b: {  	[sflag:s18] =	ssyncset.done $0x0  }
0x22c: {  	[sflag:s18] =	ssyncadd.s32 $0xFFFFC180  }
0x22d: {  	[tilespmem:s17], [sflag:$0x1] =	stream.indirect.gather [hbm4b:s2+s20], $0x80, s29, s20, $0xb8;
	[tilespmem:$0x1D800] =	vst v63  }
0x22e: {  	_ =	swait.ge [sflag:s23], $0x3E80  }
0x22f: {  	[sflag:s23] =	ssyncset.done $0x0  }
0x230: {  	[sflag:s23] =	ssyncadd.s32 $0xFFFFC180  }
0x231: {  	[spmem:s3] =	stream.indirect.scatter.add.f32 [tilespmem:s21], [sflag:$0x3], $0x80, s30, s20, $0xb8;
	[tilespmem:$0x1D800] =	vst v63  }
0x232: {  	_ =	swait.ge [sflag:s18], $0x3E80  }
0x233: {  	[sflag:s18] =	ssyncset.done $0x0  }
0x234: {  	[sflag:s18] =	ssyncadd.s32 $0xFFFFC180  }
0x235: {  	[tilespmem:s21], [sflag:$0x2] =	stream.indirect.gather [hbm4b:s2+s20], $0x80, s31, s20, $0xb8;
	[tilespmem:$0x1D800] =	vst v63  }
0x236: {  	_ =	swait.ge [sflag:s22], $0x3E80  }
0x237: {  	[sflag:s22] =	ssyncset.done $0x0  }
0x238: {  	[sflag:s22] =	ssyncadd.s32 $0xFFFFC180  }
0x239: {  	[spmem:s3] =	stream.indirect.scatter.add.f32 [tilespmem:s17], [sflag:$0x3], $0x80, s1, s20, $0xb8;
	[tilespmem:$0x1D800] =	vst v63  }
0x23a: {  	_ =	swait.ge [sflag:s18], $0x3E80  }
0x23b: {  	[sflag:s18] =	ssyncset.done $0x0  }
0x23c: {  	[sflag:s18] =	ssyncadd.s32 $0xFFFFC180  }
0x23d: {  	[tilespmem:s17], [sflag:$0x1] =	stream.indirect.gather [hbm4b:s2+s20], $0x80, s0, s20, $0xb8;
	[tilespmem:$0x1D800] =	vst v63  }
0x23e: {  	_ =	swait.ge [sflag:s23], $0x3E80  }
0x23f: {  	[sflag:s23] =	ssyncset.done $0x0  }
0x240: {  	[sflag:s23] =	ssyncadd.s32 $0xFFFFC180  }
0x241: {  	[spmem:s3] =	stream.indirect.scatter.add.f32 [tilespmem:s21], [sflag:$0x3], $0x80, s6, s20, $0xb8;
	[tilespmem:$0x1D800] =	vst v63  }
0x242: {  	_ =	swait.ge [sflag:s18], $0x3E80  }
0x243: {  	[sflag:s18] =	ssyncset.done $0x0  }
0x244: {  	[sflag:s18] =	ssyncadd.s32 $0xFFFFC180  }
0x245: {  	[tilespmem:s21], [sflag:$0x2] =	stream.indirect.gather [hbm4b:s2+s20], $0x80, s7, s20, $0xb8;
	[tilespmem:$0x1D800] =	vst v63  }
0x246: {  	_ =	swait.ge [sflag:s22], $0x3E80  }
0x247: {  	[sflag:s22] =	ssyncset.done $0x0  }
0x248: {  	[sflag:s22] =	ssyncadd.s32 $0xFFFFC180  }
0x249: {  	[spmem:s3] =	stream.indirect.scatter.add.f32 [tilespmem:s17], [sflag:$0x3], $0x80, s8, s20, $0xb8;
	[tilespmem:$0x1D800] =	vst v63  }
0x24a: {  	_ =	swait.ge [sflag:s18], $0x3E80  }
0x24b: {  	[sflag:s18] =	ssyncset.done $0x0  }
0x24c: {  	[sflag:s18] =	ssyncadd.s32 $0xFFFFC180  }
0x24d: {  	[tilespmem:s17], [sflag:$0x1] =	stream.indirect.gather [hbm4b:s2+s20], $0x80, s9, s20, $0xb8;
	[tilespmem:$0x1D800] =	vst v63  }
0x24e: {  	_ =	swait.ge [sflag:s23], $0x3E80  }
0x24f: {  	[sflag:s23] =	ssyncset.done $0x0  }
0x250: {  	[sflag:s23] =	ssyncadd.s32 $0xFFFFC180  }
0x251: {  	[spmem:s3] =	stream.indirect.scatter.add.f32 [tilespmem:s21], [sflag:$0x3], $0x80, s10, s20, $0xb8;
	[tilespmem:$0x1D800] =	vst v63  }
0x252: {  	_ =	swait.ge [sflag:s18], $0x3E80  }
0x253: {  	[sflag:s18] =	ssyncset.done $0x0  }
0x254: {  	[sflag:s18] =	ssyncadd.s32 $0xFFFFC180  }
0x255: {  	[tilespmem:s21], [sflag:$0x2] =	stream.indirect.gather [hbm4b:s2+s20], $0x80, s11, s20, $0xb8;
	[tilespmem:$0x1D800] =	vst v63  }
0x256: {  	_ =	swait.ge [sflag:s22], $0x3E80  }
0x257: {  	[sflag:s22] =	ssyncset.done $0x0  }
0x258: {  	[sflag:s22] =	ssyncadd.s32 $0xFFFFC180  }
0x259: {  	[spmem:s3] =	stream.indirect.scatter.add.f32 [tilespmem:s17], [sflag:$0x3], $0x80, s12, s20, $0xb8;
	[tilespmem:$0x1D800] =	vst v63  }
0x25a: {  	_ =	swait.ge [sflag:s18], $0x3E80  }
0x25b: {  	[sflag:s18] =	ssyncset.done $0x0  }
0x25c: {  	[sflag:s18] =	ssyncadd.s32 $0xFFFFC180  }
0x25d: {  	_ =	swait.ge [sflag:s23], $0x3E80  }
0x25e: {  	[sflag:s23] =	ssyncset.done $0x0  }
0x25f: {  	[sflag:s23] =	ssyncadd.s32 $0xFFFFC180  }
0x260: {  	[spmem:s3] =	stream.indirect.scatter.add.f32 [tilespmem:s21], [sflag:$0x3], $0x80, s13, s20, $0xb8;
	[tilespmem:$0x1D800] =	vst v63  }
0x261: {  	_ =	swait.ge [sflag:s18], $0x3E80  }
0x262: {  	[sflag:s18] =	ssyncset.done $0x0  }
0x263: {  	s15 =	stileid.u32;
	[sflag:s18] =	ssyncadd.s32 $0xFFFFC180  }
0x264: {  	s5 =	sshll.u32 s15, $0x6;
	[bflag:$0x0] =	sbarrier.arrive $0xFFFF  }
0x265: {  	s5 =	sor.u32 $0x1C03, s5;
	s16 =	sshrl.u32 s24, $0x3;
	s24 =	rddreg [dreg:$0x1c]  }
0x266: {  	[hbm:s24], [sflag:s5] =	dma.local [spmem:s16], $0x2800  }
0x267: {  	_ =	swait.ge [sflag:s18], $0x2800  }
0x268: {  	s16 =	sld [smem:$0x7F6];
	_ =	sdelay $0x2  }
0x269: {  	s24 =	rddreg [dreg:$0x1d];
	s14 =	sadd.s32 $0x1, s16  }
0x26a: {  	p0 =	sne.s32 s14, s24  }
.Ltmp2:
0x26b: {  	_ = 	snop;
	(pc) =	sbr.rel @p0 .LBB2_1-.Ltmp2, $3  }
0x26c: {  	_ =	sdelay $0x1  }
0x26d: {  	[sflag:s18] =	ssyncset.done $0x0  }
0x26e: {  	[sflag:s18] =	ssyncadd.s32 $0xFFFFD800  }
0x26f: {  	_ =	sfence.sel $0x180000  }
0x270: {  	[bflag:$0x0] =	sbarrier.arrive $0xFFFF  }
0x271: {  	_ =	strace $0x9000004D  }
0x272: {  	s0 =	stileid.u32;
	[bflag:$0x2] =	sbarrier.arrive $0xFFFF  }
0x273: {  	p0 =	sne.s32 s0, $0x0;
	s0 =	rddreg [dreg:$0x3]  }
0x274: {  	s0 =	sadd.s32 @!p0 $0x100000, s0  }
0x275: {  	[sflag:s0] =	ssyncadd.tile.s32 @!p0 $0x1;
	_ =	shalt  }
.Lfunc_end2:
_tile_overlayer_lowered:
.L_overlay_start_2:
0x276: {  	(tag) =	ssettag $0x2  }
0x277: {  	s0 =	rddreg [dreg:$0x0];
	s2 =	stileid.u32  }
0x278: {  	s1 =	rddreg [dreg:$0x1];
	p0 =	sne.s32 s2, $0x0  }
0x279: {  	s3 =	rddreg [dreg:$0x2];
	[bflag:$0x3] =	sbarrier.arrive $0xFFFF;
	s2 =	simm.s32 @!p0 $0x1C03  }
0x27a: {  	[timem:s3], [sflag:s2] =	dma.local @!p0 [hbm:s0], s1  }
0x27b: {  	s0 =	simm.s32 @!p0 $0x3  }
0x27c: {  	_ =	swait.ge @!p0 [sflag:s0], s1  }
0x27d: {  	s1 =	ssub.s32 @!p0 $0x0, s1;
	[sflag:s0] =	ssyncset.done @!p0 $0x0  }
0x27e: {  	[sflag:s0] =	ssyncadd.s32 @!p0 s1  }
0x27f: {  	[bflag:$0x3] =	sbarrier.arrive $0xFFFF  }
0x280: {  	_ =	shalt  }

// kernel: kernel.9.cloned.1.call-start
scs
__scs_entry_jumppad:
0x0: {  	(pc) =	sbr.rel $0x88, $3  }
0x1: {  	(tag) =	ssettag $0x0;
	lr =	simm.s32 $0x1  }
0x2: {  	[smem:$0x3F96] =	sst lr;
	_ =	strace $0xD0000000  }
0x3: {  	_ = 	snop  }
0x4: {  	_ = 	snop  }
0x5: {  	_ = 	snop  }
0x6: {  	_ = 	snop  }
0x7: {  	_ = 	snop  }
__scs_overlays_trampoline_lowered:
0x8: {  	[smem:$0x3FA5] =	sst s0  }
0x9: {  	[smem:$0x3FA6] =	sst s1  }
0xa: {  	[smem:$0x3FA7] =	sst s2  }
0xb: {  	[smem:$0x3FA8] =	sst s3  }
0xc: {  	[smem:$0x3FA9] =	sst s4  }
0xd: {  	[smem:$0x3FAA] =	sst s5  }
0xe: {  	[smem:$0x3FAB] =	sst s6  }
0xf: {  	[smem:$0x3FAC] =	sst s7  }
0x10: {  	[smem:$0x3FAD] =	sst s8  }
0x11: {  	[smem:$0x3FAE] =	sst s9;
	s0 =	simm.s32 @!p0 $0x0  }
0x12: {  	s1 =	sld [smem:$0x3F94];
	s0 =	simm.s32 @p0 $0x1  }
0x13: {  	[smem:$0x3FAF] =	sst s0;
	s0 =	simm.s32 @!p1 $0x0  }
0x14: {  	s2 =	sld [smem:$0x3F93];
	s0 =	simm.s32 @p1 $0x1  }
0x15: {  	[smem:$0x3FB0] =	sst s0;
	s0 =	simm.s32 @!p2 $0x0  }
0x16: {  	s3 =	sld [smem:$0x3FDB];
	s0 =	simm.s32 @p2 $0x1  }
0x17: {  	s4 =	simm.s32 $0x1BF5;
	[smem:$0x3FB2] =	sst s0  }
0x18: {  	s0 =	sld [smem:$0x3F95];
	_ =	swait.ge [sflag:s4], $0x0  }
0x19: {  	s7 =	sld [smem:$0x3F96]  }
0x1a: {  	s8 =	sadd.s32 $0xFFFFE003, lr  }
0x1b: {  	s9 =	sadd.s32 $0xFFFFFEF7, lr;
	s5 =	simm.s32 $0xFFFFFFFF;
	p2 =	slt.u32 s8, $0xFFFFF086  }
0x1c: {  	p1 =	slt.u32 s9, $0xF7A;
	s5 =	simm.s32 @!p2 $0x0  }
0x1d: {  	s5 =	simm.s32 @p1 $0x1;
	p0 =	seq.s32 s7, s2  }
0x1e: {  	s7 =	smul.u32 @!p0 $0xF7A, s2;
	p2 =	seq.s32 @!p0 s5, $0x0  }
0x1f: {  	s9 =	smul.u32 $0xF7A, s1;
	s8 =	simm.s32 @!p0 $0x1BF5;
	p2 =	por !p2, p0  }
0x20: {  	[sflag:s8] =	ssyncset.s32 @!p0 $0xFFFFF086;
	s6 =	sadd.s32 @!p0 s3, s7;
	s7 =	simm.s32 @!p0 $0x108  }
0x21: {  	s3 =	sadd.s32 s3, s9;
	s6 =	sadd.s32 @!p0 $0x88, s6;
	s7 =	simm.s32 @p2 $0x1082  }
0x22: {  	[simem:s7], [sflag:s8] =	dma.local @!p0 [hbm:s6], $0xF7A  }
0x23: {  	s9 =	sor.u32 $0xD0000000, s2;
	s6 =	simm.s32 $0x108;
	_ =	swait.ge @!p0 [sflag:s8], $0x0  }
0x24: {  	s3 =	sadd.s32 $0x88, s3;
	s6 =	simm.s32 @!p1 $0x1082;
	[sflag:s4] =	ssyncset.s32 $0xFFFFF086  }
0x25: {  	[simem:s6], [sflag:s4] =	dma.local [hbm:s3], $0xF7A  }
0x26: {  	[smem:$0x3F96] =	sst s1;
	(tag) =	ssettag s2;
	_ =	strace s9  }
0x27: {  	s1 =	sld [smem:$0x3FA6]  }
0x28: {  	s2 =	sld [smem:$0x3FA7]  }
0x29: {  	s4 =	sld [smem:$0x3FA9]  }
0x2a: {  	p0 =	seq.s32 s5, $0x0;
	s5 =	sld [smem:$0x3FAA]  }
0x2b: {  	s6 =	sld [smem:$0x3FAB]  }
0x2c: {  	s7 =	sld [smem:$0x3FAC]  }
0x2d: {  	s3 =	simm.s32 $0x108;
	s8 =	sld [smem:$0x3FAD]  }
0x2e: {  	s3 =	simm.s32 @!p0 $0x1082;
	s9 =	sld [smem:$0x3FAE]  }
0x2f: {  	lr =	sadd.s32 s0, s3;
	s0 =	sld [smem:$0x3FA5]  }
0x30: {  	s3 =	sld [smem:$0x3FA8]  }
0x31: {  	[smem:$0x3FB1] =	sst s10  }
0x32: {  	s10 =	sld [smem:$0x3FAF];
	_ =	sdelay $0x3  }
0x33: {  	p0 =	seq.s32 s10, $0x1;
	s10 =	sld [smem:$0x3FB1];
	_ =	sdelay $0x3  }
0x34: {  	[smem:$0x3FB1] =	sst s10  }
0x35: {  	s10 =	sld [smem:$0x3FB0];
	_ =	sdelay $0x3  }
0x36: {  	p1 =	seq.s32 s10, $0x1;
	s10 =	sld [smem:$0x3FB1];
	_ =	sdelay $0x3  }
0x37: {  	[smem:$0x3FB1] =	sst s10  }
0x38: {  	s10 =	sld [smem:$0x3FB2]  }
0x39: {  	_ = 	snop;
	(pc) =	sbr.ind lr, $3  }
0x3a: {  	_ = 	snop  }
0x3b: {  	_ = 	snop  }
0x3c: {  	p2 =	seq.s32 s10, $0x1;
	s10 =	sld [smem:$0x3FB1]  }
0x3d: {  	_ =	shalt  }
0x3e: {  	_ =	shalt  }
0x3f: {  	_ =	shalt  }
0x40: {  	_ =	shalt  }
0x41: {  	_ =	shalt  }
0x42: {  	_ =	shalt  }
0x43: {  	_ =	shalt  }
0x44: {  	_ =	shalt  }
0x45: {  	_ =	shalt  }
0x46: {  	_ =	shalt  }
0x47: {  	_ =	shalt  }
0x48: {  	_ =	shalt  }
0x49: {  	_ =	shalt  }
0x4a: {  	_ =	shalt  }
0x4b: {  	_ =	shalt  }
0x4c: {  	_ =	shalt  }
0x4d: {  	_ =	shalt  }
0x4e: {  	_ =	shalt  }
0x4f: {  	_ =	shalt  }
0x50: {  	_ =	shalt  }
0x51: {  	_ =	shalt  }
0x52: {  	_ =	shalt  }
0x53: {  	_ =	shalt  }
0x54: {  	_ =	shalt  }
0x55: {  	_ =	shalt  }
0x56: {  	_ =	shalt  }
0x57: {  	_ =	shalt  }
0x58: {  	_ =	shalt  }
0x59: {  	_ =	shalt  }
0x5a: {  	_ =	shalt  }
0x5b: {  	_ =	shalt  }
0x5c: {  	_ =	shalt  }
0x5d: {  	_ =	shalt  }
0x5e: {  	_ =	shalt  }
0x5f: {  	_ =	shalt  }
0x60: {  	_ =	shalt  }
0x61: {  	_ =	shalt  }
0x62: {  	_ =	shalt  }
0x63: {  	_ =	shalt  }
0x64: {  	_ =	shalt  }
0x65: {  	_ =	shalt  }
0x66: {  	_ =	shalt  }
0x67: {  	_ =	shalt  }
0x68: {  	_ =	shalt  }
0x69: {  	_ =	shalt  }
0x6a: {  	_ =	shalt  }
0x6b: {  	_ =	shalt  }
0x6c: {  	_ =	shalt  }
0x6d: {  	_ =	shalt  }
0x6e: {  	_ =	shalt  }
0x6f: {  	_ =	shalt  }
0x70: {  	_ =	shalt  }
0x71: {  	_ =	shalt  }
0x72: {  	_ =	shalt  }
0x73: {  	_ =	shalt  }
0x74: {  	_ =	shalt  }
0x75: {  	_ =	shalt  }
0x76: {  	_ =	shalt  }
0x77: {  	_ =	shalt  }
0x78: {  	_ =	shalt  }
0x79: {  	_ =	shalt  }
0x7a: {  	_ =	shalt  }
0x7b: {  	_ =	shalt  }
0x7c: {  	_ =	shalt  }
0x7d: {  	_ =	shalt  }
0x7e: {  	_ =	shalt  }
0x7f: {  	_ =	shalt  }
0x80: {  	_ =	shalt  }
0x81: {  	_ =	shalt  }
0x82: {  	_ =	shalt  }
0x83: {  	_ =	shalt  }
0x84: {  	_ =	shalt  }
0x85: {  	_ =	shalt  }
0x86: {  	_ =	shalt  }
0x87: {  	_ =	shalt  }
.Lfunc_end0:
.L_simem_size_0:
called_computation_lowered:
.L_overlay_start_0:
0x88: {  	s2 =	sld [smem:$0x3FD9]  }
0x89: {  	s3 =	sld [smem:$0x3FFE];
	_ =	sdelay $0x1  }
0x8a: {  	s1 =	srdreg.scid  }
0x8b: {  	s0 =	sand.u32 $0x1, s1  }
0x8c: {  	s16 =	sshll.u32 s0, $0xA;
	s2 =	sadd.s32 s3, s2  }
0x8d: {  	s2 =	sadd.s32 s2, s16  }
0x8e: {  	[smem:$0x3FBD] =	sst s2  }
0x8f: {  	_ = 	snop  }
0x90: {  	(tm) =	ssettm $0x1  }
0x91: {  	s17 =	sld [smem:$0x3FFB];
	_ =	sdelay $0x3  }
0x92: {  	_ =	strace s17  }
0x93: {  	s2 =	sld [smem:$0x3FFC];
	_ =	sdelay $0x3  }
0x94: {  	_ =	strace s2  }
0x95: {  	s2 =	sld [smem:$0x3FFD];
	_ =	sdelay $0x3  }
0x96: {  	_ =	strace s2  }
0x97: {  	_ =	strace $0x8FFFFFFF  }
0x98: {  	s18 =	sld [smem:$0x3FDB];
	_ =	sdelay $0x1  }
0x99: {  	s19 =	simm.s32 $_scs_section_size  }
0x9a: {  	s4 =	simm.s32 $_size__tile_overlayer_lowered;
	s5 =	simm.s32 $_tile_overlayer_lowered  }
0x9b: {  	s22 =	simm.s32 $0x1BFF;
	s21 =	sshll.u32 s5, $0x1;
	s2 =	sadd.s32 s19, s18  }
0x9c: {  	s6 =	simm.s32 $0x0;
	s20 =	sshll.u32 s4, $0x1;
	s4 =	sadd.s32 s21, s2  }
0x9d: {  	[timem:s6], [sflag:s22] =	dma.local [hbm:s4], s20  }
0x9e: {  	_ =	swait.ge [sflag:s22], s20  }
0x9f: {  	s3 =	ssub.s32 $0x0, s20;
	[sflag:s22] =	ssyncset.done $0x0  }
0xa0: {  	[sflag:s22] =	ssyncadd.s32 s3;
	_ =	sdelay $0x1  }
0xa1: {  	s23 =	simm.s32 $0x1B8B  }
0xa2: {  	_ =	swait.ge [sflag:s23], $0x1  }
0xa3: {  	[sflag:s23] =	ssyncset.done $0x0  }
0xa4: {  	s25 =	simm.s32 $0x1B8E;
	s24 =	sld [smem:$0x3FFE];
	[sflag:s23] =	ssyncadd.s32 $0xFFFFFFFF  }
0xa5: {  	s26 =	simm.s32 $execute0_lowered;
	[smem:$0x3FD2] =	sst s25  }
0xa6: {  	s4 =	sshll.u32 s26, $0x1;
	_ =	strace $0x80000046;
	[dreg:$0x1] =	wrdreg $0xFFFFFFFF  }
0xa7: {  	s28 =	simm.s32 $_size_execute0_lowered;
	s2 =	sadd.s32 s2, s4;
	[dreg:$0x0] =	wrdreg $0x0  }
0xa8: {  	s4 =	sshll.u32 s28, $0x1;
	[dreg:$0x2] =	wrdreg s2  }
0xa9: {  	[dreg:$0x3] =	wrdreg s4  }
0xaa: {  	[dreg:$0x4] =	wrdreg $0xC0  }
0xab: {  	_ =	task [dreg:s6], $0x5FFFF  }
0xac: {  	[dreg:$0x1] =	wrdreg $0xFFFFFFFF  }
0xad: {  	[dreg:$0x0] =	wrdreg $0x60  }
0xae: {  	[dreg:$0x2] =	wrdreg s24  }
0xaf: {  	[dreg:$0x3] =	wrdreg $0x8C000  }
0xb0: {  	[dreg:$0x4] =	wrdreg $0x9  }
0xb1: {  	_ =	task.clear_ibuf [dreg:s6], $0x5FFFF;
	_ =	strace $0x90000046  }
0xb2: {  	s29 =	simm.s32 $0x9;
	_ =	strace $0x80000048  }
0xb3: {  	_ =	swait.ge [sflag:s29], $0x1  }
0xb4: {  	[sflag:s29] =	ssyncadd.s32 $0xFFFFFFFF  }
0xb5: {  	_ =	strace $0x90000048  }
0xb6: {  	_ =	sfence  }
0xb7: {  	s30 =	sld [smem:$0x0];
	_ =	sdelay $0x2  }
0xb8: {  	s31 =	sshll.u32 s1, $0xD;
	s1 =	sshrl.u32 s1, $0x2  }
0xb9: {  	s3 =	sand.u32 $0x4000, s31;
	s1 =	sadd.s32 s1, s30  }
0xba: {  	s0 =	sor.u32 s3, s0;
	s1 =	sshll.u32 s1, $0x11  }
0xbb: {  	s0 =	sor.u32 s1, s0  }
0xbc: {  	s0 =	sadd.s32 $0x8F2B, s0  }
0xbd: {  	[sflag:s0] =	ssyncadd.remote.s32 $0x1  }
0xbe: {  	_ =	sfence.sel $0xFFFF  }
0xbf: {  	[dreg:$0x0] =	wrdreg $0xFFFFFFFF;
	(pc) =	sbr.abs _section_cstart, $3  }
0xc0: {  	[dreg:$0x1] =	wrdreg $0xFFFFFFFF  }
0xc1: {  	_ =	task.clear_ibuf [dreg:s6], $0x2FFFF;
	_ =	strace $0x9FFFFFFF  }
0xc2: {  	(tm) =	ssettm $0x7FFFFFFF  }
0xc3: {  	_ =	shalt  }
tec
execute0_lowered:
.L_overlay_start_1:
0x0: {  	(tag) =	ssettag $0x1  }
0x1: {  	s0 =	srdreg.scid  }
0x2: {  	s1 =	rddreg [dreg:$0x0];
	s8 =	stileid.u32  }
0x3: {  	s2 =	rddreg [dreg:$0x1];
	s3 =	simm.s32 $0x0;
	s28 =	simm.s32 $0x380  }
0x4: {  	s29 =	simm.s32 $0x400;
	s30 =	simm.s32 $0x480;
	s31 =	simm.s32 $0x500  }
0x5: {  	s9 =	simm.s32 $0x880;
	s0 =	sand.u32 $0x1, s0;
	s7 =	smul.u32 $0x14000, s8  }
0x6: {  	s10 =	simm.s32 $0x900;
	s11 =	simm.s32 $0x980;
	s4 =	smul.u32 $0x30000, s0  }
0x7: {  	s12 =	simm.s32 $0x1;
	s6 =	smul.u32 $0x140000, s0;
	s0 =	ssub.s32 $0x2, s0  }
0x8: {  	s13 =	simm.s32 $0x0;
	s16 =	smul.u32 $0x50000, s8;
	s17 =	sshrl.u32 s0, $0x1  }
0x9: {  	s5 =	smul.u32 $0x3000, s8;
	[smem:$0x7FF] =	sst s3;
	s0 =	ssub.s32 s0, s17  }
0xa: {  	s15 =	sadd.s32 s7, s6;
	s6 =	sshrl.u32 s16, $0x2;
	s0 =	smax.u32 s0, $0x1  }
0xb: {  	_ =	strace $0x80000047;
	s17 =	sadd.s32 s6, s2;
	[dreg:$0x5] =	wrdreg s0  }
0xc: {  	s8 =	simm.s32 $0x800;
	s18 =	sadd.s32 $0x2000, s17;
	[dreg:$0x3] =	wrdreg s17  }
0xd: {  	s4 =	sadd.s32 s5, s4;
	s19 =	sadd.s32 $0x4000, s17;
	[dreg:$0x6] =	wrdreg s18  }
0xe: {  	s7 =	simm.s32 $0x780;
	s20 =	sadd.s32 $0x6000, s17;
	[dreg:$0x7] =	wrdreg s19  }
0xf: {  	s4 =	sshrl.u32 s4, $0x3;
	s21 =	sadd.s32 $0x8000, s17;
	[dreg:$0x8] =	wrdreg s20  }
0x10: {  	s5 =	sshrl.u32 s15, $0x3;
	s22 =	sadd.s32 $0xA000, s17;
	[dreg:$0x9] =	wrdreg s21  }
0x11: {  	s6 =	simm.s32 $0x700;
	s23 =	sadd.s32 $0xC000, s17;
	[dreg:$0xa] =	wrdreg s22  }
0x12: {  	s4 =	sadd.s32 s4, s1;
	s24 =	sadd.s32 $0xE000, s17;
	[dreg:$0xb] =	wrdreg s23  }
0x13: {  	s1 =	sadd.s32 s5, s1;
	s25 =	sadd.s32 $0x10000, s17;
	[dreg:$0xc] =	wrdreg s24  }
0x14: {  	s26 =	sadd.s32 $0x12000, s17;
	s0 =	simm.s32 $0x600;
	[dreg:$0xd] =	wrdreg s25  }
0x15: {  	s5 =	simm.s32 $0x680;
	s1 =	sadd.s32 $0xEE00, s1;
	[dreg:$0xe] =	wrdreg s26  }
0x16: {  	s16 =	sadd.s32 $0x2E00, s4;
	s18 =	simm.s32 $0x2;
	s19 =	simm.s32 $0x7D  }
0x17: {  	s20 =	simm.s32 $0xC00;
	s21 =	simm.s32 $0x80;
	s22 =	simm.s32 $0x100  }
0x18: {  	s23 =	simm.s32 $0x180;
	s24 =	simm.s32 $0x200;
	s25 =	simm.s32 $0x280  }
0x19: {  	v0 =	vimm.f32 $1.000000000e+00;
	v1 =	vimm.f32 $0.0e+00;
	s26 =	simm.s32 $0x300;
	[dreg:$0x4] =	wrdreg s1;
	s1 =	simm.s32 $0x580  }
.LBB2_1:
0x1a: {  	s14 =	simm.s32 $0x40;
	s4 =	simm.s32 $0x0  }
.LBB2_2:
0x1b: {  	p0 =	sne.s32 s14, $0xF9C0;
	[tilespmem:s4+$0xC00] =	vst v0;
	s15 =	smov.u32 s14;
	s14 =	sadd.s32 $0x40, s14  }
.Ltmp0:
0x1c: {  	[tilespmem:s4+$0x4C00] =	vst v1;
	(pc) =	sbr.rel @p0 .LBB2_2-.Ltmp0, $2  }
0x1d: {  	_ =	sdelay $0x2  }
0x1e: {  	s4 =	sshra.s32 s15, $0x2  }
0x1f: {  	[tilespmem:s4+$0xC00] =	vst v0  }
0x20: {  	[tilespmem:s4+$0x4C00] =	vst v1;
	s14 =	simm.s32 $0x4C00  }
0x21: {  	[spmem:s17] =	stream.linear.scatter [tilespmem:s14], [sflag:$0x2], $0x2000, $0x38;
	[tilespmem:$0x1CC00] =	vst v63  }
0x22: {  	_ =	swait.ge [sflag:s18], $0x2000  }
0x23: {  	[sflag:s18] =	ssyncset.done $0x0  }
0x24: {  	s15 =	rddreg [dreg:$0x6];
	[sflag:s18] =	ssyncadd.s32 $0xFFFFE000  }
0x25: {  	[spmem:s15] =	stream.linear.scatter [tilespmem:s14], [sflag:$0x2], $0x2000, $0x38;
	[tilespmem:$0x1CC00] =	vst v63  }
0x26: {  	_ =	swait.ge [sflag:s18], $0x2000  }
0x27: {  	[sflag:s18] =	ssyncset.done $0x0  }
0x28: {  	s17 =	rddreg [dreg:$0x7];
	[sflag:s18] =	ssyncadd.s32 $0xFFFFE000  }
0x29: {  	[spmem:s17] =	stream.linear.scatter [tilespmem:s14], [sflag:$0x2], $0x2000, $0x38;
	[tilespmem:$0x1CC00] =	vst v63  }
0x2a: {  	_ =	swait.ge [sflag:s18], $0x2000  }
0x2b: {  	[sflag:s18] =	ssyncset.done $0x0  }
0x2c: {  	s15 =	rddreg [dreg:$0x8];
	[sflag:s18] =	ssyncadd.s32 $0xFFFFE000  }
0x2d: {  	[spmem:s15] =	stream.linear.scatter [tilespmem:s14], [sflag:$0x2], $0x2000, $0x38;
	[tilespmem:$0x1CC00] =	vst v63  }
0x2e: {  	_ =	swait.ge [sflag:s18], $0x2000  }
0x2f: {  	[sflag:s18] =	ssyncset.done $0x0  }
0x30: {  	s17 =	rddreg [dreg:$0x9];
	[sflag:s18] =	ssyncadd.s32 $0xFFFFE000  }
0x31: {  	[spmem:s17] =	stream.linear.scatter [tilespmem:s14], [sflag:$0x2], $0x2000, $0x38;
	[tilespmem:$0x1CC00] =	vst v63  }
0x32: {  	_ =	swait.ge [sflag:s18], $0x2000  }
0x33: {  	[sflag:s18] =	ssyncset.done $0x0  }
0x34: {  	s15 =	rddreg [dreg:$0xa];
	[sflag:s18] =	ssyncadd.s32 $0xFFFFE000  }
0x35: {  	[spmem:s15] =	stream.linear.scatter [tilespmem:s14], [sflag:$0x2], $0x2000, $0x38;
	[tilespmem:$0x1CC00] =	vst v63  }
0x36: {  	_ =	swait.ge [sflag:s18], $0x2000  }
0x37: {  	[sflag:s18] =	ssyncset.done $0x0  }
0x38: {  	s17 =	rddreg [dreg:$0xb];
	[sflag:s18] =	ssyncadd.s32 $0xFFFFE000  }
0x39: {  	[spmem:s17] =	stream.linear.scatter [tilespmem:s14], [sflag:$0x2], $0x2000, $0x38;
	[tilespmem:$0x1CC00] =	vst v63  }
0x3a: {  	_ =	swait.ge [sflag:s18], $0x2000  }
0x3b: {  	[sflag:s18] =	ssyncset.done $0x0  }
0x3c: {  	s15 =	rddreg [dreg:$0xc];
	[sflag:s18] =	ssyncadd.s32 $0xFFFFE000  }
0x3d: {  	[spmem:s15] =	stream.linear.scatter [tilespmem:s14], [sflag:$0x2], $0x2000, $0x38;
	[tilespmem:$0x1CC00] =	vst v63  }
0x3e: {  	_ =	swait.ge [sflag:s18], $0x2000  }
0x3f: {  	[sflag:s18] =	ssyncset.done $0x0  }
0x40: {  	s17 =	rddreg [dreg:$0xd];
	[sflag:s18] =	ssyncadd.s32 $0xFFFFE000  }
0x41: {  	[spmem:s17] =	stream.linear.scatter [tilespmem:s14], [sflag:$0x2], $0x2000, $0x38;
	[tilespmem:$0x1CC00] =	vst v63  }
0x42: {  	_ =	swait.ge [sflag:s18], $0x2000  }
0x43: {  	[sflag:s18] =	ssyncset.done $0x0  }
0x44: {  	s15 =	rddreg [dreg:$0xe];
	[sflag:s18] =	ssyncadd.s32 $0xFFFFE000  }
0x45: {  	[spmem:s15] =	stream.linear.scatter [tilespmem:s14], [sflag:$0x2], $0x2000, $0x38;
	[tilespmem:$0x1CC00] =	vst v63  }
0x46: {  	_ =	swait.ge [sflag:s18], $0x2000  }
0x47: {  	[sflag:s18] =	ssyncset.done $0x0  }
0x48: {  	[sflag:s18] =	ssyncadd.s32 $0xFFFFE000  }
0x49: {  	s17 =	sadd.s32 $0x0, s16;
	[bflag:$0x0] =	sbarrier.arrive $0xFFFF  }
0x4a: {  	[tilespmem:s3], [sflag:$0x2] =	stream.linear.gather [hbm4b:s17+s3], $0xA00, $0x38;
	[tilespmem:$0x1CC00] =	vst v63  }
0x4b: {  	_ =	swait.ge [sflag:s18], $0xA00  }
0x4c: {  	[sflag:s18] =	ssyncset.done $0x0  }
0x4d: {  	[sflag:s18] =	ssyncadd.s32 $0xFFFFF600  }
0x4e: {  	[spmem:s2] =	stream.indirect.scatter.add.f32 [tilespmem:s20], [sflag:$0x1], $0x80, s3, s19, $0xb8;
	[tilespmem:$0x1CC00] =	vst v63  }
0x4f: {  	_ = 	snop  }
0x50: {  	[spmem:s2] =	stream.indirect.scatter.add.f32 [tilespmem:s20], [sflag:$0x1], $0x80, s21, s19, $0xb8;
	[tilespmem:$0x1CC00] =	vst v63  }
0x51: {  	_ = 	snop  }
0x52: {  	[spmem:s2] =	stream.indirect.scatter.add.f32 [tilespmem:s20], [sflag:$0x1], $0x80, s22, s19, $0xb8;
	[tilespmem:$0x1CC00] =	vst v63  }
0x53: {  	_ = 	snop  }
0x54: {  	[spmem:s2] =	stream.indirect.scatter.add.f32 [tilespmem:s20], [sflag:$0x1], $0x80, s23, s19, $0xb8;
	[tilespmem:$0x1CC00] =	vst v63  }
0x55: {  	_ = 	snop  }
0x56: {  	[spmem:s2] =	stream.indirect.scatter.add.f32 [tilespmem:s20], [sflag:$0x1], $0x80, s24, s19, $0xb8;
	[tilespmem:$0x1CC00] =	vst v63  }
0x57: {  	_ = 	snop  }
0x58: {  	[spmem:s2] =	stream.indirect.scatter.add.f32 [tilespmem:s20], [sflag:$0x1], $0x80, s25, s19, $0xb8;
	[tilespmem:$0x1CC00] =	vst v63  }
0x59: {  	_ = 	snop  }
0x5a: {  	[spmem:s2] =	stream.indirect.scatter.add.f32 [tilespmem:s20], [sflag:$0x1], $0x80, s26, s19, $0xb8;
	[tilespmem:$0x1CC00] =	vst v63  }
0x5b: {  	_ = 	snop  }
0x5c: {  	[spmem:s2] =	stream.indirect.scatter.add.f32 [tilespmem:s20], [sflag:$0x1], $0x80, s28, s19, $0xb8;
	[tilespmem:$0x1CC00] =	vst v63  }
0x5d: {  	_ = 	snop  }
0x5e: {  	[spmem:s2] =	stream.indirect.scatter.add.f32 [tilespmem:s20], [sflag:$0x1], $0x80, s29, s19, $0xb8;
	[tilespmem:$0x1CC00] =	vst v63  }
0x5f: {  	_ = 	snop  }
0x60: {  	[spmem:s2] =	stream.indirect.scatter.add.f32 [tilespmem:s20], [sflag:$0x1], $0x80, s30, s19, $0xb8;
	[tilespmem:$0x1CC00] =	vst v63  }
0x61: {  	_ = 	snop  }
0x62: {  	[spmem:s2] =	stream.indirect.scatter.add.f32 [tilespmem:s20], [sflag:$0x1], $0x80, s31, s19, $0xb8;
	[tilespmem:$0x1CC00] =	vst v63  }
0x63: {  	_ = 	snop  }
0x64: {  	[spmem:s2] =	stream.indirect.scatter.add.f32 [tilespmem:s20], [sflag:$0x1], $0x80, s1, s19, $0xb8;
	[tilespmem:$0x1CC00] =	vst v63  }
0x65: {  	_ = 	snop  }
0x66: {  	[spmem:s2] =	stream.indirect.scatter.add.f32 [tilespmem:s20], [sflag:$0x1], $0x80, s0, s19, $0xb8;
	[tilespmem:$0x1CC00] =	vst v63  }
0x67: {  	_ = 	snop  }
0x68: {  	[spmem:s2] =	stream.indirect.scatter.add.f32 [tilespmem:s20], [sflag:$0x1], $0x80, s5, s19, $0xb8;
	[tilespmem:$0x1CC00] =	vst v63  }
0x69: {  	_ = 	snop  }
0x6a: {  	[spmem:s2] =	stream.indirect.scatter.add.f32 [tilespmem:s20], [sflag:$0x1], $0x80, s6, s19, $0xb8;
	[tilespmem:$0x1CC00] =	vst v63  }
0x6b: {  	_ = 	snop  }
0x6c: {  	[spmem:s2] =	stream.indirect.scatter.add.f32 [tilespmem:s20], [sflag:$0x1], $0x80, s7, s19, $0xb8;
	[tilespmem:$0x1CC00] =	vst v63  }
0x6d: {  	_ = 	snop  }
0x6e: {  	[spmem:s2] =	stream.indirect.scatter.add.f32 [tilespmem:s20], [sflag:$0x1], $0x80, s8, s19, $0xb8;
	[tilespmem:$0x1CC00] =	vst v63  }
0x6f: {  	_ = 	snop  }
0x70: {  	[spmem:s2] =	stream.indirect.scatter.add.f32 [tilespmem:s20], [sflag:$0x1], $0x80, s9, s19, $0xb8;
	[tilespmem:$0x1CC00] =	vst v63  }
0x71: {  	_ = 	snop  }
0x72: {  	[spmem:s2] =	stream.indirect.scatter.add.f32 [tilespmem:s20], [sflag:$0x1], $0x80, s10, s19, $0xb8;
	[tilespmem:$0x1CC00] =	vst v63  }
0x73: {  	_ = 	snop  }
0x74: {  	[spmem:s2] =	stream.indirect.scatter.add.f32 [tilespmem:s20], [sflag:$0x1], $0x80, s11, s19, $0xb8;
	[tilespmem:$0x1CC00] =	vst v63  }
0x75: {  	_ =	swait.ge [sflag:s12], $0x3E80  }
0x76: {  	[sflag:s12] =	ssyncset.done $0x0  }
0x77: {  	[sflag:s12] =	ssyncadd.s32 $0xFFFFC180  }
0x78: {  	_ =	swait.ge [sflag:s12], $0x3E80  }
0x79: {  	[sflag:s12] =	ssyncset.done $0x0  }
0x7a: {  	[sflag:s12] =	ssyncadd.s32 $0xFFFFC180  }
0x7b: {  	_ =	swait.ge [sflag:s12], $0x3E80  }
0x7c: {  	[sflag:s12] =	ssyncset.done $0x0  }
0x7d: {  	[sflag:s12] =	ssyncadd.s32 $0xFFFFC180  }
0x7e: {  	_ =	swait.ge [sflag:s12], $0x3E80  }
0x7f: {  	[sflag:s12] =	ssyncset.done $0x0  }
0x80: {  	[sflag:s12] =	ssyncadd.s32 $0xFFFFC180  }
0x81: {  	_ =	swait.ge [sflag:s12], $0x3E80  }
0x82: {  	[sflag:s12] =	ssyncset.done $0x0  }
0x83: {  	[sflag:s12] =	ssyncadd.s32 $0xFFFFC180  }
0x84: {  	_ =	swait.ge [sflag:s12], $0x3E80  }
0x85: {  	[sflag:s12] =	ssyncset.done $0x0  }
0x86: {  	[sflag:s12] =	ssyncadd.s32 $0xFFFFC180  }
0x87: {  	_ =	swait.ge [sflag:s12], $0x3E80  }
0x88: {  	[sflag:s12] =	ssyncset.done $0x0  }
0x89: {  	[sflag:s12] =	ssyncadd.s32 $0xFFFFC180  }
0x8a: {  	_ =	swait.ge [sflag:s12], $0x3E80  }
0x8b: {  	[sflag:s12] =	ssyncset.done $0x0  }
0x8c: {  	[sflag:s12] =	ssyncadd.s32 $0xFFFFC180  }
0x8d: {  	_ =	swait.ge [sflag:s12], $0x3E80  }
0x8e: {  	[sflag:s12] =	ssyncset.done $0x0  }
0x8f: {  	[sflag:s12] =	ssyncadd.s32 $0xFFFFC180  }
0x90: {  	_ =	swait.ge [sflag:s12], $0x3E80  }
0x91: {  	[sflag:s12] =	ssyncset.done $0x0  }
0x92: {  	[sflag:s12] =	ssyncadd.s32 $0xFFFFC180  }
0x93: {  	_ =	swait.ge [sflag:s12], $0x3E80  }
0x94: {  	[sflag:s12] =	ssyncset.done $0x0  }
0x95: {  	[sflag:s12] =	ssyncadd.s32 $0xFFFFC180  }
0x96: {  	_ =	swait.ge [sflag:s12], $0x3E80  }
0x97: {  	[sflag:s12] =	ssyncset.done $0x0  }
0x98: {  	[sflag:s12] =	ssyncadd.s32 $0xFFFFC180  }
0x99: {  	_ =	swait.ge [sflag:s12], $0x3E80  }
0x9a: {  	[sflag:s12] =	ssyncset.done $0x0  }
0x9b: {  	[sflag:s12] =	ssyncadd.s32 $0xFFFFC180  }
0x9c: {  	_ =	swait.ge [sflag:s12], $0x3E80  }
0x9d: {  	[sflag:s12] =	ssyncset.done $0x0  }
0x9e: {  	[sflag:s12] =	ssyncadd.s32 $0xFFFFC180  }
0x9f: {  	_ =	swait.ge [sflag:s12], $0x3E80  }
0xa0: {  	[sflag:s12] =	ssyncset.done $0x0  }
0xa1: {  	[sflag:s12] =	ssyncadd.s32 $0xFFFFC180  }
0xa2: {  	_ =	swait.ge [sflag:s12], $0x3E80  }
0xa3: {  	[sflag:s12] =	ssyncset.done $0x0  }
0xa4: {  	[sflag:s12] =	ssyncadd.s32 $0xFFFFC180  }
0xa5: {  	_ =	swait.ge [sflag:s12], $0x3E80  }
0xa6: {  	[sflag:s12] =	ssyncset.done $0x0  }
0xa7: {  	[sflag:s12] =	ssyncadd.s32 $0xFFFFC180  }
0xa8: {  	_ =	swait.ge [sflag:s12], $0x3E80  }
0xa9: {  	[sflag:s12] =	ssyncset.done $0x0  }
0xaa: {  	[sflag:s12] =	ssyncadd.s32 $0xFFFFC180  }
0xab: {  	_ =	swait.ge [sflag:s12], $0x3E80  }
0xac: {  	[sflag:s12] =	ssyncset.done $0x0  }
0xad: {  	[sflag:s12] =	ssyncadd.s32 $0xFFFFC180  }
0xae: {  	_ =	swait.ge [sflag:s12], $0x3E80  }
0xaf: {  	s14 =	simm.s32 $0x180;
	s15 =	simm.s32 $0x300;
	[sflag:s12] =	ssyncset.done $0x0  }
.LBB2_4:
0xb0: {  	s17 =	sadd.s32 s14, s16  }
0xb1: {  	[sflag:s12] =	ssyncadd.s32 $0xFFFFC180;
	s14 =	smov.u32 s15;
	s4 =	sadd.s32 $0x180, s15  }
0xb2: {  	[tilespmem:s3], [sflag:$0x2] =	stream.linear.gather [hbm4b:s17+s3], $0xA00, $0x38;
	[tilespmem:$0x1CC00] =	vst v63  }
0xb3: {  	p0 =	sne.s32 s15, $0x480;
	_ =	swait.ge [sflag:s18], $0xA00  }
0xb4: {  	[sflag:s18] =	ssyncset.done $0x0  }
0xb5: {  	[sflag:s18] =	ssyncadd.s32 $0xFFFFF600  }
0xb6: {  	[spmem:s2] =	stream.indirect.scatter.add.f32 [tilespmem:s20], [sflag:$0x1], $0x80, s3, s19, $0xb8;
	[tilespmem:$0x1CC00] =	vst v63  }
0xb7: {  	_ = 	snop  }
0xb8: {  	[spmem:s2] =	stream.indirect.scatter.add.f32 [tilespmem:s20], [sflag:$0x1], $0x80, s21, s19, $0xb8;
	[tilespmem:$0x1CC00] =	vst v63  }
0xb9: {  	_ = 	snop  }
0xba: {  	[spmem:s2] =	stream.indirect.scatter.add.f32 [tilespmem:s20], [sflag:$0x1], $0x80, s22, s19, $0xb8;
	[tilespmem:$0x1CC00] =	vst v63  }
0xbb: {  	_ = 	snop  }
0xbc: {  	[spmem:s2] =	stream.indirect.scatter.add.f32 [tilespmem:s20], [sflag:$0x1], $0x80, s23, s19, $0xb8;
	[tilespmem:$0x1CC00] =	vst v63  }
0xbd: {  	_ = 	snop  }
0xbe: {  	[spmem:s2] =	stream.indirect.scatter.add.f32 [tilespmem:s20], [sflag:$0x1], $0x80, s24, s19, $0xb8;
	[tilespmem:$0x1CC00] =	vst v63  }
0xbf: {  	_ = 	snop  }
0xc0: {  	[spmem:s2] =	stream.indirect.scatter.add.f32 [tilespmem:s20], [sflag:$0x1], $0x80, s25, s19, $0xb8;
	[tilespmem:$0x1CC00] =	vst v63  }
0xc1: {  	_ = 	snop  }
0xc2: {  	[spmem:s2] =	stream.indirect.scatter.add.f32 [tilespmem:s20], [sflag:$0x1], $0x80, s26, s19, $0xb8;
	[tilespmem:$0x1CC00] =	vst v63  }
0xc3: {  	_ = 	snop  }
0xc4: {  	[spmem:s2] =	stream.indirect.scatter.add.f32 [tilespmem:s20], [sflag:$0x1], $0x80, s28, s19, $0xb8;
	[tilespmem:$0x1CC00] =	vst v63  }
0xc5: {  	_ = 	snop  }
0xc6: {  	[spmem:s2] =	stream.indirect.scatter.add.f32 [tilespmem:s20], [sflag:$0x1], $0x80, s29, s19, $0xb8;
	[tilespmem:$0x1CC00] =	vst v63  }
0xc7: {  	_ = 	snop  }
0xc8: {  	[spmem:s2] =	stream.indirect.scatter.add.f32 [tilespmem:s20], [sflag:$0x1], $0x80, s30, s19, $0xb8;
	[tilespmem:$0x1CC00] =	vst v63  }
0xc9: {  	_ = 	snop  }
0xca: {  	[spmem:s2] =	stream.indirect.scatter.add.f32 [tilespmem:s20], [sflag:$0x1], $0x80, s31, s19, $0xb8;
	[tilespmem:$0x1CC00] =	vst v63  }
0xcb: {  	_ = 	snop  }
0xcc: {  	[spmem:s2] =	stream.indirect.scatter.add.f32 [tilespmem:s20], [sflag:$0x1], $0x80, s1, s19, $0xb8;
	[tilespmem:$0x1CC00] =	vst v63  }
0xcd: {  	_ = 	snop  }
0xce: {  	[spmem:s2] =	stream.indirect.scatter.add.f32 [tilespmem:s20], [sflag:$0x1], $0x80, s0, s19, $0xb8;
	[tilespmem:$0x1CC00] =	vst v63  }
0xcf: {  	_ = 	snop  }
0xd0: {  	[spmem:s2] =	stream.indirect.scatter.add.f32 [tilespmem:s20], [sflag:$0x1], $0x80, s5, s19, $0xb8;
	[tilespmem:$0x1CC00] =	vst v63  }
0xd1: {  	_ = 	snop  }
0xd2: {  	[spmem:s2] =	stream.indirect.scatter.add.f32 [tilespmem:s20], [sflag:$0x1], $0x80, s6, s19, $0xb8;
	[tilespmem:$0x1CC00] =	vst v63  }
0xd3: {  	_ = 	snop  }
0xd4: {  	[spmem:s2] =	stream.indirect.scatter.add.f32 [tilespmem:s20], [sflag:$0x1], $0x80, s7, s19, $0xb8;
	[tilespmem:$0x1CC00] =	vst v63  }
0xd5: {  	_ = 	snop  }
0xd6: {  	[spmem:s2] =	stream.indirect.scatter.add.f32 [tilespmem:s20], [sflag:$0x1], $0x80, s8, s19, $0xb8;
	[tilespmem:$0x1CC00] =	vst v63  }
0xd7: {  	_ = 	snop  }
0xd8: {  	[spmem:s2] =	stream.indirect.scatter.add.f32 [tilespmem:s20], [sflag:$0x1], $0x80, s9, s19, $0xb8;
	[tilespmem:$0x1CC00] =	vst v63  }
0xd9: {  	_ = 	snop  }
0xda: {  	[spmem:s2] =	stream.indirect.scatter.add.f32 [tilespmem:s20], [sflag:$0x1], $0x80, s10, s19, $0xb8;
	[tilespmem:$0x1CC00] =	vst v63  }
0xdb: {  	_ = 	snop  }
0xdc: {  	[spmem:s2] =	stream.indirect.scatter.add.f32 [tilespmem:s20], [sflag:$0x1], $0x80, s11, s19, $0xb8;
	[tilespmem:$0x1CC00] =	vst v63  }
0xdd: {  	_ =	swait.ge [sflag:s12], $0x3E80  }
0xde: {  	[sflag:s12] =	ssyncset.done $0x0  }
0xdf: {  	[sflag:s12] =	ssyncadd.s32 $0xFFFFC180  }
0xe0: {  	_ =	swait.ge [sflag:s12], $0x3E80  }
0xe1: {  	[sflag:s12] =	ssyncset.done $0x0  }
0xe2: {  	[sflag:s12] =	ssyncadd.s32 $0xFFFFC180  }
0xe3: {  	_ =	swait.ge [sflag:s12], $0x3E80  }
0xe4: {  	[sflag:s12] =	ssyncset.done $0x0  }
0xe5: {  	[sflag:s12] =	ssyncadd.s32 $0xFFFFC180  }
0xe6: {  	_ =	swait.ge [sflag:s12], $0x3E80  }
0xe7: {  	[sflag:s12] =	ssyncset.done $0x0  }
0xe8: {  	[sflag:s12] =	ssyncadd.s32 $0xFFFFC180  }
0xe9: {  	_ =	swait.ge [sflag:s12], $0x3E80  }
0xea: {  	[sflag:s12] =	ssyncset.done $0x0  }
0xeb: {  	[sflag:s12] =	ssyncadd.s32 $0xFFFFC180  }
0xec: {  	_ =	swait.ge [sflag:s12], $0x3E80  }
0xed: {  	[sflag:s12] =	ssyncset.done $0x0  }
0xee: {  	[sflag:s12] =	ssyncadd.s32 $0xFFFFC180  }
0xef: {  	_ =	swait.ge [sflag:s12], $0x3E80  }
0xf0: {  	[sflag:s12] =	ssyncset.done $0x0  }
0xf1: {  	[sflag:s12] =	ssyncadd.s32 $0xFFFFC180  }
0xf2: {  	_ =	swait.ge [sflag:s12], $0x3E80  }
0xf3: {  	[sflag:s12] =	ssyncset.done $0x0  }
0xf4: {  	[sflag:s12] =	ssyncadd.s32 $0xFFFFC180  }
0xf5: {  	_ =	swait.ge [sflag:s12], $0x3E80  }
0xf6: {  	[sflag:s12] =	ssyncset.done $0x0  }
0xf7: {  	[sflag:s12] =	ssyncadd.s32 $0xFFFFC180  }
0xf8: {  	_ =	swait.ge [sflag:s12], $0x3E80  }
0xf9: {  	[sflag:s12] =	ssyncset.done $0x0  }
0xfa: {  	[sflag:s12] =	ssyncadd.s32 $0xFFFFC180  }
0xfb: {  	_ =	swait.ge [sflag:s12], $0x3E80  }
0xfc: {  	[sflag:s12] =	ssyncset.done $0x0  }
0xfd: {  	[sflag:s12] =	ssyncadd.s32 $0xFFFFC180  }
0xfe: {  	_ =	swait.ge [sflag:s12], $0x3E80  }
0xff: {  	[sflag:s12] =	ssyncset.done $0x0  }
0x100: {  	[sflag:s12] =	ssyncadd.s32 $0xFFFFC180  }
0x101: {  	_ =	swait.ge [sflag:s12], $0x3E80  }
0x102: {  	[sflag:s12] =	ssyncset.done $0x0  }
0x103: {  	[sflag:s12] =	ssyncadd.s32 $0xFFFFC180  }
0x104: {  	_ =	swait.ge [sflag:s12], $0x3E80  }
0x105: {  	[sflag:s12] =	ssyncset.done $0x0  }
0x106: {  	[sflag:s12] =	ssyncadd.s32 $0xFFFFC180  }
0x107: {  	_ =	swait.ge [sflag:s12], $0x3E80  }
0x108: {  	[sflag:s12] =	ssyncset.done $0x0  }
0x109: {  	[sflag:s12] =	ssyncadd.s32 $0xFFFFC180  }
0x10a: {  	_ =	swait.ge [sflag:s12], $0x3E80  }
0x10b: {  	[sflag:s12] =	ssyncset.done $0x0  }
0x10c: {  	[sflag:s12] =	ssyncadd.s32 $0xFFFFC180  }
0x10d: {  	_ =	swait.ge [sflag:s12], $0x3E80  }
0x10e: {  	[sflag:s12] =	ssyncset.done $0x0  }
0x10f: {  	[sflag:s12] =	ssyncadd.s32 $0xFFFFC180  }
0x110: {  	_ =	swait.ge [sflag:s12], $0x3E80  }
0x111: {  	[sflag:s12] =	ssyncset.done $0x0  }
0x112: {  	[sflag:s12] =	ssyncadd.s32 $0xFFFFC180  }
.Ltmp1:
0x113: {  	_ =	swait.ge [sflag:s12], $0x3E80;
	(pc) =	sbr.rel @p0 .LBB2_4-.Ltmp1, $4  }
0x114: {  	[sflag:s12] =	ssyncset.done $0x0  }
0x115: {  	[sflag:s12] =	ssyncadd.s32 $0xFFFFC180  }
0x116: {  	_ =	swait.ge [sflag:s12], $0x3E80  }
0x117: {  	s15 =	smov.u32 s4;
	[sflag:s12] =	ssyncset.done $0x0  }
0x118: {  	s4 =	sadd.s32 s14, s16;
	[sflag:s12] =	ssyncadd.s32 $0xFFFFC180  }
0x119: {  	[tilespmem:s3], [sflag:$0x2] =	stream.linear.gather [hbm4b:s4+s3], $0xA00, $0x38;
	[tilespmem:$0x1CC00] =	vst v63  }
0x11a: {  	_ =	swait.ge [sflag:s18], $0xA00  }
0x11b: {  	[sflag:s18] =	ssyncset.done $0x0  }
0x11c: {  	[sflag:s18] =	ssyncadd.s32 $0xFFFFF600  }
0x11d: {  	[spmem:s2] =	stream.indirect.scatter.add.f32 [tilespmem:s20], [sflag:$0x1], $0x80, s3, s19, $0xb8;
	[tilespmem:$0x1CC00] =	vst v63  }
0x11e: {  	_ = 	snop  }
0x11f: {  	[spmem:s2] =	stream.indirect.scatter.add.f32 [tilespmem:s20], [sflag:$0x1], $0x80, s21, s19, $0xb8;
	[tilespmem:$0x1CC00] =	vst v63  }
0x120: {  	_ = 	snop  }
0x121: {  	[spmem:s2] =	stream.indirect.scatter.add.f32 [tilespmem:s20], [sflag:$0x1], $0x80, s22, s19, $0xb8;
	[tilespmem:$0x1CC00] =	vst v63  }
0x122: {  	_ = 	snop  }
0x123: {  	[spmem:s2] =	stream.indirect.scatter.add.f32 [tilespmem:s20], [sflag:$0x1], $0x80, s23, s19, $0xb8;
	[tilespmem:$0x1CC00] =	vst v63  }
0x124: {  	_ = 	snop  }
0x125: {  	[spmem:s2] =	stream.indirect.scatter.add.f32 [tilespmem:s20], [sflag:$0x1], $0x80, s24, s19, $0xb8;
	[tilespmem:$0x1CC00] =	vst v63  }
0x126: {  	_ = 	snop  }
0x127: {  	[spmem:s2] =	stream.indirect.scatter.add.f32 [tilespmem:s20], [sflag:$0x1], $0x80, s25, s19, $0xb8;
	[tilespmem:$0x1CC00] =	vst v63  }
0x128: {  	_ = 	snop  }
0x129: {  	[spmem:s2] =	stream.indirect.scatter.add.f32 [tilespmem:s20], [sflag:$0x1], $0x80, s26, s19, $0xb8;
	[tilespmem:$0x1CC00] =	vst v63  }
0x12a: {  	_ = 	snop  }
0x12b: {  	[spmem:s2] =	stream.indirect.scatter.add.f32 [tilespmem:s20], [sflag:$0x1], $0x80, s28, s19, $0xb8;
	[tilespmem:$0x1CC00] =	vst v63  }
0x12c: {  	_ = 	snop  }
0x12d: {  	[spmem:s2] =	stream.indirect.scatter.add.f32 [tilespmem:s20], [sflag:$0x1], $0x80, s29, s19, $0xb8;
	[tilespmem:$0x1CC00] =	vst v63  }
0x12e: {  	_ = 	snop  }
0x12f: {  	[spmem:s2] =	stream.indirect.scatter.add.f32 [tilespmem:s20], [sflag:$0x1], $0x80, s30, s19, $0xb8;
	[tilespmem:$0x1CC00] =	vst v63  }
0x130: {  	_ = 	snop  }
0x131: {  	[spmem:s2] =	stream.indirect.scatter.add.f32 [tilespmem:s20], [sflag:$0x1], $0x80, s31, s19, $0xb8;
	[tilespmem:$0x1CC00] =	vst v63  }
0x132: {  	_ = 	snop  }
0x133: {  	[spmem:s2] =	stream.indirect.scatter.add.f32 [tilespmem:s20], [sflag:$0x1], $0x80, s1, s19, $0xb8;
	[tilespmem:$0x1CC00] =	vst v63  }
0x134: {  	_ = 	snop  }
0x135: {  	[spmem:s2] =	stream.indirect.scatter.add.f32 [tilespmem:s20], [sflag:$0x1], $0x80, s0, s19, $0xb8;
	[tilespmem:$0x1CC00] =	vst v63  }
0x136: {  	_ = 	snop  }
0x137: {  	[spmem:s2] =	stream.indirect.scatter.add.f32 [tilespmem:s20], [sflag:$0x1], $0x80, s5, s19, $0xb8;
	[tilespmem:$0x1CC00] =	vst v63  }
0x138: {  	_ = 	snop  }
0x139: {  	[spmem:s2] =	stream.indirect.scatter.add.f32 [tilespmem:s20], [sflag:$0x1], $0x80, s6, s19, $0xb8;
	[tilespmem:$0x1CC00] =	vst v63  }
0x13a: {  	_ = 	snop  }
0x13b: {  	[spmem:s2] =	stream.indirect.scatter.add.f32 [tilespmem:s20], [sflag:$0x1], $0x80, s7, s19, $0xb8;
	[tilespmem:$0x1CC00] =	vst v63  }
0x13c: {  	_ = 	snop  }
0x13d: {  	[spmem:s2] =	stream.indirect.scatter.add.f32 [tilespmem:s20], [sflag:$0x1], $0x80, s8, s19, $0xb8;
	[tilespmem:$0x1CC00] =	vst v63  }
0x13e: {  	_ = 	snop  }
0x13f: {  	[spmem:s2] =	stream.indirect.scatter.add.f32 [tilespmem:s20], [sflag:$0x1], $0x80, s9, s19, $0xb8;
	[tilespmem:$0x1CC00] =	vst v63  }
0x140: {  	_ = 	snop  }
0x141: {  	[spmem:s2] =	stream.indirect.scatter.add.f32 [tilespmem:s20], [sflag:$0x1], $0x80, s10, s19, $0xb8;
	[tilespmem:$0x1CC00] =	vst v63  }
0x142: {  	_ = 	snop  }
0x143: {  	[spmem:s2] =	stream.indirect.scatter.add.f32 [tilespmem:s20], [sflag:$0x1], $0x80, s11, s19, $0xb8;
	[tilespmem:$0x1CC00] =	vst v63  }
0x144: {  	_ =	swait.ge [sflag:s12], $0x3E80  }
0x145: {  	[sflag:s12] =	ssyncset.done $0x0  }
0x146: {  	[sflag:s12] =	ssyncadd.s32 $0xFFFFC180  }
0x147: {  	_ =	swait.ge [sflag:s12], $0x3E80  }
0x148: {  	[sflag:s12] =	ssyncset.done $0x0  }
0x149: {  	[sflag:s12] =	ssyncadd.s32 $0xFFFFC180  }
0x14a: {  	_ =	swait.ge [sflag:s12], $0x3E80  }
0x14b: {  	[sflag:s12] =	ssyncset.done $0x0  }
0x14c: {  	[sflag:s12] =	ssyncadd.s32 $0xFFFFC180  }
0x14d: {  	_ =	swait.ge [sflag:s12], $0x3E80  }
0x14e: {  	[sflag:s12] =	ssyncset.done $0x0  }
0x14f: {  	[sflag:s12] =	ssyncadd.s32 $0xFFFFC180  }
0x150: {  	_ =	swait.ge [sflag:s12], $0x3E80  }
0x151: {  	[sflag:s12] =	ssyncset.done $0x0  }
0x152: {  	[sflag:s12] =	ssyncadd.s32 $0xFFFFC180  }
0x153: {  	_ =	swait.ge [sflag:s12], $0x3E80  }
0x154: {  	[sflag:s12] =	ssyncset.done $0x0  }
0x155: {  	[sflag:s12] =	ssyncadd.s32 $0xFFFFC180  }
0x156: {  	_ =	swait.ge [sflag:s12], $0x3E80  }
0x157: {  	[sflag:s12] =	ssyncset.done $0x0  }
0x158: {  	[sflag:s12] =	ssyncadd.s32 $0xFFFFC180  }
0x159: {  	_ =	swait.ge [sflag:s12], $0x3E80  }
0x15a: {  	[sflag:s12] =	ssyncset.done $0x0  }
0x15b: {  	[sflag:s12] =	ssyncadd.s32 $0xFFFFC180  }
0x15c: {  	_ =	swait.ge [sflag:s12], $0x3E80  }
0x15d: {  	[sflag:s12] =	ssyncset.done $0x0  }
0x15e: {  	[sflag:s12] =	ssyncadd.s32 $0xFFFFC180  }
0x15f: {  	_ =	swait.ge [sflag:s12], $0x3E80  }
0x160: {  	[sflag:s12] =	ssyncset.done $0x0  }
0x161: {  	[sflag:s12] =	ssyncadd.s32 $0xFFFFC180  }
0x162: {  	_ =	swait.ge [sflag:s12], $0x3E80  }
0x163: {  	[sflag:s12] =	ssyncset.done $0x0  }
0x164: {  	[sflag:s12] =	ssyncadd.s32 $0xFFFFC180  }
0x165: {  	_ =	swait.ge [sflag:s12], $0x3E80  }
0x166: {  	[sflag:s12] =	ssyncset.done $0x0  }
0x167: {  	[sflag:s12] =	ssyncadd.s32 $0xFFFFC180  }
0x168: {  	_ =	swait.ge [sflag:s12], $0x3E80  }
0x169: {  	[sflag:s12] =	ssyncset.done $0x0  }
0x16a: {  	[sflag:s12] =	ssyncadd.s32 $0xFFFFC180  }
0x16b: {  	_ =	swait.ge [sflag:s12], $0x3E80  }
0x16c: {  	[sflag:s12] =	ssyncset.done $0x0  }
0x16d: {  	[sflag:s12] =	ssyncadd.s32 $0xFFFFC180  }
0x16e: {  	_ =	swait.ge [sflag:s12], $0x3E80  }
0x16f: {  	[sflag:s12] =	ssyncset.done $0x0  }
0x170: {  	[sflag:s12] =	ssyncadd.s32 $0xFFFFC180  }
0x171: {  	_ =	swait.ge [sflag:s12], $0x3E80  }
0x172: {  	[sflag:s12] =	ssyncset.done $0x0  }
0x173: {  	[sflag:s12] =	ssyncadd.s32 $0xFFFFC180  }
0x174: {  	_ =	swait.ge [sflag:s12], $0x3E80  }
0x175: {  	[sflag:s12] =	ssyncset.done $0x0  }
0x176: {  	[sflag:s12] =	ssyncadd.s32 $0xFFFFC180  }
0x177: {  	_ =	swait.ge [sflag:s12], $0x3E80  }
0x178: {  	[sflag:s12] =	ssyncset.done $0x0  }
0x179: {  	[sflag:s12] =	ssyncadd.s32 $0xFFFFC180  }
0x17a: {  	_ =	swait.ge [sflag:s12], $0x3E80  }
0x17b: {  	[sflag:s12] =	ssyncset.done $0x0  }
0x17c: {  	[sflag:s12] =	ssyncadd.s32 $0xFFFFC180  }
0x17d: {  	_ =	swait.ge [sflag:s12], $0x3E80  }
0x17e: {  	[sflag:s12] =	ssyncset.done $0x0  }
0x17f: {  	[sflag:s12] =	ssyncadd.s32 $0xFFFFC180  }
0x180: {  	s14 =	stileid.u32;
	[bflag:$0x0] =	sbarrier.arrive $0xFFFF  }
0x181: {  	s4 =	sshll.u32 s14, $0x6;
	s17 =	rddreg [dreg:$0x3]  }
0x182: {  	s4 =	sor.u32 $0x1C02, s4;
	s15 =	rddreg [dreg:$0x4];
	s14 =	sshrl.u32 s17, $0x3  }
0x183: {  	[hbm:s15], [sflag:s4] =	dma.local [spmem:s14], $0x2800  }
0x184: {  	_ =	swait.ge [sflag:s18], $0x2800  }
0x185: {  	s13 =	sadd.s32 $0x1, s13;
	s15 =	rddreg [dreg:$0x5]  }
0x186: {  	p0 =	sne.s32 s13, s15  }
.Ltmp2:
0x187: {  	_ = 	snop;
	(pc) =	sbr.rel @p0 .LBB2_1-.Ltmp2, $3  }
0x188: {  	_ =	sdelay $0x1  }
0x189: {  	[sflag:s18] =	ssyncset.done $0x0  }
0x18a: {  	[sflag:s18] =	ssyncadd.s32 $0xFFFFD800  }
0x18b: {  	_ =	sfence.sel $0x180000  }
0x18c: {  	[bflag:$0x0] =	sbarrier.arrive $0xFFFF  }
0x18d: {  	_ =	strace $0x90000047  }
0x18e: {  	s0 =	stileid.u32;
	[bflag:$0x2] =	sbarrier.arrive $0xFFFF  }
0x18f: {  	p0 =	sne.s32 s0, $0x0;
	s0 =	rddreg [dreg:$0x2]  }
0x190: {  	s0 =	sadd.s32 @!p0 $0x100000, s0  }
0x191: {  	[sflag:s0] =	ssyncadd.tile.s32 @!p0 $0x1;
	_ =	shalt  }
.Lfunc_end2:
_tile_overlayer_lowered:
.L_overlay_start_2:
0x192: {  	(tag) =	ssettag $0x2  }
0x193: {  	s0 =	rddreg [dreg:$0x0];
	s2 =	stileid.u32  }
0x194: {  	s1 =	rddreg [dreg:$0x1];
	p0 =	sne.s32 s2, $0x0  }
0x195: {  	s3 =	rddreg [dreg:$0x2];
	[bflag:$0x3] =	sbarrier.arrive $0xFFFF;
	s2 =	simm.s32 @!p0 $0x1C02  }
0x196: {  	[timem:s3], [sflag:s2] =	dma.local @!p0 [hbm:s0], s1  }
0x197: {  	s0 =	simm.s32 @!p0 $0x2  }
0x198: {  	_ =	swait.ge @!p0 [sflag:s0], s1  }
0x199: {  	s1 =	ssub.s32 @!p0 $0x0, s1;
	[sflag:s0] =	ssyncset.done @!p0 $0x0  }
0x19a: {  	[sflag:s0] =	ssyncadd.s32 @!p0 s1  }
0x19b: {  	[bflag:$0x3] =	sbarrier.arrive $0xFFFF  }
0x19c: {  	_ =	shalt  }

</sc_bundles>
